<compile_context>
chip_gen: v7x
topology: tpu7x:2x2x1
jax: 0.10.2.dev20260603
libtpu: 0.0.44.dev20260713+nightly
codegen_flags: <defaults>
</compile_context>

<pallas_src>
import functools

import jax
import jax.numpy as jnp
from jax import lax
from jax.experimental import pallas as pl
from jax.experimental.pallas import tpu as pltpu
from jax.experimental.pallas import tpu_sc as plsc

N = 8388608
C = 100000
EPS = 1e-7

NC = 2
NS = 16
NW = NC * NS
PER_W = N // NW
CHUNK = 4096
NCHUNK = PER_W // CHUNK
GROUPS = CHUNK // 16
CHUNK_H = 8192
NCHUNK_H = PER_W // CHUNK_H
GROUPS_H = CHUNK_H // 16
LANES = 16

_mesh = plsc.VectorSubcoreMesh(core_axis_name="c", subcore_axis_name="s")
_sc_params = pltpu.CompilerParams(needs_layout_passes=False)


def _worker_id():
  return lax.axis_index("s") * NC + lax.axis_index("c")


@functools.partial(
    pl.kernel,
    out_type=jax.ShapeDtypeStruct((NW, C), jnp.int32),
    mesh=_mesh,
    compiler_params=_sc_params,
    scratch_types=[
        pltpu.VMEM((CHUNK_H,), jnp.int32),
        pltpu.VMEM((CHUNK_H,), jnp.int32),
        pltpu.VMEM((C,), jnp.int32),
        pltpu.SemaphoreType.DMA((2,)),
    ],
)
def _hist_kernel(x_hbm, part_hbm, inbuf0, inbuf1, hist, sem_in):
  inbuf = (inbuf0, inbuf1)
  wid = _worker_id()
  base = pl.multiple_of(wid * PER_W, CHUNK_H)

  def start_in(j, b):
    pltpu.async_copy(
        x_hbm.at[pl.ds(base + j * CHUNK_H, CHUNK_H)], inbuf[b], sem_in.at[b]
    )

  def wait_in(b):
    pltpu.make_async_copy(
        x_hbm.at[pl.ds(base, CHUNK_H)], inbuf[b], sem_in.at[b]
    ).wait()

  for b in range(2):
    start_in(b, b)

  zeros = jnp.zeros((LANES,), jnp.int32)

  @plsc.parallel_loop(0, C // LANES, unroll=8)
  def _zero(i):
    hist[pl.ds(i * LANES, LANES)] = zeros

  def process(b):
    buf = inbuf[b]

    ones = jnp.ones((LANES,), jnp.int32)

    @plsc.parallel_loop(0, GROUPS_H, unroll=16)
    def _grp(g):
      idx = buf[pl.ds(g * LANES, LANES)]
      plsc.addupdate_scatter(hist, [idx], ones)

  def outer(jj, _):
    for b in range(2):
      j = jj * 2 + b
      wait_in(b)
      process(b)
      start_in(j + 2, b)
    return 0

  lax.fori_loop(0, NCHUNK_H // 2 - 1, outer, 0)

  for b in range(2):
    wait_in(b)
    process(b)

  pltpu.sync_copy(hist, part_hbm.at[wid])


def _inv_body(part_ref, inv_ref):
  counts = jnp.sum(part_ref[...], axis=0).astype(jnp.float32)
  inv_ref[...] = 1.0 / jnp.maximum(counts, EPS)


_inv_call = pl.pallas_call(
    _inv_body,
    out_shape=jax.ShapeDtypeStruct((C,), jnp.float32),
)


CHUNK_I = 8192
NCHUNK_I = PER_W // CHUNK_I
HGROUPS = CHUNK // 16


@functools.partial(
    pl.kernel,
    out_type=jax.ShapeDtypeStruct((N,), jnp.float32),
    mesh=_mesh,
    compiler_params=_sc_params,
    scratch_types=[
        pltpu.VMEM((C,), jnp.float32),
        pltpu.VMEM((CHUNK_I,), jnp.int32),
        pltpu.VMEM((CHUNK_I,), jnp.int32),
        pltpu.VMEM((CHUNK,), jnp.float32),
        pltpu.VMEM((CHUNK,), jnp.float32),
        pltpu.VMEM_SHARED((C,), jnp.float32),
        pltpu.SemaphoreType.DMA((2,)),
        pltpu.SemaphoreType.DMA((2,)),
    ],
)
def _gather_kernel(inv_hbm, x_hbm, out_hbm, table, inbuf0, inbuf1, outbuf0,
                   outbuf1, shared_tab, sem_in, sem_out):
  inbuf = (inbuf0, inbuf1)
  outbuf = (outbuf0, outbuf1)
  wid = _worker_id()
  base = pl.multiple_of(wid * PER_W, CHUNK_I)

  def start_in(j, b):
    pltpu.async_copy(
        x_hbm.at[pl.ds(base + j * CHUNK_I, CHUNK_I)], inbuf[b], sem_in.at[b]
    )

  def wait_in(b):
    pltpu.make_async_copy(
        x_hbm.at[pl.ds(base, CHUNK_I)], inbuf[b], sem_in.at[b]
    ).wait()

  def start_out(jh, h):
    pltpu.async_copy(
        outbuf[h], out_hbm.at[pl.ds(base + jh * CHUNK, CHUNK)], sem_out.at[h]
    )

  def wait_out(h):
    pltpu.make_async_copy(
        outbuf[h], out_hbm.at[pl.ds(base, CHUNK)], sem_out.at[h]
    ).wait()

  def process_half(b, h):
    ibuf = inbuf[b]
    obuf = outbuf[h]

    @plsc.parallel_loop(0, HGROUPS, unroll=16)
    def _grp(g):
      idx = ibuf[pl.ds((h * HGROUPS + g) * LANES, LANES)]
      obuf[pl.ds(g * LANES, LANES)] = plsc.load_gather(table, [idx])

  for b in range(2):
    start_in(b, b)

  @pl.when(lax.axis_index("s") == 0)
  def _():
    pltpu.sync_copy(inv_hbm, shared_tab)

  plsc.subcore_barrier()
  pltpu.sync_copy(shared_tab, table)

  wait_in(0)
  for h in range(2):
    process_half(0, h)
    start_out(h, h)
  start_in(2, 0)

  def outer(jj, _):
    for b in (1, 0):
      j = 2 * jj + 1 + (1 - b)
      wait_in(b)
      for h in range(2):
        wait_out(h)
        process_half(b, h)
        start_out(2 * j + h, h)
      start_in(j + 2, b)
    return 0

  lax.fori_loop(0, (NCHUNK_I - 4) // 2, outer, 0)

  for j, b, prefetch in ((NCHUNK_I - 3, 1, True), (NCHUNK_I - 2, 0, False),
                         (NCHUNK_I - 1, 1, False)):
    wait_in(b)
    for h in range(2):
      wait_out(h)
      process_half(b, h)
      start_out(2 * j + h, h)
    if prefetch:
      start_in(j + 2, b)

  for h in range(2):
    wait_out(h)


@jax.jit
def kernel(inputs):
  x = inputs.astype(jnp.int32).reshape(-1)
  partials = _hist_kernel(x)
  inv = _inv_call(partials)
  out = _gather_kernel(inv, x)
  return out[:, None]

# --- scband reference (transcript-rebuilt; emitter-appended) ---
"""Pipeline reference for scband-inverse-frequency-30288109371401 (READ-ONLY COPY).

The authoritative reference and input builder live on the scoring server;
editing this copy changes nothing except your own understanding.
"""

import jax, jax.numpy as jnp
import numpy as np

N = 8388608
NUM_CLASSES = 100000
EPS = 1e-7  # keras.backend.epsilon()


def setup_inputs(seed: int = 0) -> dict:
    key = jax.random.key(seed)
    inputs = jax.random.randint(key, (N,), 0, NUM_CLASSES, dtype=jnp.int32)
    return {"inputs": inputs}


def reference(inputs) -> jnp.ndarray:
    # InverseFrequency.call (expand_dims=True)
    x = inputs.astype(jnp.int32).reshape(-1)
    counts = jnp.bincount(x, length=NUM_CLASSES)
    counts = counts.astype(jnp.float32)
    inverse_counts = 1.0 / jnp.maximum(counts, EPS)
    # NOTE: original keras code calls keras.ops.take(inputs, inverse_counts),
    # which has the arguments transposed (float indices are invalid). The
    # intended per-element inverse-frequency lookup is take(inverse_counts, inputs):
    out = jnp.take(inverse_counts, x, axis=0)
    out = jnp.expand_dims(out, axis=-1)  # expand_dims=True
    return out

if __name__ == "__main__":
    import jax
    _d = setup_inputs()
    print(jax.jit(kernel)(*tuple(_d.values())))

</pallas_src>

<mosaic_0001>
#map = affine_map<(d0, d1) -> (0)>
module attributes {stable_mosaic.version = 14 : i64} {
  func.func @_gather_kernel(%arg0: i32, %arg1: i32, %arg2: memref<100000xf32, #tpu.memory_space<hbm>>, %arg3: memref<8388608xi32, #tpu.memory_space<hbm>>, %arg4: memref<8388608xf32, #tpu.memory_space<hbm>>, %arg5: memref<100000xf32, #tpu.memory_space<vmem>>, %arg6: memref<8192xi32, #tpu.memory_space<vmem>>, %arg7: memref<8192xi32, #tpu.memory_space<vmem>>, %arg8: memref<4096xf32, #tpu.memory_space<vmem>>, %arg9: memref<4096xf32, #tpu.memory_space<vmem>>, %arg10: memref<100000xf32, #tpu.memory_space<vmem_shared>>, %arg11: memref<2x!tpu.dma_semaphore, #tpu.memory_space<semaphore_mem>>, %arg12: memref<2x!tpu.dma_semaphore, #tpu.memory_space<semaphore_mem>>) attributes {dimension_semantics = [#tpu.dimension_semantics<core_parallel>, #tpu.dimension_semantics<subcore_parallel>], iteration_bounds = array<i64: 2, 16>, scalar_prefetch = 0 : i64, scratch_operands = 8 : i64, tpu.core_type = #tpu.core_type<sc_vector_subcore>, window_params = [{transform_indices = #map}, {transform_indices = #map}, {transform_indices = #map}]} {
    %mul3A = arith.constant 2 : i32
    %mul3A_0 = arith.muli %arg1, %mul3A : i32
    %add3A = arith.addi %mul3A_0, %arg0 : i32
    %mul3A_1 = arith.constant 262144 : i32
    %mul3A_2 = arith.muli %add3A, %mul3A_1 : i32
    %multiple_of3A = tpu.assume_multiple %mul3A_2, 8192 : i32
    %add3A_3 = arith.constant 0 : i32
    %add3A_4 = arith.addi %multiple_of3A, %add3A_3 : i32
    %dma_start3A = arith.constant 0 : i32
    %dma_start3A_5 = tpu.memref_slice %arg3[%add3A_4] : memref<8388608xi32, #tpu.memory_space<hbm>> -> memref<8192xi32, #tpu.memory_space<hbm>>
    %dma_start3A_6 = tpu.memref_slice %arg11[%dma_start3A] : memref<2x!tpu.dma_semaphore, #tpu.memory_space<semaphore_mem>> -> memref<1x!tpu.dma_semaphore, #tpu.memory_space<semaphore_mem>>
    %dma_start3A_7 = tpu.memref_squeeze %dma_start3A_6 : memref<1x!tpu.dma_semaphore, #tpu.memory_space<semaphore_mem>> -> memref<!tpu.dma_semaphore, #tpu.memory_space<semaphore_mem>>
    %dma_start3A_8 = tpu.memref_slice %arg3[%add3A_4] : memref<8388608xi32, #tpu.memory_space<hbm>> -> memref<8192xi32, #tpu.memory_space<hbm>>
    tpu.enqueue_dma source(%dma_start3A_8 : memref<8192xi32, #tpu.memory_space<hbm>>) target(%arg6 : memref<8192xi32, #tpu.memory_space<vmem>>) target_semaphore(%dma_start3A_7 : memref<!tpu.dma_semaphore, #tpu.memory_space<semaphore_mem>>)
    %add3A_9 = arith.constant 8192 : i32
    %add3A_10 = arith.addi %multiple_of3A, %add3A_9 : i32
    %dma_start3A_11 = arith.constant 1 : i32
    %dma_start3A_12 = tpu.memref_slice %arg3[%add3A_10] : memref<8388608xi32, #tpu.memory_space<hbm>> -> memref<8192xi32, #tpu.memory_space<hbm>>
    %dma_start3A_13 = tpu.memref_slice %arg11[%dma_start3A_11] : memref<2x!tpu.dma_semaphore, #tpu.memory_space<semaphore_mem>> -> memref<1x!tpu.dma_semaphore, #tpu.memory_space<semaphore_mem>>
    %dma_start3A_14 = tpu.memref_squeeze %dma_start3A_13 : memref<1x!tpu.dma_semaphore, #tpu.memory_space<semaphore_mem>> -> memref<!tpu.dma_semaphore, #tpu.memory_space<semaphore_mem>>
    %dma_start3A_15 = tpu.memref_slice %arg3[%add3A_10] : memref<8388608xi32, #tpu.memory_space<hbm>> -> memref<8192xi32, #tpu.memory_space<hbm>>
    tpu.enqueue_dma source(%dma_start3A_15 : memref<8192xi32, #tpu.memory_space<hbm>>) target(%arg7 : memref<8192xi32, #tpu.memory_space<vmem>>) target_semaphore(%dma_start3A_14 : memref<!tpu.dma_semaphore, #tpu.memory_space<semaphore_mem>>)
    %eq3A = arith.constant 0 : i32
    %eq3A_16 = arith.cmpi eq, %arg1, %eq3A : i32
    %convert_element_type3A = arith.extui %eq3A_16 : i1 to i32
    %cond3A = arith.constant 0 : i32
    %cond3A_17 = arith.cmpi ne, %convert_element_type3A, %cond3A : i32
    scf.if %cond3A_17 {
      "tpu.region"() ({
        %run_scoped3A = tpu.sem_alloc : memref<!tpu.dma_semaphore, #tpu.memory_space<semaphore_mem>>
        tpu.enqueue_dma source(%arg2 : memref<100000xf32, #tpu.memory_space<hbm>>) target(%arg10 : memref<100000xf32, #tpu.memory_space<vmem_shared>>) target_semaphore(%run_scoped3A : memref<!tpu.dma_semaphore, #tpu.memory_space<semaphore_mem>>)
        tpu.wait_dma2 semaphore(%run_scoped3A : memref<!tpu.dma_semaphore, #tpu.memory_space<semaphore_mem>>) src(%arg2 : memref<100000xf32, #tpu.memory_space<hbm>>) dst(%arg10 : memref<100000xf32, #tpu.memory_space<vmem_shared>>)
        tpu.yield
      }) : () -> ()
    } else {
    }
    %barrier3A = arith.constant 0 : index
    tpu.barrier barrier_id(%barrier3A)
    "tpu.region"() ({
      %run_scoped3A = tpu.sem_alloc : memref<!tpu.dma_semaphore, #tpu.memory_space<semaphore_mem>>
      tpu.enqueue_dma source(%arg10 : memref<100000xf32, #tpu.memory_space<vmem_shared>>) target(%arg5 : memref<100000xf32, #tpu.memory_space<vmem>>) target_semaphore(%run_scoped3A : memref<!tpu.dma_semaphore, #tpu.memory_space<semaphore_mem>>)
      tpu.wait_dma2 semaphore(%run_scoped3A : memref<!tpu.dma_semaphore, #tpu.memory_space<semaphore_mem>>) src(%arg10 : memref<100000xf32, #tpu.memory_space<vmem_shared>>) dst(%arg5 : memref<100000xf32, #tpu.memory_space<vmem>>)
      tpu.yield
    }) : () -> ()
    %dma_wait3A = arith.constant 0 : i32
    %dma_wait3A_18 = tpu.memref_slice %arg3[%multiple_of3A] : memref<8388608xi32, #tpu.memory_space<hbm>> -> memref<8192xi32, #tpu.memory_space<hbm>>
    %dma_wait3A_19 = tpu.memref_slice %arg11[%dma_wait3A] : memref<2x!tpu.dma_semaphore, #tpu.memory_space<semaphore_mem>> -> memref<1x!tpu.dma_semaphore, #tpu.memory_space<semaphore_mem>>
    %dma_wait3A_20 = tpu.memref_squeeze %dma_wait3A_19 : memref<1x!tpu.dma_semaphore, #tpu.memory_space<semaphore_mem>> -> memref<!tpu.dma_semaphore, #tpu.memory_space<semaphore_mem>>
    %dma_wait3A_21 = tpu.memref_slice %arg3[%multiple_of3A] : memref<8388608xi32, #tpu.memory_space<hbm>> -> memref<8192xi32, #tpu.memory_space<hbm>>
    tpu.wait_dma2 semaphore(%dma_wait3A_20 : memref<!tpu.dma_semaphore, #tpu.memory_space<semaphore_mem>>) src(%dma_wait3A_21 : memref<8192xi32, #tpu.memory_space<hbm>>) dst(%arg6 : memref<8192xi32, #tpu.memory_space<vmem>>)
    %parallel_loop3A = arith.constant 0 : i32
    %parallel_loop3A_22 = arith.constant 256 : i32
    %parallel_loop3A_23 = arith.constant 1 : i32
    scf.for %parallel_loop3A_176 = %parallel_loop3A to %parallel_loop3A_22 step %parallel_loop3A_23  : i32 {
      %parallel_loop3A_177 = arith.constant 0 : i32
      %parallel_loop3A_178 = arith.addi %parallel_loop3A_177, %parallel_loop3A_176 : i32
      %parallel_loop3A_179 = arith.constant 16 : i32
      %parallel_loop3A_180 = arith.muli %parallel_loop3A_178, %parallel_loop3A_179 : i32
      %parallel_loop3A_181 = arith.index_cast %parallel_loop3A_180 : i32 to index
      %parallel_loop3A_182 = tpu.vector_load %arg6[%parallel_loop3A_181] {strides = array<i32>} : memref<8192xi32, #tpu.memory_space<vmem>>, vector<16xi32>,
      %parallel_loop3A_183 = tpu.vector_load_idx %arg5[%parallel_loop3A_182] : memref<100000xf32, #tpu.memory_space<vmem>>[vector<16xi32>], vector<16xf32>,
      %parallel_loop3A_184 = arith.constant 16 : i32
      %parallel_loop3A_185 = arith.muli %parallel_loop3A_176, %parallel_loop3A_184 : i32
      %parallel_loop3A_186 = arith.index_cast %parallel_loop3A_185 : i32 to index
      %parallel_loop3A_187 = tpu.vector_load %arg8[%parallel_loop3A_186] {strides = array<i32>} : memref<4096xf32, #tpu.memory_space<vmem>>, vector<16xf32>,
      tpu.vector_store %arg8[%parallel_loop3A_186], %parallel_loop3A_183 {strides = array<i32>} : memref<4096xf32, #tpu.memory_space<vmem>>, vector<16xf32>,
    } {sc.loop_unroll_factor = 16 : i64, sc.parallel_access}
    %add3A_24 = arith.constant 0 : i32
    %add3A_25 = arith.addi %multiple_of3A, %add3A_24 : i32
    %dma_start3A_26 = arith.constant 0 : i32
    %dma_start3A_27 = tpu.memref_slice %arg4[%add3A_25] : memref<8388608xf32, #tpu.memory_space<hbm>> -> memref<4096xf32, #tpu.memory_space<hbm>>
    %dma_start3A_28 = tpu.memref_slice %arg12[%dma_start3A_26] : memref<2x!tpu.dma_semaphore, #tpu.memory_space<semaphore_mem>> -> memref<1x!tpu.dma_semaphore, #tpu.memory_space<semaphore_mem>>
    %dma_start3A_29 = tpu.memref_squeeze %dma_start3A_28 : memref<1x!tpu.dma_semaphore, #tpu.memory_space<semaphore_mem>> -> memref<!tpu.dma_semaphore, #tpu.memory_space<semaphore_mem>>
    %dma_start3A_30 = tpu.memref_slice %arg4[%add3A_25] : memref<8388608xf32, #tpu.memory_space<hbm>> -> memref<4096xf32, #tpu.memory_space<hbm>>
    tpu.enqueue_dma source(%arg8 : memref<4096xf32, #tpu.memory_space<vmem>>) target(%dma_start3A_30 : memref<4096xf32, #tpu.memory_space<hbm>>) target_semaphore(%dma_start3A_29 : memref<!tpu.dma_semaphore, #tpu.memory_space<semaphore_mem>>)
    %parallel_loop3A_31 = arith.constant 0 : i32
    %parallel_loop3A_32 = arith.constant 256 : i32
    %parallel_loop3A_33 = arith.constant 1 : i32
    scf.for %parallel_loop3A_176 = %parallel_loop3A_31 to %parallel_loop3A_32 step %parallel_loop3A_33  : i32 {
      %parallel_loop3A_177 = arith.constant 256 : i32
      %parallel_loop3A_178 = arith.addi %parallel_loop3A_177, %parallel_loop3A_176 : i32
      %parallel_loop3A_179 = arith.constant 16 : i32
      %parallel_loop3A_180 = arith.muli %parallel_loop3A_178, %parallel_loop3A_179 : i32
      %parallel_loop3A_181 = arith.index_cast %parallel_loop3A_180 : i32 to index
      %parallel_loop3A_182 = tpu.vector_load %arg6[%parallel_loop3A_181] {strides = array<i32>} : memref<8192xi32, #tpu.memory_space<vmem>>, vector<16xi32>,
      %parallel_loop3A_183 = tpu.vector_load_idx %arg5[%parallel_loop3A_182] : memref<100000xf32, #tpu.memory_space<vmem>>[vector<16xi32>], vector<16xf32>,
      %parallel_loop3A_184 = arith.constant 16 : i32
      %parallel_loop3A_185 = arith.muli %parallel_loop3A_176, %parallel_loop3A_184 : i32
      %parallel_loop3A_186 = arith.index_cast %parallel_loop3A_185 : i32 to index
      %parallel_loop3A_187 = tpu.vector_load %arg9[%parallel_loop3A_186] {strides = array<i32>} : memref<4096xf32, #tpu.memory_space<vmem>>, vector<16xf32>,
      tpu.vector_store %arg9[%parallel_loop3A_186], %parallel_loop3A_183 {strides = array<i32>} : memref<4096xf32, #tpu.memory_space<vmem>>, vector<16xf32>,
    } {sc.loop_unroll_factor = 16 : i64, sc.parallel_access}
    %add3A_34 = arith.constant 4096 : i32
    %add3A_35 = arith.addi %multiple_of3A, %add3A_34 : i32
    %dma_start3A_36 = arith.constant 1 : i32
    %dma_start3A_37 = tpu.memref_slice %arg4[%add3A_35] : memref<8388608xf32, #tpu.memory_space<hbm>> -> memref<4096xf32, #tpu.memory_space<hbm>>
    %dma_start3A_38 = tpu.memref_slice %arg12[%dma_start3A_36] : memref<2x!tpu.dma_semaphore, #tpu.memory_space<semaphore_mem>> -> memref<1x!tpu.dma_semaphore, #tpu.memory_space<semaphore_mem>>
    %dma_start3A_39 = tpu.memref_squeeze %dma_start3A_38 : memref<1x!tpu.dma_semaphore, #tpu.memory_space<semaphore_mem>> -> memref<!tpu.dma_semaphore, #tpu.memory_space<semaphore_mem>>
    %dma_start3A_40 = tpu.memref_slice %arg4[%add3A_35] : memref<8388608xf32, #tpu.memory_space<hbm>> -> memref<4096xf32, #tpu.memory_space<hbm>>
    tpu.enqueue_dma source(%arg9 : memref<4096xf32, #tpu.memory_space<vmem>>) target(%dma_start3A_40 : memref<4096xf32, #tpu.memory_space<hbm>>) target_semaphore(%dma_start3A_39 : memref<!tpu.dma_semaphore, #tpu.memory_space<semaphore_mem>>)
    %add3A_41 = arith.constant 16384 : i32
    %add3A_42 = arith.addi %multiple_of3A, %add3A_41 : i32
    %dma_start3A_43 = arith.constant 0 : i32
    %dma_start3A_44 = tpu.memref_slice %arg3[%add3A_42] : memref<8388608xi32, #tpu.memory_space<hbm>> -> memref<8192xi32, #tpu.memory_space<hbm>>
    %dma_start3A_45 = tpu.memref_slice %arg11[%dma_start3A_43] : memref<2x!tpu.dma_semaphore, #tpu.memory_space<semaphore_mem>> -> memref<1x!tpu.dma_semaphore, #tpu.memory_space<semaphore_mem>>
    %dma_start3A_46 = tpu.memref_squeeze %dma_start3A_45 : memref<1x!tpu.dma_semaphore, #tpu.memory_space<semaphore_mem>> -> memref<!tpu.dma_semaphore, #tpu.memory_space<semaphore_mem>>
    %dma_start3A_47 = tpu.memref_slice %arg3[%add3A_42] : memref<8388608xi32, #tpu.memory_space<hbm>> -> memref<8192xi32, #tpu.memory_space<hbm>>
    tpu.enqueue_dma source(%dma_start3A_47 : memref<8192xi32, #tpu.memory_space<hbm>>) target(%arg6 : memref<8192xi32, #tpu.memory_space<vmem>>) target_semaphore(%dma_start3A_46 : memref<!tpu.dma_semaphore, #tpu.memory_space<semaphore_mem>>)
    %scan3A = arith.constant 0 : i32
    %scan3A_48 = arith.constant 0 : i32
    %scan3A_49 = arith.constant 14 : i32
    %scan3A_50 = arith.addi %scan3A_48, %scan3A_49 : i32
    %scan3A_51 = arith.constant 1 : i32
    %scan3A_52 = scf.for %scan3A_176 = %scan3A_48 to %scan3A_50 step %scan3A_51 iter_args(%scan3A_177 = %scan3A) -> (i32)  : i32 {
      %mul3A_178 = arith.constant 2 : i32
      %mul3A_179 = arith.muli %mul3A_178, %scan3A_176 : i32
      %add3A_180 = arith.constant 1 : i32
      %add3A_181 = arith.addi %mul3A_179, %add3A_180 : i32
      %add3A_182 = arith.constant 0 : i32
      %add3A_183 = arith.addi %add3A_181, %add3A_182 : i32
      %dma_wait3A_184 = arith.constant 1 : i32
      %dma_wait3A_185 = tpu.memref_slice %arg3[%multiple_of3A] : memref<8388608xi32, #tpu.memory_space<hbm>> -> memref<8192xi32, #tpu.memory_space<hbm>>
      %dma_wait3A_186 = tpu.memref_slice %arg11[%dma_wait3A_184] : memref<2x!tpu.dma_semaphore, #tpu.memory_space<semaphore_mem>> -> memref<1x!tpu.dma_semaphore, #tpu.memory_space<semaphore_mem>>
      %dma_wait3A_187 = tpu.memref_squeeze %dma_wait3A_186 : memref<1x!tpu.dma_semaphore, #tpu.memory_space<semaphore_mem>> -> memref<!tpu.dma_semaphore, #tpu.memory_space<semaphore_mem>>
      %dma_wait3A_188 = tpu.memref_slice %arg3[%multiple_of3A] : memref<8388608xi32, #tpu.memory_space<hbm>> -> memref<8192xi32, #tpu.memory_space<hbm>>
      tpu.wait_dma2 semaphore(%dma_wait3A_187 : memref<!tpu.dma_semaphore, #tpu.memory_space<semaphore_mem>>) src(%dma_wait3A_188 : memref<8192xi32, #tpu.memory_space<hbm>>) dst(%arg7 : memref<8192xi32, #tpu.memory_space<vmem>>)
      %dma_wait3A_189 = arith.constant 0 : i32
      %dma_wait3A_190 = tpu.memref_slice %arg4[%multiple_of3A] : memref<8388608xf32, #tpu.memory_space<hbm>> -> memref<4096xf32, #tpu.memory_space<hbm>>
      %dma_wait3A_191 = tpu.memref_slice %arg12[%dma_wait3A_189] : memref<2x!tpu.dma_semaphore, #tpu.memory_space<semaphore_mem>> -> memref<1x!tpu.dma_semaphore, #tpu.memory_space<semaphore_mem>>
      %dma_wait3A_192 = tpu.memref_squeeze %dma_wait3A_191 : memref<1x!tpu.dma_semaphore, #tpu.memory_space<semaphore_mem>> -> memref<!tpu.dma_semaphore, #tpu.memory_space<semaphore_mem>>
      %dma_wait3A_193 = tpu.memref_slice %arg4[%multiple_of3A] : memref<8388608xf32, #tpu.memory_space<hbm>> -> memref<4096xf32, #tpu.memory_space<hbm>>
      tpu.wait_dma2 semaphore(%dma_wait3A_192 : memref<!tpu.dma_semaphore, #tpu.memory_space<semaphore_mem>>) src(%arg8 : memref<4096xf32, #tpu.memory_space<vmem>>) dst(%dma_wait3A_193 : memref<4096xf32, #tpu.memory_space<hbm>>)
      %parallel_loop3A_194 = arith.constant 0 : i32
      %parallel_loop3A_195 = arith.constant 256 : i32
      %parallel_loop3A_196 = arith.constant 1 : i32
      scf.for %parallel_loop3A_301 = %parallel_loop3A_194 to %parallel_loop3A_195 step %parallel_loop3A_196  : i32 {
        %parallel_loop3A_302 = arith.constant 0 : i32
        %parallel_loop3A_303 = arith.addi %parallel_loop3A_302, %parallel_loop3A_301 : i32
        %parallel_loop3A_304 = arith.constant 16 : i32
        %parallel_loop3A_305 = arith.muli %parallel_loop3A_303, %parallel_loop3A_304 : i32
        %parallel_loop3A_306 = arith.index_cast %parallel_loop3A_305 : i32 to index
        %parallel_loop3A_307 = tpu.vector_load %arg7[%parallel_loop3A_306] {strides = array<i32>} : memref<8192xi32, #tpu.memory_space<vmem>>, vector<16xi32>,
        %parallel_loop3A_308 = tpu.vector_load_idx %arg5[%parallel_loop3A_307] : memref<100000xf32, #tpu.memory_space<vmem>>[vector<16xi32>], vector<16xf32>,
        %parallel_loop3A_309 = arith.constant 16 : i32
        %parallel_loop3A_310 = arith.muli %parallel_loop3A_301, %parallel_loop3A_309 : i32
        %parallel_loop3A_311 = arith.index_cast %parallel_loop3A_310 : i32 to index
        %parallel_loop3A_312 = tpu.vector_load %arg8[%parallel_loop3A_311] {strides = array<i32>} : memref<4096xf32, #tpu.memory_space<vmem>>, vector<16xf32>,
        tpu.vector_store %arg8[%parallel_loop3A_311], %parallel_loop3A_308 {strides = array<i32>} : memref<4096xf32, #tpu.memory_space<vmem>>, vector<16xf32>,
      } {sc.loop_unroll_factor = 16 : i64, sc.parallel_access}
      %mul3A_197 = arith.constant 2 : i32
      %mul3A_198 = arith.muli %mul3A_197, %add3A_183 : i32
      %add3A_199 = arith.constant 0 : i32
      %add3A_200 = arith.addi %mul3A_198, %add3A_199 : i32
      %mul3A_201 = arith.constant 4096 : i32
      %mul3A_202 = arith.muli %add3A_200, %mul3A_201 : i32
      %add3A_203 = arith.addi %multiple_of3A, %mul3A_202 : i32
      %dma_start3A_204 = arith.constant 0 : i32
      %dma_start3A_205 = tpu.memref_slice %arg4[%add3A_203] : memref<8388608xf32, #tpu.memory_space<hbm>> -> memref<4096xf32, #tpu.memory_space<hbm>>
      %dma_start3A_206 = tpu.memref_slice %arg12[%dma_start3A_204] : memref<2x!tpu.dma_semaphore, #tpu.memory_space<semaphore_mem>> -> memref<1x!tpu.dma_semaphore, #tpu.memory_space<semaphore_mem>>
      %dma_start3A_207 = tpu.memref_squeeze %dma_start3A_206 : memref<1x!tpu.dma_semaphore, #tpu.memory_space<semaphore_mem>> -> memref<!tpu.dma_semaphore, #tpu.memory_space<semaphore_mem>>
      %dma_start3A_208 = tpu.memref_slice %arg4[%add3A_203] : memref<8388608xf32, #tpu.memory_space<hbm>> -> memref<4096xf32, #tpu.memory_space<hbm>>
      tpu.enqueue_dma source(%arg8 : memref<4096xf32, #tpu.memory_space<vmem>>) target(%dma_start3A_208 : memref<4096xf32, #tpu.memory_space<hbm>>) target_semaphore(%dma_start3A_207 : memref<!tpu.dma_semaphore, #tpu.memory_space<semaphore_mem>>)
      %dma_wait3A_209 = arith.constant 1 : i32
      %dma_wait3A_210 = tpu.memref_slice %arg4[%multiple_of3A] : memref<8388608xf32, #tpu.memory_space<hbm>> -> memref<4096xf32, #tpu.memory_space<hbm>>
      %dma_wait3A_211 = tpu.memref_slice %arg12[%dma_wait3A_209] : memref<2x!tpu.dma_semaphore, #tpu.memory_space<semaphore_mem>> -> memref<1x!tpu.dma_semaphore, #tpu.memory_space<semaphore_mem>>
      %dma_wait3A_212 = tpu.memref_squeeze %dma_wait3A_211 : memref<1x!tpu.dma_semaphore, #tpu.memory_space<semaphore_mem>> -> memref<!tpu.dma_semaphore, #tpu.memory_space<semaphore_mem>>
      %dma_wait3A_213 = tpu.memref_slice %arg4[%multiple_of3A] : memref<8388608xf32, #tpu.memory_space<hbm>> -> memref<4096xf32, #tpu.memory_space<hbm>>
      tpu.wait_dma2 semaphore(%dma_wait3A_212 : memref<!tpu.dma_semaphore, #tpu.memory_space<semaphore_mem>>) src(%arg9 : memref<4096xf32, #tpu.memory_space<vmem>>) dst(%dma_wait3A_213 : memref<4096xf32, #tpu.memory_space<hbm>>)
      %parallel_loop3A_214 = arith.constant 0 : i32
      %parallel_loop3A_215 = arith.constant 256 : i32
      %parallel_loop3A_216 = arith.constant 1 : i32
      scf.for %parallel_loop3A_301 = %parallel_loop3A_214 to %parallel_loop3A_215 step %parallel_loop3A_216  : i32 {
        %parallel_loop3A_302 = arith.constant 256 : i32
        %parallel_loop3A_303 = arith.addi %parallel_loop3A_302, %parallel_loop3A_301 : i32
        %parallel_loop3A_304 = arith.constant 16 : i32
        %parallel_loop3A_305 = arith.muli %parallel_loop3A_303, %parallel_loop3A_304 : i32
        %parallel_loop3A_306 = arith.index_cast %parallel_loop3A_305 : i32 to index
        %parallel_loop3A_307 = tpu.vector_load %arg7[%parallel_loop3A_306] {strides = array<i32>} : memref<8192xi32, #tpu.memory_space<vmem>>, vector<16xi32>,
        %parallel_loop3A_308 = tpu.vector_load_idx %arg5[%parallel_loop3A_307] : memref<100000xf32, #tpu.memory_space<vmem>>[vector<16xi32>], vector<16xf32>,
        %parallel_loop3A_309 = arith.constant 16 : i32
        %parallel_loop3A_310 = arith.muli %parallel_loop3A_301, %parallel_loop3A_309 : i32
        %parallel_loop3A_311 = arith.index_cast %parallel_loop3A_310 : i32 to index
        %parallel_loop3A_312 = tpu.vector_load %arg9[%parallel_loop3A_311] {strides = array<i32>} : memref<4096xf32, #tpu.memory_space<vmem>>, vector<16xf32>,
        tpu.vector_store %arg9[%parallel_loop3A_311], %parallel_loop3A_308 {strides = array<i32>} : memref<4096xf32, #tpu.memory_space<vmem>>, vector<16xf32>,
      } {sc.loop_unroll_factor = 16 : i64, sc.parallel_access}
      %mul3A_217 = arith.constant 2 : i32
      %mul3A_218 = arith.muli %mul3A_217, %add3A_183 : i32
      %add3A_219 = arith.constant 1 : i32
      %add3A_220 = arith.addi %mul3A_218, %add3A_219 : i32
      %mul3A_221 = arith.constant 4096 : i32
      %mul3A_222 = arith.muli %add3A_220, %mul3A_221 : i32
      %add3A_223 = arith.addi %multiple_of3A, %mul3A_222 : i32
      %dma_start3A_224 = arith.constant 1 : i32
      %dma_start3A_225 = tpu.memref_slice %arg4[%add3A_223] : memref<8388608xf32, #tpu.memory_space<hbm>> -> memref<4096xf32, #tpu.memory_space<hbm>>
      %dma_start3A_226 = tpu.memref_slice %arg12[%dma_start3A_224] : memref<2x!tpu.dma_semaphore, #tpu.memory_space<semaphore_mem>> -> memref<1x!tpu.dma_semaphore, #tpu.memory_space<semaphore_mem>>
      %dma_start3A_227 = tpu.memref_squeeze %dma_start3A_226 : memref<1x!tpu.dma_semaphore, #tpu.memory_space<semaphore_mem>> -> memref<!tpu.dma_semaphore, #tpu.memory_space<semaphore_mem>>
      %dma_start3A_228 = tpu.memref_slice %arg4[%add3A_223] : memref<8388608xf32, #tpu.memory_space<hbm>> -> memref<4096xf32, #tpu.memory_space<hbm>>
      tpu.enqueue_dma source(%arg9 : memref<4096xf32, #tpu.memory_space<vmem>>) target(%dma_start3A_228 : memref<4096xf32, #tpu.memory_space<hbm>>) target_semaphore(%dma_start3A_227 : memref<!tpu.dma_semaphore, #tpu.memory_space<semaphore_mem>>)
      %add3A_229 = arith.constant 2 : i32
      %add3A_230 = arith.addi %add3A_183, %add3A_229 : i32
      %mul3A_231 = arith.constant 8192 : i32
      %mul3A_232 = arith.muli %add3A_230, %mul3A_231 : i32
      %add3A_233 = arith.addi %multiple_of3A, %mul3A_232 : i32
      %dma_start3A_234 = arith.constant 1 : i32
      %dma_start3A_235 = tpu.memref_slice %arg3[%add3A_233] : memref<8388608xi32, #tpu.memory_space<hbm>> -> memref<8192xi32, #tpu.memory_space<hbm>>
      %dma_start3A_236 = tpu.memref_slice %arg11[%dma_start3A_234] : memref<2x!tpu.dma_semaphore, #tpu.memory_space<semaphore_mem>> -> memref<1x!tpu.dma_semaphore, #tpu.memory_space<semaphore_mem>>
      %dma_start3A_237 = tpu.memref_squeeze %dma_start3A_236 : memref<1x!tpu.dma_semaphore, #tpu.memory_space<semaphore_mem>> -> memref<!tpu.dma_semaphore, #tpu.memory_space<semaphore_mem>>
      %dma_start3A_238 = tpu.memref_slice %arg3[%add3A_233] : memref<8388608xi32, #tpu.memory_space<hbm>> -> memref<8192xi32, #tpu.memory_space<hbm>>
      tpu.enqueue_dma source(%dma_start3A_238 : memref<8192xi32, #tpu.memory_space<hbm>>) target(%arg7 : memref<8192xi32, #tpu.memory_space<vmem>>) target_semaphore(%dma_start3A_237 : memref<!tpu.dma_semaphore, #tpu.memory_space<semaphore_mem>>)
      %mul3A_239 = arith.constant 2 : i32
      %mul3A_240 = arith.muli %mul3A_239, %scan3A_176 : i32
      %add3A_241 = arith.constant 1 : i32
      %add3A_242 = arith.addi %mul3A_240, %add3A_241 : i32
      %add3A_243 = arith.constant 1 : i32
      %add3A_244 = arith.addi %add3A_242, %add3A_243 : i32
      %dma_wait3A_245 = arith.constant 0 : i32
      %dma_wait3A_246 = tpu.memref_slice %arg3[%multiple_of3A] : memref<8388608xi32, #tpu.memory_space<hbm>> -> memref<8192xi32, #tpu.memory_space<hbm>>
      %dma_wait3A_247 = tpu.memref_slice %arg11[%dma_wait3A_245] : memref<2x!tpu.dma_semaphore, #tpu.memory_space<semaphore_mem>> -> memref<1x!tpu.dma_semaphore, #tpu.memory_space<semaphore_mem>>
      %dma_wait3A_248 = tpu.memref_squeeze %dma_wait3A_247 : memref<1x!tpu.dma_semaphore, #tpu.memory_space<semaphore_mem>> -> memref<!tpu.dma_semaphore, #tpu.memory_space<semaphore_mem>>
      %dma_wait3A_249 = tpu.memref_slice %arg3[%multiple_of3A] : memref<8388608xi32, #tpu.memory_space<hbm>> -> memref<8192xi32, #tpu.memory_space<hbm>>
      tpu.wait_dma2 semaphore(%dma_wait3A_248 : memref<!tpu.dma_semaphore, #tpu.memory_space<semaphore_mem>>) src(%dma_wait3A_249 : memref<8192xi32, #tpu.memory_space<hbm>>) dst(%arg6 : memref<8192xi32, #tpu.memory_space<vmem>>)
      %dma_wait3A_250 = arith.constant 0 : i32
      %dma_wait3A_251 = tpu.memref_slice %arg4[%multiple_of3A] : memref<8388608xf32, #tpu.memory_space<hbm>> -> memref<4096xf32, #tpu.memory_space<hbm>>
      %dma_wait3A_252 = tpu.memref_slice %arg12[%dma_wait3A_250] : memref<2x!tpu.dma_semaphore, #tpu.memory_space<semaphore_mem>> -> memref<1x!tpu.dma_semaphore, #tpu.memory_space<semaphore_mem>>
      %dma_wait3A_253 = tpu.memref_squeeze %dma_wait3A_252 : memref<1x!tpu.dma_semaphore, #tpu.memory_space<semaphore_mem>> -> memref<!tpu.dma_semaphore, #tpu.memory_space<semaphore_mem>>
      %dma_wait3A_254 = tpu.memref_slice %arg4[%multiple_of3A] : memref<8388608xf32, #tpu.memory_space<hbm>> -> memref<4096xf32, #tpu.memory_space<hbm>>
      tpu.wait_dma2 semaphore(%dma_wait3A_253 : memref<!tpu.dma_semaphore, #tpu.memory_space<semaphore_mem>>) src(%arg8 : memref<4096xf32, #tpu.memory_space<vmem>>) dst(%dma_wait3A_254 : memref<4096xf32, #tpu.memory_space<hbm>>)
      %parallel_loop3A_255 = arith.constant 0 : i32
      %parallel_loop3A_256 = arith.constant 256 : i32
      %parallel_loop3A_257 = arith.constant 1 : i32
      scf.for %parallel_loop3A_301 = %parallel_loop3A_255 to %parallel_loop3A_256 step %parallel_loop3A_257  : i32 {
        %parallel_loop3A_302 = arith.constant 0 : i32
        %parallel_loop3A_303 = arith.addi %parallel_loop3A_302, %parallel_loop3A_301 : i32
        %parallel_loop3A_304 = arith.constant 16 : i32
        %parallel_loop3A_305 = arith.muli %parallel_loop3A_303, %parallel_loop3A_304 : i32
        %parallel_loop3A_306 = arith.index_cast %parallel_loop3A_305 : i32 to index
        %parallel_loop3A_307 = tpu.vector_load %arg6[%parallel_loop3A_306] {strides = array<i32>} : memref<8192xi32, #tpu.memory_space<vmem>>, vector<16xi32>,
        %parallel_loop3A_308 = tpu.vector_load_idx %arg5[%parallel_loop3A_307] : memref<100000xf32, #tpu.memory_space<vmem>>[vector<16xi32>], vector<16xf32>,
        %parallel_loop3A_309 = arith.constant 16 : i32
        %parallel_loop3A_310 = arith.muli %parallel_loop3A_301, %parallel_loop3A_309 : i32
        %parallel_loop3A_311 = arith.index_cast %parallel_loop3A_310 : i32 to index
        %parallel_loop3A_312 = tpu.vector_load %arg8[%parallel_loop3A_311] {strides = array<i32>} : memref<4096xf32, #tpu.memory_space<vmem>>, vector<16xf32>,
        tpu.vector_store %arg8[%parallel_loop3A_311], %parallel_loop3A_308 {strides = array<i32>} : memref<4096xf32, #tpu.memory_space<vmem>>, vector<16xf32>,
      } {sc.loop_unroll_factor = 16 : i64, sc.parallel_access}
      %mul3A_258 = arith.constant 2 : i32
      %mul3A_259 = arith.muli %mul3A_258, %add3A_244 : i32
      %add3A_260 = arith.constant 0 : i32
      %add3A_261 = arith.addi %mul3A_259, %add3A_260 : i32
      %mul3A_262 = arith.constant 4096 : i32
      %mul3A_263 = arith.muli %add3A_261, %mul3A_262 : i32
      %add3A_264 = arith.addi %multiple_of3A, %mul3A_263 : i32
      %dma_start3A_265 = arith.constant 0 : i32
      %dma_start3A_266 = tpu.memref_slice %arg4[%add3A_264] : memref<8388608xf32, #tpu.memory_space<hbm>> -> memref<4096xf32, #tpu.memory_space<hbm>>
      %dma_start3A_267 = tpu.memref_slice %arg12[%dma_start3A_265] : memref<2x!tpu.dma_semaphore, #tpu.memory_space<semaphore_mem>> -> memref<1x!tpu.dma_semaphore, #tpu.memory_space<semaphore_mem>>
      %dma_start3A_268 = tpu.memref_squeeze %dma_start3A_267 : memref<1x!tpu.dma_semaphore, #tpu.memory_space<semaphore_mem>> -> memref<!tpu.dma_semaphore, #tpu.memory_space<semaphore_mem>>
      %dma_start3A_269 = tpu.memref_slice %arg4[%add3A_264] : memref<8388608xf32, #tpu.memory_space<hbm>> -> memref<4096xf32, #tpu.memory_space<hbm>>
      tpu.enqueue_dma source(%arg8 : memref<4096xf32, #tpu.memory_space<vmem>>) target(%dma_start3A_269 : memref<4096xf32, #tpu.memory_space<hbm>>) target_semaphore(%dma_start3A_268 : memref<!tpu.dma_semaphore, #tpu.memory_space<semaphore_mem>>)
      %dma_wait3A_270 = arith.constant 1 : i32
      %dma_wait3A_271 = tpu.memref_slice %arg4[%multiple_of3A] : memref<8388608xf32, #tpu.memory_space<hbm>> -> memref<4096xf32, #tpu.memory_space<hbm>>
      %dma_wait3A_272 = tpu.memref_slice %arg12[%dma_wait3A_270] : memref<2x!tpu.dma_semaphore, #tpu.memory_space<semaphore_mem>> -> memref<1x!tpu.dma_semaphore, #tpu.memory_space<semaphore_mem>>
      %dma_wait3A_273 = tpu.memref_squeeze %dma_wait3A_272 : memref<1x!tpu.dma_semaphore, #tpu.memory_space<semaphore_mem>> -> memref<!tpu.dma_semaphore, #tpu.memory_space<semaphore_mem>>
      %dma_wait3A_274 = tpu.memref_slice %arg4[%multiple_of3A] : memref<8388608xf32, #tpu.memory_space<hbm>> -> memref<4096xf32, #tpu.memory_space<hbm>>
      tpu.wait_dma2 semaphore(%dma_wait3A_273 : memref<!tpu.dma_semaphore, #tpu.memory_space<semaphore_mem>>) src(%arg9 : memref<4096xf32, #tpu.memory_space<vmem>>) dst(%dma_wait3A_274 : memref<4096xf32, #tpu.memory_space<hbm>>)
      %parallel_loop3A_275 = arith.constant 0 : i32
      %parallel_loop3A_276 = arith.constant 256 : i32
      %parallel_loop3A_277 = arith.constant 1 : i32
      scf.for %parallel_loop3A_301 = %parallel_loop3A_275 to %parallel_loop3A_276 step %parallel_loop3A_277  : i32 {
        %parallel_loop3A_302 = arith.constant 256 : i32
        %parallel_loop3A_303 = arith.addi %parallel_loop3A_302, %parallel_loop3A_301 : i32
        %parallel_loop3A_304 = arith.constant 16 : i32
        %parallel_loop3A_305 = arith.muli %parallel_loop3A_303, %parallel_loop3A_304 : i32
        %parallel_loop3A_306 = arith.index_cast %parallel_loop3A_305 : i32 to index
        %parallel_loop3A_307 = tpu.vector_load %arg6[%parallel_loop3A_306] {strides = array<i32>} : memref<8192xi32, #tpu.memory_space<vmem>>, vector<16xi32>,
        %parallel_loop3A_308 = tpu.vector_load_idx %arg5[%parallel_loop3A_307] : memref<100000xf32, #tpu.memory_space<vmem>>[vector<16xi32>], vector<16xf32>,
        %parallel_loop3A_309 = arith.constant 16 : i32
        %parallel_loop3A_310 = arith.muli %parallel_loop3A_301, %parallel_loop3A_309 : i32
        %parallel_loop3A_311 = arith.index_cast %parallel_loop3A_310 : i32 to index
        %parallel_loop3A_312 = tpu.vector_load %arg9[%parallel_loop3A_311] {strides = array<i32>} : memref<4096xf32, #tpu.memory_space<vmem>>, vector<16xf32>,
        tpu.vector_store %arg9[%parallel_loop3A_311], %parallel_loop3A_308 {strides = array<i32>} : memref<4096xf32, #tpu.memory_space<vmem>>, vector<16xf32>,
      } {sc.loop_unroll_factor = 16 : i64, sc.parallel_access}
      %mul3A_278 = arith.constant 2 : i32
      %mul3A_279 = arith.muli %mul3A_278, %add3A_244 : i32
      %add3A_280 = arith.constant 1 : i32
      %add3A_281 = arith.addi %mul3A_279, %add3A_280 : i32
      %mul3A_282 = arith.constant 4096 : i32
      %mul3A_283 = arith.muli %add3A_281, %mul3A_282 : i32
      %add3A_284 = arith.addi %multiple_of3A, %mul3A_283 : i32
      %dma_start3A_285 = arith.constant 1 : i32
      %dma_start3A_286 = tpu.memref_slice %arg4[%add3A_284] : memref<8388608xf32, #tpu.memory_space<hbm>> -> memref<4096xf32, #tpu.memory_space<hbm>>
      %dma_start3A_287 = tpu.memref_slice %arg12[%dma_start3A_285] : memref<2x!tpu.dma_semaphore, #tpu.memory_space<semaphore_mem>> -> memref<1x!tpu.dma_semaphore, #tpu.memory_space<semaphore_mem>>
      %dma_start3A_288 = tpu.memref_squeeze %dma_start3A_287 : memref<1x!tpu.dma_semaphore, #tpu.memory_space<semaphore_mem>> -> memref<!tpu.dma_semaphore, #tpu.memory_space<semaphore_mem>>
      %dma_start3A_289 = tpu.memref_slice %arg4[%add3A_284] : memref<8388608xf32, #tpu.memory_space<hbm>> -> memref<4096xf32, #tpu.memory_space<hbm>>
      tpu.enqueue_dma source(%arg9 : memref<4096xf32, #tpu.memory_space<vmem>>) target(%dma_start3A_289 : memref<4096xf32, #tpu.memory_space<hbm>>) target_semaphore(%dma_start3A_288 : memref<!tpu.dma_semaphore, #tpu.memory_space<semaphore_mem>>)
      %add3A_290 = arith.constant 2 : i32
      %add3A_291 = arith.addi %add3A_244, %add3A_290 : i32
      %mul3A_292 = arith.constant 8192 : i32
      %mul3A_293 = arith.muli %add3A_291, %mul3A_292 : i32
      %add3A_294 = arith.addi %multiple_of3A, %mul3A_293 : i32
      %dma_start3A_295 = arith.constant 0 : i32
      %dma_start3A_296 = tpu.memref_slice %arg3[%add3A_294] : memref<8388608xi32, #tpu.memory_space<hbm>> -> memref<8192xi32, #tpu.memory_space<hbm>>
      %dma_start3A_297 = tpu.memref_slice %arg11[%dma_start3A_295] : memref<2x!tpu.dma_semaphore, #tpu.memory_space<semaphore_mem>> -> memref<1x!tpu.dma_semaphore, #tpu.memory_space<semaphore_mem>>
      %dma_start3A_298 = tpu.memref_squeeze %dma_start3A_297 : memref<1x!tpu.dma_semaphore, #tpu.memory_space<semaphore_mem>> -> memref<!tpu.dma_semaphore, #tpu.memory_space<semaphore_mem>>
      %dma_start3A_299 = tpu.memref_slice %arg3[%add3A_294] : memref<8388608xi32, #tpu.memory_space<hbm>> -> memref<8192xi32, #tpu.memory_space<hbm>>
      tpu.enqueue_dma source(%dma_start3A_299 : memref<8192xi32, #tpu.memory_space<hbm>>) target(%arg6 : memref<8192xi32, #tpu.memory_space<vmem>>) target_semaphore(%dma_start3A_298 : memref<!tpu.dma_semaphore, #tpu.memory_space<semaphore_mem>>)
      %scan3A_300 = arith.constant 0 : i32
      scf.yield %scan3A_300 : i32
    }
    %scan3A_53 = arith.constant 14 : i32
    %dma_wait3A_54 = arith.constant 1 : i32
    %dma_wait3A_55 = tpu.memref_slice %arg3[%multiple_of3A] : memref<8388608xi32, #tpu.memory_space<hbm>> -> memref<8192xi32, #tpu.memory_space<hbm>>
    %dma_wait3A_56 = tpu.memref_slice %arg11[%dma_wait3A_54] : memref<2x!tpu.dma_semaphore, #tpu.memory_space<semaphore_mem>> -> memref<1x!tpu.dma_semaphore, #tpu.memory_space<semaphore_mem>>
    %dma_wait3A_57 = tpu.memref_squeeze %dma_wait3A_56 : memref<1x!tpu.dma_semaphore, #tpu.memory_space<semaphore_mem>> -> memref<!tpu.dma_semaphore, #tpu.memory_space<semaphore_mem>>
    %dma_wait3A_58 = tpu.memref_slice %arg3[%multiple_of3A] : memref<8388608xi32, #tpu.memory_space<hbm>> -> memref<8192xi32, #tpu.memory_space<hbm>>
    tpu.wait_dma2 semaphore(%dma_wait3A_57 : memref<!tpu.dma_semaphore, #tpu.memory_space<semaphore_mem>>) src(%dma_wait3A_58 : memref<8192xi32, #tpu.memory_space<hbm>>) dst(%arg7 : memref<8192xi32, #tpu.memory_space<vmem>>)
    %dma_wait3A_59 = arith.constant 0 : i32
    %dma_wait3A_60 = tpu.memref_slice %arg4[%multiple_of3A] : memref<8388608xf32, #tpu.memory_space<hbm>> -> memref<4096xf32, #tpu.memory_space<hbm>>
    %dma_wait3A_61 = tpu.memref_slice %arg12[%dma_wait3A_59] : memref<2x!tpu.dma_semaphore, #tpu.memory_space<semaphore_mem>> -> memref<1x!tpu.dma_semaphore, #tpu.memory_space<semaphore_mem>>
    %dma_wait3A_62 = tpu.memref_squeeze %dma_wait3A_61 : memref<1x!tpu.dma_semaphore, #tpu.memory_space<semaphore_mem>> -> memref<!tpu.dma_semaphore, #tpu.memory_space<semaphore_mem>>
    %dma_wait3A_63 = tpu.memref_slice %arg4[%multiple_of3A] : memref<8388608xf32, #tpu.memory_space<hbm>> -> memref<4096xf32, #tpu.memory_space<hbm>>
    tpu.wait_dma2 semaphore(%dma_wait3A_62 : memref<!tpu.dma_semaphore, #tpu.memory_space<semaphore_mem>>) src(%arg8 : memref<4096xf32, #tpu.memory_space<vmem>>) dst(%dma_wait3A_63 : memref<4096xf32, #tpu.memory_space<hbm>>)
    %parallel_loop3A_64 = arith.constant 0 : i32
    %parallel_loop3A_65 = arith.constant 256 : i32
    %parallel_loop3A_66 = arith.constant 1 : i32
    scf.for %parallel_loop3A_176 = %parallel_loop3A_64 to %parallel_loop3A_65 step %parallel_loop3A_66  : i32 {
      %parallel_loop3A_177 = arith.constant 0 : i32
      %parallel_loop3A_178 = arith.addi %parallel_loop3A_177, %parallel_loop3A_176 : i32
      %parallel_loop3A_179 = arith.constant 16 : i32
      %parallel_loop3A_180 = arith.muli %parallel_loop3A_178, %parallel_loop3A_179 : i32
      %parallel_loop3A_181 = arith.index_cast %parallel_loop3A_180 : i32 to index
      %parallel_loop3A_182 = tpu.vector_load %arg7[%parallel_loop3A_181] {strides = array<i32>} : memref<8192xi32, #tpu.memory_space<vmem>>, vector<16xi32>,
      %parallel_loop3A_183 = tpu.vector_load_idx %arg5[%parallel_loop3A_182] : memref<100000xf32, #tpu.memory_space<vmem>>[vector<16xi32>], vector<16xf32>,
      %parallel_loop3A_184 = arith.constant 16 : i32
      %parallel_loop3A_185 = arith.muli %parallel_loop3A_176, %parallel_loop3A_184 : i32
      %parallel_loop3A_186 = arith.index_cast %parallel_loop3A_185 : i32 to index
      %parallel_loop3A_187 = tpu.vector_load %arg8[%parallel_loop3A_186] {strides = array<i32>} : memref<4096xf32, #tpu.memory_space<vmem>>, vector<16xf32>,
      tpu.vector_store %arg8[%parallel_loop3A_186], %parallel_loop3A_183 {strides = array<i32>} : memref<4096xf32, #tpu.memory_space<vmem>>, vector<16xf32>,
    } {sc.loop_unroll_factor = 16 : i64, sc.parallel_access}
    %add3A_67 = arith.constant 237568 : i32
    %add3A_68 = arith.addi %multiple_of3A, %add3A_67 : i32
    %dma_start3A_69 = arith.constant 0 : i32
    %dma_start3A_70 = tpu.memref_slice %arg4[%add3A_68] : memref<8388608xf32, #tpu.memory_space<hbm>> -> memref<4096xf32, #tpu.memory_space<hbm>>
    %dma_start3A_71 = tpu.memref_slice %arg12[%dma_start3A_69] : memref<2x!tpu.dma_semaphore, #tpu.memory_space<semaphore_mem>> -> memref<1x!tpu.dma_semaphore, #tpu.memory_space<semaphore_mem>>
    %dma_start3A_72 = tpu.memref_squeeze %dma_start3A_71 : memref<1x!tpu.dma_semaphore, #tpu.memory_space<semaphore_mem>> -> memref<!tpu.dma_semaphore, #tpu.memory_space<semaphore_mem>>
    %dma_start3A_73 = tpu.memref_slice %arg4[%add3A_68] : memref<8388608xf32, #tpu.memory_space<hbm>> -> memref<4096xf32, #tpu.memory_space<hbm>>
    tpu.enqueue_dma source(%arg8 : memref<4096xf32, #tpu.memory_space<vmem>>) target(%dma_start3A_73 : memref<4096xf32, #tpu.memory_space<hbm>>) target_semaphore(%dma_start3A_72 : memref<!tpu.dma_semaphore, #tpu.memory_space<semaphore_mem>>)
    %dma_wait3A_74 = arith.constant 1 : i32
    %dma_wait3A_75 = tpu.memref_slice %arg4[%multiple_of3A] : memref<8388608xf32, #tpu.memory_space<hbm>> -> memref<4096xf32, #tpu.memory_space<hbm>>
    %dma_wait3A_76 = tpu.memref_slice %arg12[%dma_wait3A_74] : memref<2x!tpu.dma_semaphore, #tpu.memory_space<semaphore_mem>> -> memref<1x!tpu.dma_semaphore, #tpu.memory_space<semaphore_mem>>
    %dma_wait3A_77 = tpu.memref_squeeze %dma_wait3A_76 : memref<1x!tpu.dma_semaphore, #tpu.memory_space<semaphore_mem>> -> memref<!tpu.dma_semaphore, #tpu.memory_space<semaphore_mem>>
    %dma_wait3A_78 = tpu.memref_slice %arg4[%multiple_of3A] : memref<8388608xf32, #tpu.memory_space<hbm>> -> memref<4096xf32, #tpu.memory_space<hbm>>
    tpu.wait_dma2 semaphore(%dma_wait3A_77 : memref<!tpu.dma_semaphore, #tpu.memory_space<semaphore_mem>>) src(%arg9 : memref<4096xf32, #tpu.memory_space<vmem>>) dst(%dma_wait3A_78 : memref<4096xf32, #tpu.memory_space<hbm>>)
    %parallel_loop3A_79 = arith.constant 0 : i32
    %parallel_loop3A_80 = arith.constant 256 : i32
    %parallel_loop3A_81 = arith.constant 1 : i32
    scf.for %parallel_loop3A_176 = %parallel_loop3A_79 to %parallel_loop3A_80 step %parallel_loop3A_81  : i32 {
      %parallel_loop3A_177 = arith.constant 256 : i32
      %parallel_loop3A_178 = arith.addi %parallel_loop3A_177, %parallel_loop3A_176 : i32
      %parallel_loop3A_179 = arith.constant 16 : i32
      %parallel_loop3A_180 = arith.muli %parallel_loop3A_178, %parallel_loop3A_179 : i32
      %parallel_loop3A_181 = arith.index_cast %parallel_loop3A_180 : i32 to index
      %parallel_loop3A_182 = tpu.vector_load %arg7[%parallel_loop3A_181] {strides = array<i32>} : memref<8192xi32, #tpu.memory_space<vmem>>, vector<16xi32>,
      %parallel_loop3A_183 = tpu.vector_load_idx %arg5[%parallel_loop3A_182] : memref<100000xf32, #tpu.memory_space<vmem>>[vector<16xi32>], vector<16xf32>,
      %parallel_loop3A_184 = arith.constant 16 : i32
      %parallel_loop3A_185 = arith.muli %parallel_loop3A_176, %parallel_loop3A_184 : i32
      %parallel_loop3A_186 = arith.index_cast %parallel_loop3A_185 : i32 to index
      %parallel_loop3A_187 = tpu.vector_load %arg9[%parallel_loop3A_186] {strides = array<i32>} : memref<4096xf32, #tpu.memory_space<vmem>>, vector<16xf32>,
      tpu.vector_store %arg9[%parallel_loop3A_186], %parallel_loop3A_183 {strides = array<i32>} : memref<4096xf32, #tpu.memory_space<vmem>>, vector<16xf32>,
    } {sc.loop_unroll_factor = 16 : i64, sc.parallel_access}
    %add3A_82 = arith.constant 241664 : i32
    %add3A_83 = arith.addi %multiple_of3A, %add3A_82 : i32
    %dma_start3A_84 = arith.constant 1 : i32
    %dma_start3A_85 = tpu.memref_slice %arg4[%add3A_83] : memref<8388608xf32, #tpu.memory_space<hbm>> -> memref<4096xf32, #tpu.memory_space<hbm>>
    %dma_start3A_86 = tpu.memref_slice %arg12[%dma_start3A_84] : memref<2x!tpu.dma_semaphore, #tpu.memory_space<semaphore_mem>> -> memref<1x!tpu.dma_semaphore, #tpu.memory_space<semaphore_mem>>
    %dma_start3A_87 = tpu.memref_squeeze %dma_start3A_86 : memref<1x!tpu.dma_semaphore, #tpu.memory_space<semaphore_mem>> -> memref<!tpu.dma_semaphore, #tpu.memory_space<semaphore_mem>>
    %dma_start3A_88 = tpu.memref_slice %arg4[%add3A_83] : memref<8388608xf32, #tpu.memory_space<hbm>> -> memref<4096xf32, #tpu.memory_space<hbm>>
    tpu.enqueue_dma source(%arg9 : memref<4096xf32, #tpu.memory_space<vmem>>) target(%dma_start3A_88 : memref<4096xf32, #tpu.memory_space<hbm>>) target_semaphore(%dma_start3A_87 : memref<!tpu.dma_semaphore, #tpu.memory_space<semaphore_mem>>)
    %add3A_89 = arith.constant 253952 : i32
    %add3A_90 = arith.addi %multiple_of3A, %add3A_89 : i32
    %dma_start3A_91 = arith.constant 1 : i32
    %dma_start3A_92 = tpu.memref_slice %arg3[%add3A_90] : memref<8388608xi32, #tpu.memory_space<hbm>> -> memref<8192xi32, #tpu.memory_space<hbm>>
    %dma_start3A_93 = tpu.memref_slice %arg11[%dma_start3A_91] : memref<2x!tpu.dma_semaphore, #tpu.memory_space<semaphore_mem>> -> memref<1x!tpu.dma_semaphore, #tpu.memory_space<semaphore_mem>>
    %dma_start3A_94 = tpu.memref_squeeze %dma_start3A_93 : memref<1x!tpu.dma_semaphore, #tpu.memory_space<semaphore_mem>> -> memref<!tpu.dma_semaphore, #tpu.memory_space<semaphore_mem>>
    %dma_start3A_95 = tpu.memref_slice %arg3[%add3A_90] : memref<8388608xi32, #tpu.memory_space<hbm>> -> memref<8192xi32, #tpu.memory_space<hbm>>
    tpu.enqueue_dma source(%dma_start3A_95 : memref<8192xi32, #tpu.memory_space<hbm>>) target(%arg7 : memref<8192xi32, #tpu.memory_space<vmem>>) target_semaphore(%dma_start3A_94 : memref<!tpu.dma_semaphore, #tpu.memory_space<semaphore_mem>>)
    %dma_wait3A_96 = arith.constant 0 : i32
    %dma_wait3A_97 = tpu.memref_slice %arg3[%multiple_of3A] : memref<8388608xi32, #tpu.memory_space<hbm>> -> memref<8192xi32, #tpu.memory_space<hbm>>
    %dma_wait3A_98 = tpu.memref_slice %arg11[%dma_wait3A_96] : memref<2x!tpu.dma_semaphore, #tpu.memory_space<semaphore_mem>> -> memref<1x!tpu.dma_semaphore, #tpu.memory_space<semaphore_mem>>
    %dma_wait3A_99 = tpu.memref_squeeze %dma_wait3A_98 : memref<1x!tpu.dma_semaphore, #tpu.memory_space<semaphore_mem>> -> memref<!tpu.dma_semaphore, #tpu.memory_space<semaphore_mem>>
    %dma_wait3A_100 = tpu.memref_slice %arg3[%multiple_of3A] : memref<8388608xi32, #tpu.memory_space<hbm>> -> memref<8192xi32, #tpu.memory_space<hbm>>
    tpu.wait_dma2 semaphore(%dma_wait3A_99 : memref<!tpu.dma_semaphore, #tpu.memory_space<semaphore_mem>>) src(%dma_wait3A_100 : memref<8192xi32, #tpu.memory_space<hbm>>) dst(%arg6 : memref<8192xi32, #tpu.memory_space<vmem>>)
    %dma_wait3A_101 = arith.constant 0 : i32
    %dma_wait3A_102 = tpu.memref_slice %arg4[%multiple_of3A] : memref<8388608xf32, #tpu.memory_space<hbm>> -> memref<4096xf32, #tpu.memory_space<hbm>>
    %dma_wait3A_103 = tpu.memref_slice %arg12[%dma_wait3A_101] : memref<2x!tpu.dma_semaphore, #tpu.memory_space<semaphore_mem>> -> memref<1x!tpu.dma_semaphore, #tpu.memory_space<semaphore_mem>>
    %dma_wait3A_104 = tpu.memref_squeeze %dma_wait3A_103 : memref<1x!tpu.dma_semaphore, #tpu.memory_space<semaphore_mem>> -> memref<!tpu.dma_semaphore, #tpu.memory_space<semaphore_mem>>
    %dma_wait3A_105 = tpu.memref_slice %arg4[%multiple_of3A] : memref<8388608xf32, #tpu.memory_space<hbm>> -> memref<4096xf32, #tpu.memory_space<hbm>>
    tpu.wait_dma2 semaphore(%dma_wait3A_104 : memref<!tpu.dma_semaphore, #tpu.memory_space<semaphore_mem>>) src(%arg8 : memref<4096xf32, #tpu.memory_space<vmem>>) dst(%dma_wait3A_105 : memref<4096xf32, #tpu.memory_space<hbm>>)
    %parallel_loop3A_106 = arith.constant 0 : i32
    %parallel_loop3A_107 = arith.constant 256 : i32
    %parallel_loop3A_108 = arith.constant 1 : i32
    scf.for %parallel_loop3A_176 = %parallel_loop3A_106 to %parallel_loop3A_107 step %parallel_loop3A_108  : i32 {
      %parallel_loop3A_177 = arith.constant 0 : i32
      %parallel_loop3A_178 = arith.addi %parallel_loop3A_177, %parallel_loop3A_176 : i32
      %parallel_loop3A_179 = arith.constant 16 : i32
      %parallel_loop3A_180 = arith.muli %parallel_loop3A_178, %parallel_loop3A_179 : i32
      %parallel_loop3A_181 = arith.index_cast %parallel_loop3A_180 : i32 to index
      %parallel_loop3A_182 = tpu.vector_load %arg6[%parallel_loop3A_181] {strides = array<i32>} : memref<8192xi32, #tpu.memory_space<vmem>>, vector<16xi32>,
      %parallel_loop3A_183 = tpu.vector_load_idx %arg5[%parallel_loop3A_182] : memref<100000xf32, #tpu.memory_space<vmem>>[vector<16xi32>], vector<16xf32>,
      %parallel_loop3A_184 = arith.constant 16 : i32
      %parallel_loop3A_185 = arith.muli %parallel_loop3A_176, %parallel_loop3A_184 : i32
      %parallel_loop3A_186 = arith.index_cast %parallel_loop3A_185 : i32 to index
      %parallel_loop3A_187 = tpu.vector_load %arg8[%parallel_loop3A_186] {strides = array<i32>} : memref<4096xf32, #tpu.memory_space<vmem>>, vector<16xf32>,
      tpu.vector_store %arg8[%parallel_loop3A_186], %parallel_loop3A_183 {strides = array<i32>} : memref<4096xf32, #tpu.memory_space<vmem>>, vector<16xf32>,
    } {sc.loop_unroll_factor = 16 : i64, sc.parallel_access}
    %add3A_109 = arith.constant 245760 : i32
    %add3A_110 = arith.addi %multiple_of3A, %add3A_109 : i32
    %dma_start3A_111 = arith.constant 0 : i32
    %dma_start3A_112 = tpu.memref_slice %arg4[%add3A_110] : memref<8388608xf32, #tpu.memory_space<hbm>> -> memref<4096xf32, #tpu.memory_space<hbm>>
    %dma_start3A_113 = tpu.memref_slice %arg12[%dma_start3A_111] : memref<2x!tpu.dma_semaphore, #tpu.memory_space<semaphore_mem>> -> memref<1x!tpu.dma_semaphore, #tpu.memory_space<semaphore_mem>>
    %dma_start3A_114 = tpu.memref_squeeze %dma_start3A_113 : memref<1x!tpu.dma_semaphore, #tpu.memory_space<semaphore_mem>> -> memref<!tpu.dma_semaphore, #tpu.memory_space<semaphore_mem>>
    %dma_start3A_115 = tpu.memref_slice %arg4[%add3A_110] : memref<8388608xf32, #tpu.memory_space<hbm>> -> memref<4096xf32, #tpu.memory_space<hbm>>
    tpu.enqueue_dma source(%arg8 : memref<4096xf32, #tpu.memory_space<vmem>>) target(%dma_start3A_115 : memref<4096xf32, #tpu.memory_space<hbm>>) target_semaphore(%dma_start3A_114 : memref<!tpu.dma_semaphore, #tpu.memory_space<semaphore_mem>>)
    %dma_wait3A_116 = arith.constant 1 : i32
    %dma_wait3A_117 = tpu.memref_slice %arg4[%multiple_of3A] : memref<8388608xf32, #tpu.memory_space<hbm>> -> memref<4096xf32, #tpu.memory_space<hbm>>
    %dma_wait3A_118 = tpu.memref_slice %arg12[%dma_wait3A_116] : memref<2x!tpu.dma_semaphore, #tpu.memory_space<semaphore_mem>> -> memref<1x!tpu.dma_semaphore, #tpu.memory_space<semaphore_mem>>
    %dma_wait3A_119 = tpu.memref_squeeze %dma_wait3A_118 : memref<1x!tpu.dma_semaphore, #tpu.memory_space<semaphore_mem>> -> memref<!tpu.dma_semaphore, #tpu.memory_space<semaphore_mem>>
    %dma_wait3A_120 = tpu.memref_slice %arg4[%multiple_of3A] : memref<8388608xf32, #tpu.memory_space<hbm>> -> memref<4096xf32, #tpu.memory_space<hbm>>
    tpu.wait_dma2 semaphore(%dma_wait3A_119 : memref<!tpu.dma_semaphore, #tpu.memory_space<semaphore_mem>>) src(%arg9 : memref<4096xf32, #tpu.memory_space<vmem>>) dst(%dma_wait3A_120 : memref<4096xf32, #tpu.memory_space<hbm>>)
    %parallel_loop3A_121 = arith.constant 0 : i32
    %parallel_loop3A_122 = arith.constant 256 : i32
    %parallel_loop3A_123 = arith.constant 1 : i32
    scf.for %parallel_loop3A_176 = %parallel_loop3A_121 to %parallel_loop3A_122 step %parallel_loop3A_123  : i32 {
      %parallel_loop3A_177 = arith.constant 256 : i32
      %parallel_loop3A_178 = arith.addi %parallel_loop3A_177, %parallel_loop3A_176 : i32
      %parallel_loop3A_179 = arith.constant 16 : i32
      %parallel_loop3A_180 = arith.muli %parallel_loop3A_178, %parallel_loop3A_179 : i32
      %parallel_loop3A_181 = arith.index_cast %parallel_loop3A_180 : i32 to index
      %parallel_loop3A_182 = tpu.vector_load %arg6[%parallel_loop3A_181] {strides = array<i32>} : memref<8192xi32, #tpu.memory_space<vmem>>, vector<16xi32>,
      %parallel_loop3A_183 = tpu.vector_load_idx %arg5[%parallel_loop3A_182] : memref<100000xf32, #tpu.memory_space<vmem>>[vector<16xi32>], vector<16xf32>,
      %parallel_loop3A_184 = arith.constant 16 : i32
      %parallel_loop3A_185 = arith.muli %parallel_loop3A_176, %parallel_loop3A_184 : i32
      %parallel_loop3A_186 = arith.index_cast %parallel_loop3A_185 : i32 to index
      %parallel_loop3A_187 = tpu.vector_load %arg9[%parallel_loop3A_186] {strides = array<i32>} : memref<4096xf32, #tpu.memory_space<vmem>>, vector<16xf32>,
      tpu.vector_store %arg9[%parallel_loop3A_186], %parallel_loop3A_183 {strides = array<i32>} : memref<4096xf32, #tpu.memory_space<vmem>>, vector<16xf32>,
    } {sc.loop_unroll_factor = 16 : i64, sc.parallel_access}
    %add3A_124 = arith.constant 249856 : i32
    %add3A_125 = arith.addi %multiple_of3A, %add3A_124 : i32
    %dma_start3A_126 = arith.constant 1 : i32
    %dma_start3A_127 = tpu.memref_slice %arg4[%add3A_125] : memref<8388608xf32, #tpu.memory_space<hbm>> -> memref<4096xf32, #tpu.memory_space<hbm>>
    %dma_start3A_128 = tpu.memref_slice %arg12[%dma_start3A_126] : memref<2x!tpu.dma_semaphore, #tpu.memory_space<semaphore_mem>> -> memref<1x!tpu.dma_semaphore, #tpu.memory_space<semaphore_mem>>
    %dma_start3A_129 = tpu.memref_squeeze %dma_start3A_128 : memref<1x!tpu.dma_semaphore, #tpu.memory_space<semaphore_mem>> -> memref<!tpu.dma_semaphore, #tpu.memory_space<semaphore_mem>>
    %dma_start3A_130 = tpu.memref_slice %arg4[%add3A_125] : memref<8388608xf32, #tpu.memory_space<hbm>> -> memref<4096xf32, #tpu.memory_space<hbm>>
    tpu.enqueue_dma source(%arg9 : memref<4096xf32, #tpu.memory_space<vmem>>) target(%dma_start3A_130 : memref<4096xf32, #tpu.memory_space<hbm>>) target_semaphore(%dma_start3A_129 : memref<!tpu.dma_semaphore, #tpu.memory_space<semaphore_mem>>)
    %dma_wait3A_131 = arith.constant 1 : i32
    %dma_wait3A_132 = tpu.memref_slice %arg3[%multiple_of3A] : memref<8388608xi32, #tpu.memory_space<hbm>> -> memref<8192xi32, #tpu.memory_space<hbm>>
    %dma_wait3A_133 = tpu.memref_slice %arg11[%dma_wait3A_131] : memref<2x!tpu.dma_semaphore, #tpu.memory_space<semaphore_mem>> -> memref<1x!tpu.dma_semaphore, #tpu.memory_space<semaphore_mem>>
    %dma_wait3A_134 = tpu.memref_squeeze %dma_wait3A_133 : memref<1x!tpu.dma_semaphore, #tpu.memory_space<semaphore_mem>> -> memref<!tpu.dma_semaphore, #tpu.memory_space<semaphore_mem>>
    %dma_wait3A_135 = tpu.memref_slice %arg3[%multiple_of3A] : memref<8388608xi32, #tpu.memory_space<hbm>> -> memref<8192xi32, #tpu.memory_space<hbm>>
    tpu.wait_dma2 semaphore(%dma_wait3A_134 : memref<!tpu.dma_semaphore, #tpu.memory_space<semaphore_mem>>) src(%dma_wait3A_135 : memref<8192xi32, #tpu.memory_space<hbm>>) dst(%arg7 : memref<8192xi32, #tpu.memory_space<vmem>>)
    %dma_wait3A_136 = arith.constant 0 : i32
    %dma_wait3A_137 = tpu.memref_slice %arg4[%multiple_of3A] : memref<8388608xf32, #tpu.memory_space<hbm>> -> memref<4096xf32, #tpu.memory_space<hbm>>
    %dma_wait3A_138 = tpu.memref_slice %arg12[%dma_wait3A_136] : memref<2x!tpu.dma_semaphore, #tpu.memory_space<semaphore_mem>> -> memref<1x!tpu.dma_semaphore, #tpu.memory_space<semaphore_mem>>
    %dma_wait3A_139 = tpu.memref_squeeze %dma_wait3A_138 : memref<1x!tpu.dma_semaphore, #tpu.memory_space<semaphore_mem>> -> memref<!tpu.dma_semaphore, #tpu.memory_space<semaphore_mem>>
    %dma_wait3A_140 = tpu.memref_slice %arg4[%multiple_of3A] : memref<8388608xf32, #tpu.memory_space<hbm>> -> memref<4096xf32, #tpu.memory_space<hbm>>
    tpu.wait_dma2 semaphore(%dma_wait3A_139 : memref<!tpu.dma_semaphore, #tpu.memory_space<semaphore_mem>>) src(%arg8 : memref<4096xf32, #tpu.memory_space<vmem>>) dst(%dma_wait3A_140 : memref<4096xf32, #tpu.memory_space<hbm>>)
    %parallel_loop3A_141 = arith.constant 0 : i32
    %parallel_loop3A_142 = arith.constant 256 : i32
    %parallel_loop3A_143 = arith.constant 1 : i32
    scf.for %parallel_loop3A_176 = %parallel_loop3A_141 to %parallel_loop3A_142 step %parallel_loop3A_143  : i32 {
      %parallel_loop3A_177 = arith.constant 0 : i32
      %parallel_loop3A_178 = arith.addi %parallel_loop3A_177, %parallel_loop3A_176 : i32
      %parallel_loop3A_179 = arith.constant 16 : i32
      %parallel_loop3A_180 = arith.muli %parallel_loop3A_178, %parallel_loop3A_179 : i32
      %parallel_loop3A_181 = arith.index_cast %parallel_loop3A_180 : i32 to index
      %parallel_loop3A_182 = tpu.vector_load %arg7[%parallel_loop3A_181] {strides = array<i32>} : memref<8192xi32, #tpu.memory_space<vmem>>, vector<16xi32>,
      %parallel_loop3A_183 = tpu.vector_load_idx %arg5[%parallel_loop3A_182] : memref<100000xf32, #tpu.memory_space<vmem>>[vector<16xi32>], vector<16xf32>,
      %parallel_loop3A_184 = arith.constant 16 : i32
      %parallel_loop3A_185 = arith.muli %parallel_loop3A_176, %parallel_loop3A_184 : i32
      %parallel_loop3A_186 = arith.index_cast %parallel_loop3A_185 : i32 to index
      %parallel_loop3A_187 = tpu.vector_load %arg8[%parallel_loop3A_186] {strides = array<i32>} : memref<4096xf32, #tpu.memory_space<vmem>>, vector<16xf32>,
      tpu.vector_store %arg8[%parallel_loop3A_186], %parallel_loop3A_183 {strides = array<i32>} : memref<4096xf32, #tpu.memory_space<vmem>>, vector<16xf32>,
    } {sc.loop_unroll_factor = 16 : i64, sc.parallel_access}
    %add3A_144 = arith.constant 253952 : i32
    %add3A_145 = arith.addi %multiple_of3A, %add3A_144 : i32
    %dma_start3A_146 = arith.constant 0 : i32
    %dma_start3A_147 = tpu.memref_slice %arg4[%add3A_145] : memref<8388608xf32, #tpu.memory_space<hbm>> -> memref<4096xf32, #tpu.memory_space<hbm>>
    %dma_start3A_148 = tpu.memref_slice %arg12[%dma_start3A_146] : memref<2x!tpu.dma_semaphore, #tpu.memory_space<semaphore_mem>> -> memref<1x!tpu.dma_semaphore, #tpu.memory_space<semaphore_mem>>
    %dma_start3A_149 = tpu.memref_squeeze %dma_start3A_148 : memref<1x!tpu.dma_semaphore, #tpu.memory_space<semaphore_mem>> -> memref<!tpu.dma_semaphore, #tpu.memory_space<semaphore_mem>>
    %dma_start3A_150 = tpu.memref_slice %arg4[%add3A_145] : memref<8388608xf32, #tpu.memory_space<hbm>> -> memref<4096xf32, #tpu.memory_space<hbm>>
    tpu.enqueue_dma source(%arg8 : memref<4096xf32, #tpu.memory_space<vmem>>) target(%dma_start3A_150 : memref<4096xf32, #tpu.memory_space<hbm>>) target_semaphore(%dma_start3A_149 : memref<!tpu.dma_semaphore, #tpu.memory_space<semaphore_mem>>)
    %dma_wait3A_151 = arith.constant 1 : i32
    %dma_wait3A_152 = tpu.memref_slice %arg4[%multiple_of3A] : memref<8388608xf32, #tpu.memory_space<hbm>> -> memref<4096xf32, #tpu.memory_space<hbm>>
    %dma_wait3A_153 = tpu.memref_slice %arg12[%dma_wait3A_151] : memref<2x!tpu.dma_semaphore, #tpu.memory_space<semaphore_mem>> -> memref<1x!tpu.dma_semaphore, #tpu.memory_space<semaphore_mem>>
    %dma_wait3A_154 = tpu.memref_squeeze %dma_wait3A_153 : memref<1x!tpu.dma_semaphore, #tpu.memory_space<semaphore_mem>> -> memref<!tpu.dma_semaphore, #tpu.memory_space<semaphore_mem>>
    %dma_wait3A_155 = tpu.memref_slice %arg4[%multiple_of3A] : memref<8388608xf32, #tpu.memory_space<hbm>> -> memref<4096xf32, #tpu.memory_space<hbm>>
    tpu.wait_dma2 semaphore(%dma_wait3A_154 : memref<!tpu.dma_semaphore, #tpu.memory_space<semaphore_mem>>) src(%arg9 : memref<4096xf32, #tpu.memory_space<vmem>>) dst(%dma_wait3A_155 : memref<4096xf32, #tpu.memory_space<hbm>>)
    %parallel_loop3A_156 = arith.constant 0 : i32
    %parallel_loop3A_157 = arith.constant 256 : i32
    %parallel_loop3A_158 = arith.constant 1 : i32
    scf.for %parallel_loop3A_176 = %parallel_loop3A_156 to %parallel_loop3A_157 step %parallel_loop3A_158  : i32 {
      %parallel_loop3A_177 = arith.constant 256 : i32
      %parallel_loop3A_178 = arith.addi %parallel_loop3A_177, %parallel_loop3A_176 : i32
      %parallel_loop3A_179 = arith.constant 16 : i32
      %parallel_loop3A_180 = arith.muli %parallel_loop3A_178, %parallel_loop3A_179 : i32
      %parallel_loop3A_181 = arith.index_cast %parallel_loop3A_180 : i32 to index
      %parallel_loop3A_182 = tpu.vector_load %arg7[%parallel_loop3A_181] {strides = array<i32>} : memref<8192xi32, #tpu.memory_space<vmem>>, vector<16xi32>,
      %parallel_loop3A_183 = tpu.vector_load_idx %arg5[%parallel_loop3A_182] : memref<100000xf32, #tpu.memory_space<vmem>>[vector<16xi32>], vector<16xf32>,
      %parallel_loop3A_184 = arith.constant 16 : i32
      %parallel_loop3A_185 = arith.muli %parallel_loop3A_176, %parallel_loop3A_184 : i32
      %parallel_loop3A_186 = arith.index_cast %parallel_loop3A_185 : i32 to index
      %parallel_loop3A_187 = tpu.vector_load %arg9[%parallel_loop3A_186] {strides = array<i32>} : memref<4096xf32, #tpu.memory_space<vmem>>, vector<16xf32>,
      tpu.vector_store %arg9[%parallel_loop3A_186], %parallel_loop3A_183 {strides = array<i32>} : memref<4096xf32, #tpu.memory_space<vmem>>, vector<16xf32>,
    } {sc.loop_unroll_factor = 16 : i64, sc.parallel_access}
    %add3A_159 = arith.constant 258048 : i32
    %add3A_160 = arith.addi %multiple_of3A, %add3A_159 : i32
    %dma_start3A_161 = arith.constant 1 : i32
    %dma_start3A_162 = tpu.memref_slice %arg4[%add3A_160] : memref<8388608xf32, #tpu.memory_space<hbm>> -> memref<4096xf32, #tpu.memory_space<hbm>>
    %dma_start3A_163 = tpu.memref_slice %arg12[%dma_start3A_161] : memref<2x!tpu.dma_semaphore, #tpu.memory_space<semaphore_mem>> -> memref<1x!tpu.dma_semaphore, #tpu.memory_space<semaphore_mem>>
    %dma_start3A_164 = tpu.memref_squeeze %dma_start3A_163 : memref<1x!tpu.dma_semaphore, #tpu.memory_space<semaphore_mem>> -> memref<!tpu.dma_semaphore, #tpu.memory_space<semaphore_mem>>
    %dma_start3A_165 = tpu.memref_slice %arg4[%add3A_160] : memref<8388608xf32, #tpu.memory_space<hbm>> -> memref<4096xf32, #tpu.memory_space<hbm>>
    tpu.enqueue_dma source(%arg9 : memref<4096xf32, #tpu.memory_space<vmem>>) target(%dma_start3A_165 : memref<4096xf32, #tpu.memory_space<hbm>>) target_semaphore(%dma_start3A_164 : memref<!tpu.dma_semaphore, #tpu.memory_space<semaphore_mem>>)
    %dma_wait3A_166 = arith.constant 0 : i32
    %dma_wait3A_167 = tpu.memref_slice %arg4[%multiple_of3A] : memref<8388608xf32, #tpu.memory_space<hbm>> -> memref<4096xf32, #tpu.memory_space<hbm>>
    %dma_wait3A_168 = tpu.memref_slice %arg12[%dma_wait3A_166] : memref<2x!tpu.dma_semaphore, #tpu.memory_space<semaphore_mem>> -> memref<1x!tpu.dma_semaphore, #tpu.memory_space<semaphore_mem>>
    %dma_wait3A_169 = tpu.memref_squeeze %dma_wait3A_168 : memref<1x!tpu.dma_semaphore, #tpu.memory_space<semaphore_mem>> -> memref<!tpu.dma_semaphore, #tpu.memory_space<semaphore_mem>>
    %dma_wait3A_170 = tpu.memref_slice %arg4[%multiple_of3A] : memref<8388608xf32, #tpu.memory_space<hbm>> -> memref<4096xf32, #tpu.memory_space<hbm>>
    tpu.wait_dma2 semaphore(%dma_wait3A_169 : memref<!tpu.dma_semaphore, #tpu.memory_space<semaphore_mem>>) src(%arg8 : memref<4096xf32, #tpu.memory_space<vmem>>) dst(%dma_wait3A_170 : memref<4096xf32, #tpu.memory_space<hbm>>)
    %dma_wait3A_171 = arith.constant 1 : i32
    %dma_wait3A_172 = tpu.memref_slice %arg4[%multiple_of3A] : memref<8388608xf32, #tpu.memory_space<hbm>> -> memref<4096xf32, #tpu.memory_space<hbm>>
    %dma_wait3A_173 = tpu.memref_slice %arg12[%dma_wait3A_171] : memref<2x!tpu.dma_semaphore, #tpu.memory_space<semaphore_mem>> -> memref<1x!tpu.dma_semaphore, #tpu.memory_space<semaphore_mem>>
    %dma_wait3A_174 = tpu.memref_squeeze %dma_wait3A_173 : memref<1x!tpu.dma_semaphore, #tpu.memory_space<semaphore_mem>> -> memref<!tpu.dma_semaphore, #tpu.memory_space<semaphore_mem>>
    %dma_wait3A_175 = tpu.memref_slice %arg4[%multiple_of3A] : memref<8388608xf32, #tpu.memory_space<hbm>> -> memref<4096xf32, #tpu.memory_space<hbm>>
    tpu.wait_dma2 semaphore(%dma_wait3A_174 : memref<!tpu.dma_semaphore, #tpu.memory_space<semaphore_mem>>) src(%arg9 : memref<4096xf32, #tpu.memory_space<vmem>>) dst(%dma_wait3A_175 : memref<4096xf32, #tpu.memory_space<hbm>>)
    return
  }
}

#map = affine_map<(d0, d1) -> (0)>
#map1 = affine_map<(d0, d1) -> (0, 0)>
module attributes {stable_mosaic.version = 14 : i64} {
  func.func @_hist_kernel(%arg0: i32, %arg1: i32, %arg2: memref<8388608xi32, #tpu.memory_space<hbm>>, %arg3: memref<32x100000xi32, #tpu.memory_space<hbm>>, %arg4: memref<8192xi32, #tpu.memory_space<vmem>>, %arg5: memref<8192xi32, #tpu.memory_space<vmem>>, %arg6: memref<100000xi32, #tpu.memory_space<vmem>>, %arg7: memref<2x!tpu.dma_semaphore, #tpu.memory_space<semaphore_mem>>) attributes {dimension_semantics = [#tpu.dimension_semantics<core_parallel>, #tpu.dimension_semantics<subcore_parallel>], iteration_bounds = array<i64: 2, 16>, scalar_prefetch = 0 : i64, scratch_operands = 4 : i64, tpu.core_type = #tpu.core_type<sc_vector_subcore>, window_params = [{transform_indices = #map}, {transform_indices = #map1}]} {
    %mul3A = arith.constant 2 : i32
    %mul3A_0 = arith.muli %arg1, %mul3A : i32
    %add3A = arith.addi %mul3A_0, %arg0 : i32
    %mul3A_1 = arith.constant 262144 : i32
    %mul3A_2 = arith.muli %add3A, %mul3A_1 : i32
    %multiple_of3A = tpu.assume_multiple %mul3A_2, 8192 : i32
    %add3A_3 = arith.constant 0 : i32
    %add3A_4 = arith.addi %multiple_of3A, %add3A_3 : i32
    %dma_start3A = arith.constant 0 : i32
    %dma_start3A_5 = tpu.memref_slice %arg2[%add3A_4] : memref<8388608xi32, #tpu.memory_space<hbm>> -> memref<8192xi32, #tpu.memory_space<hbm>>
    %dma_start3A_6 = tpu.memref_slice %arg7[%dma_start3A] : memref<2x!tpu.dma_semaphore, #tpu.memory_space<semaphore_mem>> -> memref<1x!tpu.dma_semaphore, #tpu.memory_space<semaphore_mem>>
    %dma_start3A_7 = tpu.memref_squeeze %dma_start3A_6 : memref<1x!tpu.dma_semaphore, #tpu.memory_space<semaphore_mem>> -> memref<!tpu.dma_semaphore, #tpu.memory_space<semaphore_mem>>
    %dma_start3A_8 = tpu.memref_slice %arg2[%add3A_4] : memref<8388608xi32, #tpu.memory_space<hbm>> -> memref<8192xi32, #tpu.memory_space<hbm>>
    tpu.enqueue_dma source(%dma_start3A_8 : memref<8192xi32, #tpu.memory_space<hbm>>) target(%arg4 : memref<8192xi32, #tpu.memory_space<vmem>>) target_semaphore(%dma_start3A_7 : memref<!tpu.dma_semaphore, #tpu.memory_space<semaphore_mem>>)
    %add3A_9 = arith.constant 8192 : i32
    %add3A_10 = arith.addi %multiple_of3A, %add3A_9 : i32
    %dma_start3A_11 = arith.constant 1 : i32
    %dma_start3A_12 = tpu.memref_slice %arg2[%add3A_10] : memref<8388608xi32, #tpu.memory_space<hbm>> -> memref<8192xi32, #tpu.memory_space<hbm>>
    %dma_start3A_13 = tpu.memref_slice %arg7[%dma_start3A_11] : memref<2x!tpu.dma_semaphore, #tpu.memory_space<semaphore_mem>> -> memref<1x!tpu.dma_semaphore, #tpu.memory_space<semaphore_mem>>
    %dma_start3A_14 = tpu.memref_squeeze %dma_start3A_13 : memref<1x!tpu.dma_semaphore, #tpu.memory_space<semaphore_mem>> -> memref<!tpu.dma_semaphore, #tpu.memory_space<semaphore_mem>>
    %dma_start3A_15 = tpu.memref_slice %arg2[%add3A_10] : memref<8388608xi32, #tpu.memory_space<hbm>> -> memref<8192xi32, #tpu.memory_space<hbm>>
    tpu.enqueue_dma source(%dma_start3A_15 : memref<8192xi32, #tpu.memory_space<hbm>>) target(%arg5 : memref<8192xi32, #tpu.memory_space<vmem>>) target_semaphore(%dma_start3A_14 : memref<!tpu.dma_semaphore, #tpu.memory_space<semaphore_mem>>)
    %broadcast_in_dim3A = arith.constant 0 : i32
    %broadcast_in_dim3A_16 = vector.broadcast %broadcast_in_dim3A : i32 to vector<16xi32>
    %parallel_loop3A = arith.constant 0 : i32
    %parallel_loop3A_17 = arith.constant 6250 : i32
    %parallel_loop3A_18 = arith.constant 1 : i32
    scf.for %parallel_loop3A_44 = %parallel_loop3A to %parallel_loop3A_17 step %parallel_loop3A_18  : i32 {
      %parallel_loop3A_45 = arith.constant 16 : i32
      %parallel_loop3A_46 = arith.muli %parallel_loop3A_44, %parallel_loop3A_45 : i32
      %parallel_loop3A_47 = arith.index_cast %parallel_loop3A_46 : i32 to index
      %parallel_loop3A_48 = tpu.vector_load %arg6[%parallel_loop3A_47] {strides = array<i32>} : memref<100000xi32, #tpu.memory_space<vmem>>, vector<16xi32>,
      tpu.vector_store %arg6[%parallel_loop3A_47], %broadcast_in_dim3A_16 {strides = array<i32>} : memref<100000xi32, #tpu.memory_space<vmem>>, vector<16xi32>,
    } {sc.loop_unroll_factor = 8 : i64, sc.parallel_access}
    %scan3A = arith.constant 0 : i32
    %scan3A_19 = arith.constant 0 : i32
    %scan3A_20 = arith.constant 15 : i32
    %scan3A_21 = arith.addi %scan3A_19, %scan3A_20 : i32
    %scan3A_22 = arith.constant 1 : i32
    %scan3A_23 = scf.for %scan3A_44 = %scan3A_19 to %scan3A_21 step %scan3A_22 iter_args(%scan3A_45 = %scan3A) -> (i32)  : i32 {
      %mul3A_46 = arith.constant 2 : i32
      %mul3A_47 = arith.muli %scan3A_44, %mul3A_46 : i32
      %add3A_48 = arith.constant 0 : i32
      %add3A_49 = arith.addi %mul3A_47, %add3A_48 : i32
      %dma_wait3A_50 = arith.constant 0 : i32
      %dma_wait3A_51 = tpu.memref_slice %arg2[%multiple_of3A] : memref<8388608xi32, #tpu.memory_space<hbm>> -> memref<8192xi32, #tpu.memory_space<hbm>>
      %dma_wait3A_52 = tpu.memref_slice %arg7[%dma_wait3A_50] : memref<2x!tpu.dma_semaphore, #tpu.memory_space<semaphore_mem>> -> memref<1x!tpu.dma_semaphore, #tpu.memory_space<semaphore_mem>>
      %dma_wait3A_53 = tpu.memref_squeeze %dma_wait3A_52 : memref<1x!tpu.dma_semaphore, #tpu.memory_space<semaphore_mem>> -> memref<!tpu.dma_semaphore, #tpu.memory_space<semaphore_mem>>
      %dma_wait3A_54 = tpu.memref_slice %arg2[%multiple_of3A] : memref<8388608xi32, #tpu.memory_space<hbm>> -> memref<8192xi32, #tpu.memory_space<hbm>>
      tpu.wait_dma2 semaphore(%dma_wait3A_53 : memref<!tpu.dma_semaphore, #tpu.memory_space<semaphore_mem>>) src(%dma_wait3A_54 : memref<8192xi32, #tpu.memory_space<hbm>>) dst(%arg4 : memref<8192xi32, #tpu.memory_space<vmem>>)
      %broadcast_in_dim3A_55 = arith.constant 1 : i32
      %broadcast_in_dim3A_56 = vector.broadcast %broadcast_in_dim3A_55 : i32 to vector<16xi32>
      %parallel_loop3A_57 = arith.constant 0 : i32
      %parallel_loop3A_58 = arith.constant 512 : i32
      %parallel_loop3A_59 = arith.constant 1 : i32
      scf.for %parallel_loop3A_95 = %parallel_loop3A_57 to %parallel_loop3A_58 step %parallel_loop3A_59  : i32 {
        %parallel_loop3A_96 = arith.constant 16 : i32
        %parallel_loop3A_97 = arith.muli %parallel_loop3A_95, %parallel_loop3A_96 : i32
        %parallel_loop3A_98 = arith.index_cast %parallel_loop3A_97 : i32 to index
        %parallel_loop3A_99 = tpu.vector_load %arg4[%parallel_loop3A_98] {strides = array<i32>} : memref<8192xi32, #tpu.memory_space<vmem>>, vector<16xi32>,
        tpu.vector_store_idx %arg6[%parallel_loop3A_99], %broadcast_in_dim3A_56 {add = true} : memref<100000xi32, #tpu.memory_space<vmem>>[vector<16xi32>], vector<16xi32>,
      } {sc.loop_unroll_factor = 16 : i64, sc.parallel_access}
      %add3A_60 = arith.constant 2 : i32
      %add3A_61 = arith.addi %add3A_49, %add3A_60 : i32
      %mul3A_62 = arith.constant 8192 : i32
      %mul3A_63 = arith.muli %add3A_61, %mul3A_62 : i32
      %add3A_64 = arith.addi %multiple_of3A, %mul3A_63 : i32
      %dma_start3A_65 = arith.constant 0 : i32
      %dma_start3A_66 = tpu.memref_slice %arg2[%add3A_64] : memref<8388608xi32, #tpu.memory_space<hbm>> -> memref<8192xi32, #tpu.memory_space<hbm>>
      %dma_start3A_67 = tpu.memref_slice %arg7[%dma_start3A_65] : memref<2x!tpu.dma_semaphore, #tpu.memory_space<semaphore_mem>> -> memref<1x!tpu.dma_semaphore, #tpu.memory_space<semaphore_mem>>
      %dma_start3A_68 = tpu.memref_squeeze %dma_start3A_67 : memref<1x!tpu.dma_semaphore, #tpu.memory_space<semaphore_mem>> -> memref<!tpu.dma_semaphore, #tpu.memory_space<semaphore_mem>>
      %dma_start3A_69 = tpu.memref_slice %arg2[%add3A_64] : memref<8388608xi32, #tpu.memory_space<hbm>> -> memref<8192xi32, #tpu.memory_space<hbm>>
      tpu.enqueue_dma source(%dma_start3A_69 : memref<8192xi32, #tpu.memory_space<hbm>>) target(%arg4 : memref<8192xi32, #tpu.memory_space<vmem>>) target_semaphore(%dma_start3A_68 : memref<!tpu.dma_semaphore, #tpu.memory_space<semaphore_mem>>)
      %mul3A_70 = arith.constant 2 : i32
      %mul3A_71 = arith.muli %scan3A_44, %mul3A_70 : i32
      %add3A_72 = arith.constant 1 : i32
      %add3A_73 = arith.addi %mul3A_71, %add3A_72 : i32
      %dma_wait3A_74 = arith.constant 1 : i32
      %dma_wait3A_75 = tpu.memref_slice %arg2[%multiple_of3A] : memref<8388608xi32, #tpu.memory_space<hbm>> -> memref<8192xi32, #tpu.memory_space<hbm>>
      %dma_wait3A_76 = tpu.memref_slice %arg7[%dma_wait3A_74] : memref<2x!tpu.dma_semaphore, #tpu.memory_space<semaphore_mem>> -> memref<1x!tpu.dma_semaphore, #tpu.memory_space<semaphore_mem>>
      %dma_wait3A_77 = tpu.memref_squeeze %dma_wait3A_76 : memref<1x!tpu.dma_semaphore, #tpu.memory_space<semaphore_mem>> -> memref<!tpu.dma_semaphore, #tpu.memory_space<semaphore_mem>>
      %dma_wait3A_78 = tpu.memref_slice %arg2[%multiple_of3A] : memref<8388608xi32, #tpu.memory_space<hbm>> -> memref<8192xi32, #tpu.memory_space<hbm>>
      tpu.wait_dma2 semaphore(%dma_wait3A_77 : memref<!tpu.dma_semaphore, #tpu.memory_space<semaphore_mem>>) src(%dma_wait3A_78 : memref<8192xi32, #tpu.memory_space<hbm>>) dst(%arg5 : memref<8192xi32, #tpu.memory_space<vmem>>)
      %broadcast_in_dim3A_79 = arith.constant 1 : i32
      %broadcast_in_dim3A_80 = vector.broadcast %broadcast_in_dim3A_79 : i32 to vector<16xi32>
      %parallel_loop3A_81 = arith.constant 0 : i32
      %parallel_loop3A_82 = arith.constant 512 : i32
      %parallel_loop3A_83 = arith.constant 1 : i32
      scf.for %parallel_loop3A_95 = %parallel_loop3A_81 to %parallel_loop3A_82 step %parallel_loop3A_83  : i32 {
        %parallel_loop3A_96 = arith.constant 16 : i32
        %parallel_loop3A_97 = arith.muli %parallel_loop3A_95, %parallel_loop3A_96 : i32
        %parallel_loop3A_98 = arith.index_cast %parallel_loop3A_97 : i32 to index
        %parallel_loop3A_99 = tpu.vector_load %arg5[%parallel_loop3A_98] {strides = array<i32>} : memref<8192xi32, #tpu.memory_space<vmem>>, vector<16xi32>,
        tpu.vector_store_idx %arg6[%parallel_loop3A_99], %broadcast_in_dim3A_80 {add = true} : memref<100000xi32, #tpu.memory_space<vmem>>[vector<16xi32>], vector<16xi32>,
      } {sc.loop_unroll_factor = 16 : i64, sc.parallel_access}
      %add3A_84 = arith.constant 2 : i32
      %add3A_85 = arith.addi %add3A_73, %add3A_84 : i32
      %mul3A_86 = arith.constant 8192 : i32
      %mul3A_87 = arith.muli %add3A_85, %mul3A_86 : i32
      %add3A_88 = arith.addi %multiple_of3A, %mul3A_87 : i32
      %dma_start3A_89 = arith.constant 1 : i32
      %dma_start3A_90 = tpu.memref_slice %arg2[%add3A_88] : memref<8388608xi32, #tpu.memory_space<hbm>> -> memref<8192xi32, #tpu.memory_space<hbm>>
      %dma_start3A_91 = tpu.memref_slice %arg7[%dma_start3A_89] : memref<2x!tpu.dma_semaphore, #tpu.memory_space<semaphore_mem>> -> memref<1x!tpu.dma_semaphore, #tpu.memory_space<semaphore_mem>>
      %dma_start3A_92 = tpu.memref_squeeze %dma_start3A_91 : memref<1x!tpu.dma_semaphore, #tpu.memory_space<semaphore_mem>> -> memref<!tpu.dma_semaphore, #tpu.memory_space<semaphore_mem>>
      %dma_start3A_93 = tpu.memref_slice %arg2[%add3A_88] : memref<8388608xi32, #tpu.memory_space<hbm>> -> memref<8192xi32, #tpu.memory_space<hbm>>
      tpu.enqueue_dma source(%dma_start3A_93 : memref<8192xi32, #tpu.memory_space<hbm>>) target(%arg5 : memref<8192xi32, #tpu.memory_space<vmem>>) target_semaphore(%dma_start3A_92 : memref<!tpu.dma_semaphore, #tpu.memory_space<semaphore_mem>>)
      %scan3A_94 = arith.constant 0 : i32
      scf.yield %scan3A_94 : i32
    }
    %scan3A_24 = arith.constant 15 : i32
    %dma_wait3A = arith.constant 0 : i32
    %dma_wait3A_25 = tpu.memref_slice %arg2[%multiple_of3A] : memref<8388608xi32, #tpu.memory_space<hbm>> -> memref<8192xi32, #tpu.memory_space<hbm>>
    %dma_wait3A_26 = tpu.memref_slice %arg7[%dma_wait3A] : memref<2x!tpu.dma_semaphore, #tpu.memory_space<semaphore_mem>> -> memref<1x!tpu.dma_semaphore, #tpu.memory_space<semaphore_mem>>
    %dma_wait3A_27 = tpu.memref_squeeze %dma_wait3A_26 : memref<1x!tpu.dma_semaphore, #tpu.memory_space<semaphore_mem>> -> memref<!tpu.dma_semaphore, #tpu.memory_space<semaphore_mem>>
    %dma_wait3A_28 = tpu.memref_slice %arg2[%multiple_of3A] : memref<8388608xi32, #tpu.memory_space<hbm>> -> memref<8192xi32, #tpu.memory_space<hbm>>
    tpu.wait_dma2 semaphore(%dma_wait3A_27 : memref<!tpu.dma_semaphore, #tpu.memory_space<semaphore_mem>>) src(%dma_wait3A_28 : memref<8192xi32, #tpu.memory_space<hbm>>) dst(%arg4 : memref<8192xi32, #tpu.memory_space<vmem>>)
    %broadcast_in_dim3A_29 = arith.constant 1 : i32
    %broadcast_in_dim3A_30 = vector.broadcast %broadcast_in_dim3A_29 : i32 to vector<16xi32>
    %parallel_loop3A_31 = arith.constant 0 : i32
    %parallel_loop3A_32 = arith.constant 512 : i32
    %parallel_loop3A_33 = arith.constant 1 : i32
    scf.for %parallel_loop3A_44 = %parallel_loop3A_31 to %parallel_loop3A_32 step %parallel_loop3A_33  : i32 {
      %parallel_loop3A_45 = arith.constant 16 : i32
      %parallel_loop3A_46 = arith.muli %parallel_loop3A_44, %parallel_loop3A_45 : i32
      %parallel_loop3A_47 = arith.index_cast %parallel_loop3A_46 : i32 to index
      %parallel_loop3A_48 = tpu.vector_load %arg4[%parallel_loop3A_47] {strides = array<i32>} : memref<8192xi32, #tpu.memory_space<vmem>>, vector<16xi32>,
      tpu.vector_store_idx %arg6[%parallel_loop3A_48], %broadcast_in_dim3A_30 {add = true} : memref<100000xi32, #tpu.memory_space<vmem>>[vector<16xi32>], vector<16xi32>,
    } {sc.loop_unroll_factor = 16 : i64, sc.parallel_access}
    %dma_wait3A_34 = arith.constant 1 : i32
    %dma_wait3A_35 = tpu.memref_slice %arg2[%multiple_of3A] : memref<8388608xi32, #tpu.memory_space<hbm>> -> memref<8192xi32, #tpu.memory_space<hbm>>
    %dma_wait3A_36 = tpu.memref_slice %arg7[%dma_wait3A_34] : memref<2x!tpu.dma_semaphore, #tpu.memory_space<semaphore_mem>> -> memref<1x!tpu.dma_semaphore, #tpu.memory_space<semaphore_mem>>
    %dma_wait3A_37 = tpu.memref_squeeze %dma_wait3A_36 : memref<1x!tpu.dma_semaphore, #tpu.memory_space<semaphore_mem>> -> memref<!tpu.dma_semaphore, #tpu.memory_space<semaphore_mem>>
    %dma_wait3A_38 = tpu.memref_slice %arg2[%multiple_of3A] : memref<8388608xi32, #tpu.memory_space<hbm>> -> memref<8192xi32, #tpu.memory_space<hbm>>
    tpu.wait_dma2 semaphore(%dma_wait3A_37 : memref<!tpu.dma_semaphore, #tpu.memory_space<semaphore_mem>>) src(%dma_wait3A_38 : memref<8192xi32, #tpu.memory_space<hbm>>) dst(%arg5 : memref<8192xi32, #tpu.memory_space<vmem>>)
    %broadcast_in_dim3A_39 = arith.constant 1 : i32
    %broadcast_in_dim3A_40 = vector.broadcast %broadcast_in_dim3A_39 : i32 to vector<16xi32>
    %parallel_loop3A_41 = arith.constant 0 : i32
    %parallel_loop3A_42 = arith.constant 512 : i32
    %parallel_loop3A_43 = arith.constant 1 : i32
    scf.for %parallel_loop3A_44 = %parallel_loop3A_41 to %parallel_loop3A_42 step %parallel_loop3A_43  : i32 {
      %parallel_loop3A_45 = arith.constant 16 : i32
      %parallel_loop3A_46 = arith.muli %parallel_loop3A_44, %parallel_loop3A_45 : i32
      %parallel_loop3A_47 = arith.index_cast %parallel_loop3A_46 : i32 to index
      %parallel_loop3A_48 = tpu.vector_load %arg5[%parallel_loop3A_47] {strides = array<i32>} : memref<8192xi32, #tpu.memory_space<vmem>>, vector<16xi32>,
      tpu.vector_store_idx %arg6[%parallel_loop3A_48], %broadcast_in_dim3A_40 {add = true} : memref<100000xi32, #tpu.memory_space<vmem>>[vector<16xi32>], vector<16xi32>,
    } {sc.loop_unroll_factor = 16 : i64, sc.parallel_access}
    "tpu.region"() ({
      %run_scoped3A = tpu.sem_alloc : memref<!tpu.dma_semaphore, #tpu.memory_space<semaphore_mem>>
      %dma_start3A_44 = arith.constant 0 : i32
      %dma_start3A_45 = tpu.memref_slice %arg3[%add3A, %dma_start3A_44] : memref<32x100000xi32, #tpu.memory_space<hbm>> -> memref<1x100000xi32, #tpu.memory_space<hbm>>
      %dma_start3A_46 = tpu.memref_squeeze %dma_start3A_45 : memref<1x100000xi32, #tpu.memory_space<hbm>> -> memref<100000xi32, #tpu.memory_space<hbm>>
      %dma_start3A_47 = arith.constant 0 : i32
      %dma_start3A_48 = tpu.memref_slice %arg3[%add3A, %dma_start3A_47] : memref<32x100000xi32, #tpu.memory_space<hbm>> -> memref<1x100000xi32, #tpu.memory_space<hbm>>
      %dma_start3A_49 = tpu.memref_squeeze %dma_start3A_48 : memref<1x100000xi32, #tpu.memory_space<hbm>> -> memref<100000xi32, #tpu.memory_space<hbm>>
      tpu.enqueue_dma source(%arg6 : memref<100000xi32, #tpu.memory_space<vmem>>) target(%dma_start3A_49 : memref<100000xi32, #tpu.memory_space<hbm>>) target_semaphore(%run_scoped3A : memref<!tpu.dma_semaphore, #tpu.memory_space<semaphore_mem>>)
      %dma_wait3A_50 = arith.constant 0 : i32
      %dma_wait3A_51 = tpu.memref_slice %arg3[%add3A, %dma_wait3A_50] : memref<32x100000xi32, #tpu.memory_space<hbm>> -> memref<1x100000xi32, #tpu.memory_space<hbm>>
      %dma_wait3A_52 = tpu.memref_squeeze %dma_wait3A_51 : memref<1x100000xi32, #tpu.memory_space<hbm>> -> memref<100000xi32, #tpu.memory_space<hbm>>
      %dma_wait3A_53 = arith.constant 0 : i32
      %dma_wait3A_54 = tpu.memref_slice %arg3[%add3A, %dma_wait3A_53] : memref<32x100000xi32, #tpu.memory_space<hbm>> -> memref<1x100000xi32, #tpu.memory_space<hbm>>
      %dma_wait3A_55 = tpu.memref_squeeze %dma_wait3A_54 : memref<1x100000xi32, #tpu.memory_space<hbm>> -> memref<100000xi32, #tpu.memory_space<hbm>>
      tpu.wait_dma2 semaphore(%run_scoped3A : memref<!tpu.dma_semaphore, #tpu.memory_space<semaphore_mem>>) src(%arg6 : memref<100000xi32, #tpu.memory_space<vmem>>) dst(%dma_wait3A_55 : memref<100000xi32, #tpu.memory_space<hbm>>)
      tpu.yield
    }) : () -> ()
    return
  }
}

module attributes {stable_mosaic.version = 14 : i64} {
  func.func @_inv_body(%arg0: memref<32x100000xi32, #tpu.memory_space<vmem>>, %arg1: memref<100000xf32, #tpu.memory_space<vmem>>) attributes {dimension_semantics = [], scalar_prefetch = 0 : i64, scratch_operands = 0 : i64, tpu.core_type = #tpu.core_type<tc>} {
    %get3A = arith.constant 0 : index
    %get3A_0 = arith.constant 0 : index
    %get3A_1 = vector.load %arg0[%get3A, %get3A_0] : memref<32x100000xi32, #tpu.memory_space<vmem>>, vector<32x100000xi32>
    %reduce_sum3A = arith.constant dense<0> : vector<100000xi32>
    %reduce_sum3A_2 = vector.multi_reduction <add>, %get3A_1, %reduce_sum3A [0] : vector<32x100000xi32> to vector<100000xi32>
    %convert_element_type3A = arith.sitofp %reduce_sum3A_2 : vector<100000xi32> to vector<100000xf32>
    %max3A = arith.constant 1.000000e-07 : f32
    %max3A_3 = vector.broadcast %max3A : f32 to vector<100000xf32>
    %max3A_4 = arith.maximumf %convert_element_type3A, %max3A_3 : vector<100000xf32>
    %div3A = arith.constant 1.000000e+00 : f32
    %div3A_5 = vector.broadcast %div3A : f32 to vector<100000xf32>
    %div3A_6 = arith.divf %div3A_5, %max3A_4 : vector<100000xf32>
    %swap3A = arith.constant 0 : index
    %swap3A_7 = vector.load %arg1[%swap3A] : memref<100000xf32, #tpu.memory_space<vmem>>, vector<100000xf32>
    tpu.vector_store %arg1[%swap3A], %div3A_6 {strides = array<i32>} : memref<100000xf32, #tpu.memory_space<vmem>>, vector<100000xf32>,
    return
  }
}

</mosaic_0001>

<sc_bundles>
// kernel: kernel.5.cloned.1.call-start
scs
__scs_entry_jumppad:
0x0: {  	(pc) =	sbr.rel $0x88, $3  }
0x1: {  	(tag) =	ssettag $0x0;
	lr =	simm.s32 $0x1  }
0x2: {  	[smem:$0x3FA0] =	sst lr;
	_ =	strace $0xD0000000  }
0x3: {  	_ = 	snop  }
0x4: {  	_ = 	snop  }
0x5: {  	_ = 	snop  }
0x6: {  	_ = 	snop  }
0x7: {  	_ = 	snop  }
__scs_overlays_trampoline_lowered:
0x8: {  	[smem:$0x3FAF] =	sst s0  }
0x9: {  	[smem:$0x3FB0] =	sst s1  }
0xa: {  	[smem:$0x3FB1] =	sst s2  }
0xb: {  	[smem:$0x3FB2] =	sst s3  }
0xc: {  	[smem:$0x3FB3] =	sst s4  }
0xd: {  	[smem:$0x3FB4] =	sst s5  }
0xe: {  	[smem:$0x3FB5] =	sst s6  }
0xf: {  	[smem:$0x3FB6] =	sst s7  }
0x10: {  	[smem:$0x3FB7] =	sst s8  }
0x11: {  	[smem:$0x3FB8] =	sst s9;
	s0 =	simm.s32 @!p0 $0x0  }
0x12: {  	s1 =	sld [smem:$0x3F9E];
	s0 =	simm.s32 @p0 $0x1  }
0x13: {  	[smem:$0x3FB9] =	sst s0;
	s0 =	simm.s32 @!p1 $0x0  }
0x14: {  	s2 =	sld [smem:$0x3F9D];
	s0 =	simm.s32 @p1 $0x1  }
0x15: {  	[smem:$0x3FBA] =	sst s0;
	s0 =	simm.s32 @!p2 $0x0  }
0x16: {  	s3 =	sld [smem:$0x3FDB];
	s0 =	simm.s32 @p2 $0x1  }
0x17: {  	s4 =	simm.s32 $0x1BF5;
	[smem:$0x3FBC] =	sst s0  }
0x18: {  	s0 =	sld [smem:$0x3F9F];
	_ =	swait.ge [sflag:s4], $0x0  }
0x19: {  	s7 =	sld [smem:$0x3FA0]  }
0x1a: {  	s8 =	sadd.s32 $0xFFFFE003, lr  }
0x1b: {  	s9 =	sadd.s32 $0xFFFFFEF7, lr;
	s5 =	simm.s32 $0xFFFFFFFF;
	p2 =	slt.u32 s8, $0xFFFFF086  }
0x1c: {  	p1 =	slt.u32 s9, $0xF7A;
	s5 =	simm.s32 @!p2 $0x0  }
0x1d: {  	s5 =	simm.s32 @p1 $0x1;
	p0 =	seq.s32 s7, s2  }
0x1e: {  	s7 =	smul.u32 @!p0 $0xF7A, s2;
	p2 =	seq.s32 @!p0 s5, $0x0  }
0x1f: {  	s9 =	smul.u32 $0xF7A, s1;
	s8 =	simm.s32 @!p0 $0x1BF5;
	p2 =	por !p2, p0  }
0x20: {  	[sflag:s8] =	ssyncset.s32 @!p0 $0xFFFFF086;
	s6 =	sadd.s32 @!p0 s3, s7;
	s7 =	simm.s32 @!p0 $0x108  }
0x21: {  	s3 =	sadd.s32 s3, s9;
	s6 =	sadd.s32 @!p0 $0x88, s6;
	s7 =	simm.s32 @p2 $0x1082  }
0x22: {  	[simem:s7], [sflag:s8] =	dma.local @!p0 [hbm:s6], $0xF7A  }
0x23: {  	s9 =	sor.u32 $0xD0000000, s2;
	s6 =	simm.s32 $0x108;
	_ =	swait.ge @!p0 [sflag:s8], $0x0  }
0x24: {  	s3 =	sadd.s32 $0x88, s3;
	s6 =	simm.s32 @!p1 $0x1082;
	[sflag:s4] =	ssyncset.s32 $0xFFFFF086  }
0x25: {  	[simem:s6], [sflag:s4] =	dma.local [hbm:s3], $0xF7A  }
0x26: {  	[smem:$0x3FA0] =	sst s1;
	(tag) =	ssettag s2;
	_ =	strace s9  }
0x27: {  	s1 =	sld [smem:$0x3FB0]  }
0x28: {  	s2 =	sld [smem:$0x3FB1]  }
0x29: {  	s4 =	sld [smem:$0x3FB3]  }
0x2a: {  	p0 =	seq.s32 s5, $0x0;
	s5 =	sld [smem:$0x3FB4]  }
0x2b: {  	s6 =	sld [smem:$0x3FB5]  }
0x2c: {  	s7 =	sld [smem:$0x3FB6]  }
0x2d: {  	s3 =	simm.s32 $0x108;
	s8 =	sld [smem:$0x3FB7]  }
0x2e: {  	s3 =	simm.s32 @!p0 $0x1082;
	s9 =	sld [smem:$0x3FB8]  }
0x2f: {  	lr =	sadd.s32 s0, s3;
	s0 =	sld [smem:$0x3FAF]  }
0x30: {  	s3 =	sld [smem:$0x3FB2]  }
0x31: {  	[smem:$0x3FBB] =	sst s10  }
0x32: {  	s10 =	sld [smem:$0x3FB9];
	_ =	sdelay $0x3  }
0x33: {  	p0 =	seq.s32 s10, $0x1;
	s10 =	sld [smem:$0x3FBB];
	_ =	sdelay $0x3  }
0x34: {  	[smem:$0x3FBB] =	sst s10  }
0x35: {  	s10 =	sld [smem:$0x3FBA];
	_ =	sdelay $0x3  }
0x36: {  	p1 =	seq.s32 s10, $0x1;
	s10 =	sld [smem:$0x3FBB];
	_ =	sdelay $0x3  }
0x37: {  	[smem:$0x3FBB] =	sst s10  }
0x38: {  	s10 =	sld [smem:$0x3FBC]  }
0x39: {  	_ = 	snop;
	(pc) =	sbr.ind lr, $3  }
0x3a: {  	_ = 	snop  }
0x3b: {  	_ = 	snop  }
0x3c: {  	p2 =	seq.s32 s10, $0x1;
	s10 =	sld [smem:$0x3FBB]  }
0x3d: {  	_ =	shalt  }
0x3e: {  	_ =	shalt  }
0x3f: {  	_ =	shalt  }
0x40: {  	_ =	shalt  }
0x41: {  	_ =	shalt  }
0x42: {  	_ =	shalt  }
0x43: {  	_ =	shalt  }
0x44: {  	_ =	shalt  }
0x45: {  	_ =	shalt  }
0x46: {  	_ =	shalt  }
0x47: {  	_ =	shalt  }
0x48: {  	_ =	shalt  }
0x49: {  	_ =	shalt  }
0x4a: {  	_ =	shalt  }
0x4b: {  	_ =	shalt  }
0x4c: {  	_ =	shalt  }
0x4d: {  	_ =	shalt  }
0x4e: {  	_ =	shalt  }
0x4f: {  	_ =	shalt  }
0x50: {  	_ =	shalt  }
0x51: {  	_ =	shalt  }
0x52: {  	_ =	shalt  }
0x53: {  	_ =	shalt  }
0x54: {  	_ =	shalt  }
0x55: {  	_ =	shalt  }
0x56: {  	_ =	shalt  }
0x57: {  	_ =	shalt  }
0x58: {  	_ =	shalt  }
0x59: {  	_ =	shalt  }
0x5a: {  	_ =	shalt  }
0x5b: {  	_ =	shalt  }
0x5c: {  	_ =	shalt  }
0x5d: {  	_ =	shalt  }
0x5e: {  	_ =	shalt  }
0x5f: {  	_ =	shalt  }
0x60: {  	_ =	shalt  }
0x61: {  	_ =	shalt  }
0x62: {  	_ =	shalt  }
0x63: {  	_ =	shalt  }
0x64: {  	_ =	shalt  }
0x65: {  	_ =	shalt  }
0x66: {  	_ =	shalt  }
0x67: {  	_ =	shalt  }
0x68: {  	_ =	shalt  }
0x69: {  	_ =	shalt  }
0x6a: {  	_ =	shalt  }
0x6b: {  	_ =	shalt  }
0x6c: {  	_ =	shalt  }
0x6d: {  	_ =	shalt  }
0x6e: {  	_ =	shalt  }
0x6f: {  	_ =	shalt  }
0x70: {  	_ =	shalt  }
0x71: {  	_ =	shalt  }
0x72: {  	_ =	shalt  }
0x73: {  	_ =	shalt  }
0x74: {  	_ =	shalt  }
0x75: {  	_ =	shalt  }
0x76: {  	_ =	shalt  }
0x77: {  	_ =	shalt  }
0x78: {  	_ =	shalt  }
0x79: {  	_ =	shalt  }
0x7a: {  	_ =	shalt  }
0x7b: {  	_ =	shalt  }
0x7c: {  	_ =	shalt  }
0x7d: {  	_ =	shalt  }
0x7e: {  	_ =	shalt  }
0x7f: {  	_ =	shalt  }
0x80: {  	_ =	shalt  }
0x81: {  	_ =	shalt  }
0x82: {  	_ =	shalt  }
0x83: {  	_ =	shalt  }
0x84: {  	_ =	shalt  }
0x85: {  	_ =	shalt  }
0x86: {  	_ =	shalt  }
0x87: {  	_ =	shalt  }
.Lfunc_end0:
.L_simem_size_0:
called_computation_lowered:
.L_overlay_start_0:
0x88: {  	s2 =	sld [smem:$0x3FD9]  }
0x89: {  	s3 =	sld [smem:$0x3FFE];
	_ =	sdelay $0x1  }
0x8a: {  	s1 =	srdreg.scid  }
0x8b: {  	s0 =	sand.u32 $0x1, s1  }
0x8c: {  	s18 =	sshll.u32 s0, $0xA;
	s2 =	sadd.s32 s3, s2  }
0x8d: {  	s2 =	sadd.s32 s2, s18  }
0x8e: {  	[smem:$0x3FC7] =	sst s2  }
0x8f: {  	_ = 	snop  }
0x90: {  	s2 =	sld [smem:$0x3FC9]  }
0x91: {  	s19 =	sld [smem:$0x3FD0];
	(tm) =	ssettm $0x1  }
0x92: {  	s4 =	sld [smem:$0x3FFB];
	_ =	sdelay $0x3  }
0x93: {  	_ =	strace s4  }
0x94: {  	s4 =	sld [smem:$0x3FFC];
	_ =	sdelay $0x3  }
0x95: {  	_ =	strace s4  }
0x96: {  	s4 =	sld [smem:$0x3FFD];
	_ =	sdelay $0x3  }
0x97: {  	_ =	strace s4  }
0x98: {  	_ =	strace $0x8FFFFFFF  }
0x99: {  	s20 =	sld [smem:$0x3FDB];
	_ =	sdelay $0x1  }
0x9a: {  	s5 =	simm.s32 $_scs_section_size  }
0x9b: {  	s6 =	simm.s32 $_size__tile_overlayer_lowered;
	s7 =	simm.s32 $_tile_overlayer_lowered  }
0x9c: {  	s23 =	simm.s32 $0x1BFF;
	s22 =	sshll.u32 s7, $0x1;
	s4 =	sadd.s32 s5, s20  }
0x9d: {  	s8 =	simm.s32 $0x0;
	s21 =	sshll.u32 s6, $0x1;
	s6 =	sadd.s32 s22, s4  }
0x9e: {  	[timem:s8], [sflag:s23] =	dma.local [hbm:s6], s21  }
0x9f: {  	_ =	swait.ge [sflag:s23], s21  }
0xa0: {  	s5 =	ssub.s32 $0x0, s21;
	[sflag:s23] =	ssyncset.done $0x0  }
0xa1: {  	[sflag:s23] =	ssyncadd.s32 s5;
	_ =	sdelay $0x1  }
0xa2: {  	s24 =	simm.s32 $0x1B8B  }
0xa3: {  	_ =	swait.ge [sflag:s24], $0x1  }
0xa4: {  	[sflag:s24] =	ssyncset.done $0x0  }
0xa5: {  	s25 =	simm.s32 $0x1B8E;
	[sflag:s24] =	ssyncadd.s32 $0xFFFFFFFF  }
0xa6: {  	s26 =	simm.s32 $execute0_lowered;
	[smem:$0x3FD2] =	sst s25  }
0xa7: {  	s5 =	sshll.u32 s26, $0x1;
	_ =	strace $0x80000046;
	[dreg:$0x1] =	wrdreg $0xFFFFFFFF  }
0xa8: {  	s28 =	simm.s32 $_size_execute0_lowered;
	s4 =	sadd.s32 s4, s5;
	[dreg:$0x0] =	wrdreg $0x0  }
0xa9: {  	s5 =	sshll.u32 s28, $0x1;
	[dreg:$0x2] =	wrdreg s4  }
0xaa: {  	[dreg:$0x3] =	wrdreg s5  }
0xab: {  	[dreg:$0x4] =	wrdreg $0xC0  }
0xac: {  	_ =	task [dreg:s8], $0x5FFFF  }
0xad: {  	[dreg:$0x1] =	wrdreg $0xFFFFFFFF  }
0xae: {  	[dreg:$0x0] =	wrdreg $0x60  }
0xaf: {  	[dreg:$0x2] =	wrdreg s2  }
0xb0: {  	[dreg:$0x3] =	wrdreg s19  }
0xb1: {  	[dreg:$0x4] =	wrdreg $0x9  }
0xb2: {  	_ =	task.clear_ibuf [dreg:s8], $0x5FFFF;
	_ =	strace $0x90000046  }
0xb3: {  	s29 =	simm.s32 $0x9;
	_ =	strace $0x80000048  }
0xb4: {  	_ =	swait.ge [sflag:s29], $0x1  }
0xb5: {  	[sflag:s29] =	ssyncadd.s32 $0xFFFFFFFF  }
0xb6: {  	_ =	strace $0x90000048  }
0xb7: {  	_ =	sfence  }
0xb8: {  	s30 =	sld [smem:$0x0];
	_ =	sdelay $0x2  }
0xb9: {  	s31 =	sshll.u32 s1, $0xD;
	s1 =	sshrl.u32 s1, $0x2  }
0xba: {  	s3 =	sand.u32 $0x4000, s31;
	s1 =	sadd.s32 s1, s30  }
0xbb: {  	s0 =	sor.u32 s3, s0;
	s1 =	sshll.u32 s1, $0x11  }
0xbc: {  	s0 =	sor.u32 s1, s0  }
0xbd: {  	s0 =	sadd.s32 $0x8F2B, s0  }
0xbe: {  	[sflag:s0] =	ssyncadd.remote.s32 $0x1  }
0xbf: {  	_ =	sfence.sel $0xFFFF  }
0xc0: {  	[dreg:$0x0] =	wrdreg $0xFFFFFFFF;
	(pc) =	sbr.abs _section_cstart, $3  }
0xc1: {  	[dreg:$0x1] =	wrdreg $0xFFFFFFFF  }
0xc2: {  	_ =	task.clear_ibuf [dreg:s8], $0x2FFFF;
	_ =	strace $0x9FFFFFFF  }
0xc3: {  	(tm) =	ssettm $0x7FFFFFFF  }
tec
execute0_lowered:
.L_overlay_start_1:
0x0: {  	(tag) =	ssettag $0x1  }
0x1: {  	s1 =	rddreg [dreg:$0x0]  }
0x2: {  	s8 =	rddreg [dreg:$0x1]  }
0x3: {  	s0 =	rddreg [dreg:$0x2]  }
0x4: {  	s3 =	simm.s32 $0x0;
	s4 =	srdreg.scid;
	s2 =	stileid.u32  }
0x5: {  	s11 =	simm.s32 $0x1;
	s12 =	simm.s32 $0x4000;
	s13 =	simm.s32 $0x2  }
0x6: {  	s14 =	simm.s32 $0x80;
	s15 =	simm.s32 $0x400;
	s16 =	simm.s32 $0x3  }
0x7: {  	s17 =	simm.s32 $0x0;
	[smem:$0x7FF] =	sst s3;
	s4 =	sand.u32 $0x1, s4  }
0x8: {  	s5 =	sshll.u32 s2, $0x1;
	s6 =	sshrl.u32 s2, $0x2;
	_ =	strace $0x80000047  }
0x9: {  	s5 =	sor.u32 s4, s5;
	s4 =	ssub.s32 $0x2, s4;
	s6 =	smul.u32 $0xC3800, s6  }
0xa: {  	s7 =	sshll.u32 s5, $0x7;
	s9 =	sshrl.u32 s4, $0x1;
	s10 =	sshll.u32 s5, $0xF  }
0xb: {  	s30 =	sshll.u32 s5, $0x12;
	s7 =	sand.u32 $0x380, s7;
	s9 =	ssub.s32 s4, s9  }
0xc: {  	s4 =	sadd.s32 s1, s10;
	s10 =	simm.s32 $0x2000;
	s6 =	sor.u32 s6, s7  }
0xd: {  	s5 =	sadd.s32 $0x400, s4;
	s7 =	sor.u32 $0x6000, s30;
	s31 =	sshrl.u32 s6, $0x3  }
0xe: {  	v0 =	vimm.s32 $0x0;
	v1 =	vimm.s32 $0x1;
	s9 =	smax.u32 s9, $0x1;
	s6 =	sor.u32 $0x4000, s30;
	s8 =	sadd.s32 s8, s31  }
.LBB2_1:
0xf: {  	[tilespmem:s3], [sflag:$0x1] =	stream.linear.gather [hbm4b:s4+s3], $0x2000, $0x38;
	[tilespmem:$0x1C700] =	vst v63  }
0x10: {  	s18 =	simm.s32 $0x4040  }
0x11: {  	[tilespmem:s10], [sflag:$0x2] =	stream.linear.gather [hbm4b:s5+s3], $0x2000, $0x38;
	[tilespmem:$0x1C700] =	vst v63  }
0x12: {  	[tilespmem:s18+$0xFFFFFFC0] =	vst v0  }
0x13: {  	[tilespmem:s18+$0x30] =	vst v0  }
0x14: {  	[tilespmem:s18+$0x20] =	vst v0  }
0x15: {  	[tilespmem:s18+$0x10] =	vst v0  }
0x16: {  	[tilespmem:s18+$0x0] =	vst v0  }
0x17: {  	[tilespmem:s18+$0xFFFFFFF0] =	vst v0  }
0x18: {  	s19 =	simm.s32 $0x0;
	[tilespmem:s18+$0xFFFFFFE0] =	vst v0  }
.LBB2_2:
0x19: {  	s19 =	sadd.s32 $0x8, s19;
	[tilespmem:s18+$0xFFFFFFD0] =	vst v0;
	s18 =	sadd.s32 $0x80, s18  }
0x1a: {  	[tilespmem:s18+$0xFFFFFFC0] =	vst v0;
	p0 =	slt.u32 s19, $0x1860  }
0x1b: {  	[tilespmem:s18+$0x30] =	vst v0  }
.Ltmp0:
0x1c: {  	[tilespmem:s18+$0x20] =	vst v0;
	(pc) =	sbr.rel @p0 .LBB2_2-.Ltmp0, $4  }
0x1d: {  	[tilespmem:s18+$0x10] =	vst v0  }
0x1e: {  	[tilespmem:s18+$0x0] =	vst v0  }
0x1f: {  	[tilespmem:s18+$0xFFFFFFF0] =	vst v0  }
0x20: {  	[tilespmem:s18+$0xFFFFFFE0] =	vst v0  }
0x21: {  	[tilespmem:s18+$0xFFFFFFD0] =	vst v0;
	s18 =	simm.s32 $0x0;
	s19 =	simm.s32 $0x0  }
.LBB2_4:
0x22: {  	p0 =	sne.s32 s19, $0x40  }
.Ltmp1:
0x23: {  	_ = 	snop;
	(pc) =	sbr.rel @p0 .LBB2_4-.Ltmp1, $3  }
0x24: {  	_ =	sdelay $0x1  }
0x25: {  	s20 =	sshra.s32 s19, $0x2  }
0x26: {  	s19 =	sadd.s32 $0x40, s19;
	[tilespmem:s20+$0x1C680] =	vst v0  }
.LBB2_5:
0x27: {  	_ =	swait.ge [sflag:s11], $0x2000  }
0x28: {  	[sflag:s11] =	ssyncset.done $0x0  }
0x29: {  	s19 =	simm.s32 $0x80;
	[sflag:s11] =	ssyncadd.s32 $0xFFFFE000  }
0x2a: {  	v3 =	vld [tilespmem:s19+$0x30]  }
0x2b: {  	v4 =	vld [tilespmem:s19+$0x40]  }
0x2c: {  	v2 =	vld [tilespmem:s19+$0xFFFFFF80]  }
0x2d: {  	v5 =	vld [tilespmem:s19+$0x70]  }
0x2e: {  	v6 =	vld [tilespmem:s19+$0xFFFFFFD0]  }
0x2f: {  	v7 =	vld [tilespmem:s19+$0xFFFFFFE0]  }
0x30: {  	v8 =	vld [tilespmem:s19+$0xFFFFFFF0]  }
0x31: {  	v9 =	vld [tilespmem:s19+$0x0]  }
0x32: {  	v10 =	vld [tilespmem:s19+$0x60]  }
0x33: {  	v11 =	vld [tilespmem:s19+$0x50]  }
0x34: {  	v62 =	vld [tilespmem:s19+$0xFFFFFFA0]  }
0x35: {  	v12 =	vld [tilespmem:s19+$0x20]  }
0x36: {  	v13 =	vld [tilespmem:s19+$0x10]  }
0x37: {  	v63 =	vld [tilespmem:s19+$0xFFFFFFB0]  }
0x38: {  	[tilespmem:v2+s12+$0x0] =	vst.idx.add.s32.msk $0xffff, v1  }
0x39: {  	[tilespmem:v5+s12+$0x0] =	vst.idx.add.s32.msk $0xffff, v1  }
0x3a: {  	v2 =	vld [tilespmem:s19+$0xFFFFFF90]  }
0x3b: {  	[tilespmem:v10+s12+$0x0] =	vst.idx.add.s32.msk $0xffff, v1  }
0x3c: {  	[tilespmem:v11+s12+$0x0] =	vst.idx.add.s32.msk $0xffff, v1  }
0x3d: {  	[tilespmem:v4+s12+$0x0] =	vst.idx.add.s32.msk $0xffff, v1  }
0x3e: {  	[tilespmem:v3+s12+$0x0] =	vst.idx.add.s32.msk $0xffff, v1  }
0x3f: {  	v3 =	vld [tilespmem:s19+$0xFFFFFFC0]  }
0x40: {  	[tilespmem:v12+s12+$0x0] =	vst.idx.add.s32.msk $0xffff, v1  }
0x41: {  	[tilespmem:v13+s12+$0x0] =	vst.idx.add.s32.msk $0xffff, v1  }
0x42: {  	[tilespmem:v9+s12+$0x0] =	vst.idx.add.s32.msk $0xffff, v1  }
0x43: {  	[tilespmem:v8+s12+$0x0] =	vst.idx.add.s32.msk $0xffff, v1  }
0x44: {  	[tilespmem:v7+s12+$0x0] =	vst.idx.add.s32.msk $0xffff, v1  }
0x45: {  	[tilespmem:v6+s12+$0x0] =	vst.idx.add.s32.msk $0xffff, v1  }
0x46: {  	[tilespmem:v63+s12+$0x0] =	vst.idx.add.s32.msk $0xffff, v1  }
0x47: {  	[tilespmem:v62+s12+$0x0] =	vst.idx.add.s32.msk $0xffff, v1  }
0x48: {  	s20 =	simm.s32 $0x0;
	[tilespmem:v3+s12+$0x0] =	vst.idx.add.s32.msk $0xffff, v1  }
.LBB2_6:
0x49: {  	s20 =	sadd.s32 $0x10, s20;
	[tilespmem:v2+s12+$0x0] =	vst.idx.add.s32.msk $0xffff, v1;
	s19 =	sadd.s32 $0x100, s19  }
0x4a: {  	v3 =	vld [tilespmem:s19+$0x30];
	p0 =	slt.u32 s20, $0x1F0  }
0x4b: {  	v4 =	vld [tilespmem:s19+$0x40]  }
0x4c: {  	v2 =	vld [tilespmem:s19+$0xFFFFFF80]  }
0x4d: {  	v5 =	vld [tilespmem:s19+$0x70]  }
0x4e: {  	v6 =	vld [tilespmem:s19+$0xFFFFFFD0]  }
0x4f: {  	v7 =	vld [tilespmem:s19+$0xFFFFFFE0]  }
0x50: {  	v8 =	vld [tilespmem:s19+$0xFFFFFFF0]  }
0x51: {  	v9 =	vld [tilespmem:s19+$0x0]  }
0x52: {  	v10 =	vld [tilespmem:s19+$0x60]  }
0x53: {  	v11 =	vld [tilespmem:s19+$0x50]  }
0x54: {  	[tilespmem:v2+s12+$0x0] =	vst.idx.add.s32.msk $0xffff, v1  }
0x55: {  	[tilespmem:v5+s12+$0x0] =	vst.idx.add.s32.msk $0xffff, v1  }
0x56: {  	v2 =	vld [tilespmem:s19+$0xFFFFFF90]  }
0x57: {  	v5 =	vld [tilespmem:s19+$0xFFFFFFA0]  }
0x58: {  	v12 =	vld [tilespmem:s19+$0x20]  }
0x59: {  	v13 =	vld [tilespmem:s19+$0x10]  }
0x5a: {  	[tilespmem:v10+s12+$0x0] =	vst.idx.add.s32.msk $0xffff, v1  }
0x5b: {  	[tilespmem:v11+s12+$0x0] =	vst.idx.add.s32.msk $0xffff, v1  }
0x5c: {  	[tilespmem:v4+s12+$0x0] =	vst.idx.add.s32.msk $0xffff, v1  }
0x5d: {  	[tilespmem:v3+s12+$0x0] =	vst.idx.add.s32.msk $0xffff, v1  }
0x5e: {  	v3 =	vld [tilespmem:s19+$0xFFFFFFC0]  }
0x5f: {  	v4 =	vld [tilespmem:s19+$0xFFFFFFB0]  }
0x60: {  	[tilespmem:v12+s12+$0x0] =	vst.idx.add.s32.msk $0xffff, v1  }
0x61: {  	[tilespmem:v13+s12+$0x0] =	vst.idx.add.s32.msk $0xffff, v1  }
0x62: {  	[tilespmem:v9+s12+$0x0] =	vst.idx.add.s32.msk $0xffff, v1  }
0x63: {  	[tilespmem:v8+s12+$0x0] =	vst.idx.add.s32.msk $0xffff, v1  }
.Ltmp2:
0x64: {  	[tilespmem:v7+s12+$0x0] =	vst.idx.add.s32.msk $0xffff, v1;
	(pc) =	sbr.rel @p0 .LBB2_6-.Ltmp2, $4  }
0x65: {  	[tilespmem:v6+s12+$0x0] =	vst.idx.add.s32.msk $0xffff, v1  }
0x66: {  	[tilespmem:v3+s12+$0x0] =	vst.idx.add.s32.msk $0xffff, v1  }
0x67: {  	[tilespmem:v4+s12+$0x0] =	vst.idx.add.s32.msk $0xffff, v1  }
0x68: {  	[tilespmem:v5+s12+$0x0] =	vst.idx.add.s32.msk $0xffff, v1  }
0x69: {  	_ = 	snop  }
0x6a: {  	s19 =	sshll.u32 s18, $0xE  }
0x6b: {  	s20 =	sadd.s32 s19, s6  }
0x6c: {  	s20 =	sshrl.u32 s20, $0x3  }
0x6d: {  	[tilespmem:v2+s12+$0x0] =	vst.idx.add.s32.msk $0xffff, v1;
	s20 =	sadd.s32 s1, s20  }
0x6e: {  	[tilespmem:s3], [sflag:$0x1] =	stream.linear.gather [hbm4b:s20+s3], $0x2000, $0x38;
	[tilespmem:$0x1C700] =	vst v63  }
0x6f: {  	_ =	swait.ge [sflag:s13], $0x2000  }
0x70: {  	[sflag:s13] =	ssyncset.done $0x0  }
0x71: {  	s20 =	simm.s32 $0x2080;
	[sflag:s13] =	ssyncadd.s32 $0xFFFFE000  }
0x72: {  	v3 =	vld [tilespmem:s20+$0x30]  }
0x73: {  	v4 =	vld [tilespmem:s20+$0x40]  }
0x74: {  	v2 =	vld [tilespmem:s20+$0xFFFFFF80]  }
0x75: {  	v5 =	vld [tilespmem:s20+$0x70]  }
0x76: {  	v6 =	vld [tilespmem:s20+$0xFFFFFFD0]  }
0x77: {  	v7 =	vld [tilespmem:s20+$0xFFFFFFE0]  }
0x78: {  	v8 =	vld [tilespmem:s20+$0xFFFFFFF0]  }
0x79: {  	v9 =	vld [tilespmem:s20+$0x0]  }
0x7a: {  	v10 =	vld [tilespmem:s20+$0x60]  }
0x7b: {  	v11 =	vld [tilespmem:s20+$0x50]  }
0x7c: {  	v62 =	vld [tilespmem:s20+$0xFFFFFFA0]  }
0x7d: {  	v12 =	vld [tilespmem:s20+$0x20]  }
0x7e: {  	v13 =	vld [tilespmem:s20+$0x10]  }
0x7f: {  	v63 =	vld [tilespmem:s20+$0xFFFFFFB0]  }
0x80: {  	[tilespmem:v2+s12+$0x0] =	vst.idx.add.s32.msk $0xffff, v1  }
0x81: {  	[tilespmem:v5+s12+$0x0] =	vst.idx.add.s32.msk $0xffff, v1  }
0x82: {  	v2 =	vld [tilespmem:s20+$0xFFFFFF90]  }
0x83: {  	[tilespmem:v10+s12+$0x0] =	vst.idx.add.s32.msk $0xffff, v1  }
0x84: {  	[tilespmem:v11+s12+$0x0] =	vst.idx.add.s32.msk $0xffff, v1  }
0x85: {  	[tilespmem:v4+s12+$0x0] =	vst.idx.add.s32.msk $0xffff, v1  }
0x86: {  	[tilespmem:v3+s12+$0x0] =	vst.idx.add.s32.msk $0xffff, v1  }
0x87: {  	v3 =	vld [tilespmem:s20+$0xFFFFFFC0]  }
0x88: {  	[tilespmem:v12+s12+$0x0] =	vst.idx.add.s32.msk $0xffff, v1  }
0x89: {  	[tilespmem:v13+s12+$0x0] =	vst.idx.add.s32.msk $0xffff, v1  }
0x8a: {  	[tilespmem:v9+s12+$0x0] =	vst.idx.add.s32.msk $0xffff, v1  }
0x8b: {  	[tilespmem:v8+s12+$0x0] =	vst.idx.add.s32.msk $0xffff, v1  }
0x8c: {  	[tilespmem:v7+s12+$0x0] =	vst.idx.add.s32.msk $0xffff, v1  }
0x8d: {  	[tilespmem:v6+s12+$0x0] =	vst.idx.add.s32.msk $0xffff, v1  }
0x8e: {  	[tilespmem:v63+s12+$0x0] =	vst.idx.add.s32.msk $0xffff, v1  }
0x8f: {  	[tilespmem:v62+s12+$0x0] =	vst.idx.add.s32.msk $0xffff, v1  }
0x90: {  	s21 =	simm.s32 $0x0;
	[tilespmem:v3+s12+$0x0] =	vst.idx.add.s32.msk $0xffff, v1  }
.LBB2_8:
0x91: {  	s21 =	sadd.s32 $0x10, s21;
	[tilespmem:v2+s12+$0x0] =	vst.idx.add.s32.msk $0xffff, v1;
	s20 =	sadd.s32 $0x100, s20  }
0x92: {  	v3 =	vld [tilespmem:s20+$0x30];
	p0 =	slt.u32 s21, $0x1F0  }
0x93: {  	v4 =	vld [tilespmem:s20+$0x40]  }
0x94: {  	v2 =	vld [tilespmem:s20+$0xFFFFFF80]  }
0x95: {  	v5 =	vld [tilespmem:s20+$0x70]  }
0x96: {  	v6 =	vld [tilespmem:s20+$0xFFFFFFD0]  }
0x97: {  	v7 =	vld [tilespmem:s20+$0xFFFFFFE0]  }
0x98: {  	v8 =	vld [tilespmem:s20+$0xFFFFFFF0]  }
0x99: {  	v9 =	vld [tilespmem:s20+$0x0]  }
0x9a: {  	v10 =	vld [tilespmem:s20+$0x60]  }
0x9b: {  	v11 =	vld [tilespmem:s20+$0x50]  }
0x9c: {  	[tilespmem:v2+s12+$0x0] =	vst.idx.add.s32.msk $0xffff, v1  }
0x9d: {  	[tilespmem:v5+s12+$0x0] =	vst.idx.add.s32.msk $0xffff, v1  }
0x9e: {  	v2 =	vld [tilespmem:s20+$0xFFFFFF90]  }
0x9f: {  	v5 =	vld [tilespmem:s20+$0xFFFFFFA0]  }
0xa0: {  	v12 =	vld [tilespmem:s20+$0x20]  }
0xa1: {  	v13 =	vld [tilespmem:s20+$0x10]  }
0xa2: {  	[tilespmem:v10+s12+$0x0] =	vst.idx.add.s32.msk $0xffff, v1  }
0xa3: {  	[tilespmem:v11+s12+$0x0] =	vst.idx.add.s32.msk $0xffff, v1  }
0xa4: {  	[tilespmem:v4+s12+$0x0] =	vst.idx.add.s32.msk $0xffff, v1  }
0xa5: {  	[tilespmem:v3+s12+$0x0] =	vst.idx.add.s32.msk $0xffff, v1  }
0xa6: {  	v3 =	vld [tilespmem:s20+$0xFFFFFFC0]  }
0xa7: {  	v4 =	vld [tilespmem:s20+$0xFFFFFFB0]  }
0xa8: {  	[tilespmem:v12+s12+$0x0] =	vst.idx.add.s32.msk $0xffff, v1  }
0xa9: {  	[tilespmem:v13+s12+$0x0] =	vst.idx.add.s32.msk $0xffff, v1  }
0xaa: {  	[tilespmem:v9+s12+$0x0] =	vst.idx.add.s32.msk $0xffff, v1  }
0xab: {  	[tilespmem:v8+s12+$0x0] =	vst.idx.add.s32.msk $0xffff, v1  }
.Ltmp3:
0xac: {  	[tilespmem:v7+s12+$0x0] =	vst.idx.add.s32.msk $0xffff, v1;
	(pc) =	sbr.rel @p0 .LBB2_8-.Ltmp3, $4  }
0xad: {  	[tilespmem:v6+s12+$0x0] =	vst.idx.add.s32.msk $0xffff, v1  }
0xae: {  	[tilespmem:v3+s12+$0x0] =	vst.idx.add.s32.msk $0xffff, v1  }
0xaf: {  	[tilespmem:v4+s12+$0x0] =	vst.idx.add.s32.msk $0xffff, v1  }
0xb0: {  	[tilespmem:v5+s12+$0x0] =	vst.idx.add.s32.msk $0xffff, v1  }
0xb1: {  	s18 =	sadd.s32 $0x1, s18  }
0xb2: {  	p0 =	sne.s32 s18, $0xF  }
.Ltmp4:
0xb3: {  	_ = 	snop;
	(pc) =	sbr.rel @p0 .LBB2_5-.Ltmp4, $4  }
0xb4: {  	s19 =	sadd.s32 s19, s7  }
0xb5: {  	s19 =	sshrl.u32 s19, $0x3  }
0xb6: {  	[tilespmem:v2+s12+$0x0] =	vst.idx.add.s32.msk $0xffff, v1;
	s19 =	sadd.s32 s1, s19  }
0xb7: {  	[tilespmem:s10], [sflag:$0x2] =	stream.linear.gather [hbm4b:s19+s3], $0x2000, $0x38;
	[tilespmem:$0x1C700] =	vst v63  }
0xb8: {  	_ =	swait.ge [sflag:s11], $0x2000  }
0xb9: {  	[sflag:s11] =	ssyncset.done $0x0  }
0xba: {  	s18 =	simm.s32 $0x80;
	[sflag:s11] =	ssyncadd.s32 $0xFFFFE000  }
0xbb: {  	v3 =	vld [tilespmem:s18+$0x30]  }
0xbc: {  	v4 =	vld [tilespmem:s18+$0x40]  }
0xbd: {  	v2 =	vld [tilespmem:s18+$0xFFFFFF80]  }
0xbe: {  	v5 =	vld [tilespmem:s18+$0x70]  }
0xbf: {  	v6 =	vld [tilespmem:s18+$0xFFFFFFD0]  }
0xc0: {  	v7 =	vld [tilespmem:s18+$0xFFFFFFE0]  }
0xc1: {  	v8 =	vld [tilespmem:s18+$0xFFFFFFF0]  }
0xc2: {  	v9 =	vld [tilespmem:s18+$0x0]  }
0xc3: {  	v10 =	vld [tilespmem:s18+$0x60]  }
0xc4: {  	v11 =	vld [tilespmem:s18+$0x50]  }
0xc5: {  	v62 =	vld [tilespmem:s18+$0xFFFFFFA0]  }
0xc6: {  	v12 =	vld [tilespmem:s18+$0x20]  }
0xc7: {  	v13 =	vld [tilespmem:s18+$0x10]  }
0xc8: {  	v63 =	vld [tilespmem:s18+$0xFFFFFFB0]  }
0xc9: {  	[tilespmem:v2+s12+$0x0] =	vst.idx.add.s32.msk $0xffff, v1  }
0xca: {  	[tilespmem:v5+s12+$0x0] =	vst.idx.add.s32.msk $0xffff, v1  }
0xcb: {  	v2 =	vld [tilespmem:s18+$0xFFFFFF90]  }
0xcc: {  	[tilespmem:v10+s12+$0x0] =	vst.idx.add.s32.msk $0xffff, v1  }
0xcd: {  	[tilespmem:v11+s12+$0x0] =	vst.idx.add.s32.msk $0xffff, v1  }
0xce: {  	[tilespmem:v4+s12+$0x0] =	vst.idx.add.s32.msk $0xffff, v1  }
0xcf: {  	[tilespmem:v3+s12+$0x0] =	vst.idx.add.s32.msk $0xffff, v1  }
0xd0: {  	v3 =	vld [tilespmem:s18+$0xFFFFFFC0]  }
0xd1: {  	[tilespmem:v12+s12+$0x0] =	vst.idx.add.s32.msk $0xffff, v1  }
0xd2: {  	[tilespmem:v13+s12+$0x0] =	vst.idx.add.s32.msk $0xffff, v1  }
0xd3: {  	[tilespmem:v9+s12+$0x0] =	vst.idx.add.s32.msk $0xffff, v1  }
0xd4: {  	[tilespmem:v8+s12+$0x0] =	vst.idx.add.s32.msk $0xffff, v1  }
0xd5: {  	[tilespmem:v7+s12+$0x0] =	vst.idx.add.s32.msk $0xffff, v1  }
0xd6: {  	[tilespmem:v6+s12+$0x0] =	vst.idx.add.s32.msk $0xffff, v1  }
0xd7: {  	[tilespmem:v63+s12+$0x0] =	vst.idx.add.s32.msk $0xffff, v1  }
0xd8: {  	[tilespmem:v62+s12+$0x0] =	vst.idx.add.s32.msk $0xffff, v1  }
0xd9: {  	s19 =	simm.s32 $0x0;
	[tilespmem:v3+s12+$0x0] =	vst.idx.add.s32.msk $0xffff, v1  }
.LBB2_11:
0xda: {  	s19 =	sadd.s32 $0x10, s19;
	[tilespmem:v2+s12+$0x0] =	vst.idx.add.s32.msk $0xffff, v1;
	s18 =	sadd.s32 $0x100, s18  }
0xdb: {  	v3 =	vld [tilespmem:s18+$0x30];
	p0 =	slt.u32 s19, $0x1F0  }
0xdc: {  	v4 =	vld [tilespmem:s18+$0x40]  }
0xdd: {  	v2 =	vld [tilespmem:s18+$0xFFFFFF80]  }
0xde: {  	v5 =	vld [tilespmem:s18+$0x70]  }
0xdf: {  	v6 =	vld [tilespmem:s18+$0xFFFFFFD0]  }
0xe0: {  	v7 =	vld [tilespmem:s18+$0xFFFFFFE0]  }
0xe1: {  	v8 =	vld [tilespmem:s18+$0xFFFFFFF0]  }
0xe2: {  	v9 =	vld [tilespmem:s18+$0x0]  }
0xe3: {  	v10 =	vld [tilespmem:s18+$0x60]  }
0xe4: {  	v11 =	vld [tilespmem:s18+$0x50]  }
0xe5: {  	[tilespmem:v2+s12+$0x0] =	vst.idx.add.s32.msk $0xffff, v1  }
0xe6: {  	[tilespmem:v5+s12+$0x0] =	vst.idx.add.s32.msk $0xffff, v1  }
0xe7: {  	v2 =	vld [tilespmem:s18+$0xFFFFFF90]  }
0xe8: {  	v5 =	vld [tilespmem:s18+$0xFFFFFFA0]  }
0xe9: {  	v12 =	vld [tilespmem:s18+$0x20]  }
0xea: {  	v13 =	vld [tilespmem:s18+$0x10]  }
0xeb: {  	[tilespmem:v10+s12+$0x0] =	vst.idx.add.s32.msk $0xffff, v1  }
0xec: {  	[tilespmem:v11+s12+$0x0] =	vst.idx.add.s32.msk $0xffff, v1  }
0xed: {  	[tilespmem:v4+s12+$0x0] =	vst.idx.add.s32.msk $0xffff, v1  }
0xee: {  	[tilespmem:v3+s12+$0x0] =	vst.idx.add.s32.msk $0xffff, v1  }
0xef: {  	v3 =	vld [tilespmem:s18+$0xFFFFFFC0]  }
0xf0: {  	v4 =	vld [tilespmem:s18+$0xFFFFFFB0]  }
0xf1: {  	[tilespmem:v12+s12+$0x0] =	vst.idx.add.s32.msk $0xffff, v1  }
0xf2: {  	[tilespmem:v13+s12+$0x0] =	vst.idx.add.s32.msk $0xffff, v1  }
0xf3: {  	[tilespmem:v9+s12+$0x0] =	vst.idx.add.s32.msk $0xffff, v1  }
0xf4: {  	[tilespmem:v8+s12+$0x0] =	vst.idx.add.s32.msk $0xffff, v1  }
.Ltmp5:
0xf5: {  	[tilespmem:v7+s12+$0x0] =	vst.idx.add.s32.msk $0xffff, v1;
	(pc) =	sbr.rel @p0 .LBB2_11-.Ltmp5, $4  }
0xf6: {  	[tilespmem:v6+s12+$0x0] =	vst.idx.add.s32.msk $0xffff, v1  }
0xf7: {  	[tilespmem:v3+s12+$0x0] =	vst.idx.add.s32.msk $0xffff, v1  }
0xf8: {  	[tilespmem:v4+s12+$0x0] =	vst.idx.add.s32.msk $0xffff, v1  }
0xf9: {  	[tilespmem:v5+s12+$0x0] =	vst.idx.add.s32.msk $0xffff, v1  }
0xfa: {  	_ =	sdelay $0x3  }
0xfb: {  	[tilespmem:v2+s12+$0x0] =	vst.idx.add.s32.msk $0xffff, v1  }
0xfc: {  	_ =	swait.ge [sflag:s13], $0x2000  }
0xfd: {  	[sflag:s13] =	ssyncset.done $0x0  }
0xfe: {  	s18 =	simm.s32 $0x2080;
	[sflag:s13] =	ssyncadd.s32 $0xFFFFE000  }
0xff: {  	v3 =	vld [tilespmem:s18+$0x30]  }
0x100: {  	v4 =	vld [tilespmem:s18+$0x40]  }
0x101: {  	v2 =	vld [tilespmem:s18+$0xFFFFFF80]  }
0x102: {  	v5 =	vld [tilespmem:s18+$0x70]  }
0x103: {  	v6 =	vld [tilespmem:s18+$0xFFFFFFD0]  }
0x104: {  	v7 =	vld [tilespmem:s18+$0xFFFFFFE0]  }
0x105: {  	v8 =	vld [tilespmem:s18+$0xFFFFFFF0]  }
0x106: {  	v9 =	vld [tilespmem:s18+$0x0]  }
0x107: {  	v10 =	vld [tilespmem:s18+$0x60]  }
0x108: {  	v11 =	vld [tilespmem:s18+$0x50]  }
0x109: {  	v62 =	vld [tilespmem:s18+$0xFFFFFFA0]  }
0x10a: {  	v12 =	vld [tilespmem:s18+$0x20]  }
0x10b: {  	v13 =	vld [tilespmem:s18+$0x10]  }
0x10c: {  	v63 =	vld [tilespmem:s18+$0xFFFFFFB0]  }
0x10d: {  	[tilespmem:v2+s12+$0x0] =	vst.idx.add.s32.msk $0xffff, v1  }
0x10e: {  	[tilespmem:v5+s12+$0x0] =	vst.idx.add.s32.msk $0xffff, v1  }
0x10f: {  	v2 =	vld [tilespmem:s18+$0xFFFFFF90]  }
0x110: {  	[tilespmem:v10+s12+$0x0] =	vst.idx.add.s32.msk $0xffff, v1  }
0x111: {  	[tilespmem:v11+s12+$0x0] =	vst.idx.add.s32.msk $0xffff, v1  }
0x112: {  	[tilespmem:v4+s12+$0x0] =	vst.idx.add.s32.msk $0xffff, v1  }
0x113: {  	[tilespmem:v3+s12+$0x0] =	vst.idx.add.s32.msk $0xffff, v1  }
0x114: {  	v3 =	vld [tilespmem:s18+$0xFFFFFFC0]  }
0x115: {  	[tilespmem:v12+s12+$0x0] =	vst.idx.add.s32.msk $0xffff, v1  }
0x116: {  	[tilespmem:v13+s12+$0x0] =	vst.idx.add.s32.msk $0xffff, v1  }
0x117: {  	[tilespmem:v9+s12+$0x0] =	vst.idx.add.s32.msk $0xffff, v1  }
0x118: {  	[tilespmem:v8+s12+$0x0] =	vst.idx.add.s32.msk $0xffff, v1  }
0x119: {  	[tilespmem:v7+s12+$0x0] =	vst.idx.add.s32.msk $0xffff, v1  }
0x11a: {  	[tilespmem:v6+s12+$0x0] =	vst.idx.add.s32.msk $0xffff, v1  }
0x11b: {  	[tilespmem:v63+s12+$0x0] =	vst.idx.add.s32.msk $0xffff, v1  }
0x11c: {  	[tilespmem:v62+s12+$0x0] =	vst.idx.add.s32.msk $0xffff, v1  }
0x11d: {  	s19 =	simm.s32 $0x0;
	[tilespmem:v3+s12+$0x0] =	vst.idx.add.s32.msk $0xffff, v1  }
.LBB2_13:
0x11e: {  	s19 =	sadd.s32 $0x10, s19;
	[tilespmem:v2+s12+$0x0] =	vst.idx.add.s32.msk $0xffff, v1;
	s18 =	sadd.s32 $0x100, s18  }
0x11f: {  	v3 =	vld [tilespmem:s18+$0x30];
	p0 =	slt.u32 s19, $0x1F0  }
0x120: {  	v4 =	vld [tilespmem:s18+$0x40]  }
0x121: {  	v2 =	vld [tilespmem:s18+$0xFFFFFF80]  }
0x122: {  	v5 =	vld [tilespmem:s18+$0x70]  }
0x123: {  	v6 =	vld [tilespmem:s18+$0xFFFFFFD0]  }
0x124: {  	v7 =	vld [tilespmem:s18+$0xFFFFFFE0]  }
0x125: {  	v8 =	vld [tilespmem:s18+$0xFFFFFFF0]  }
0x126: {  	v9 =	vld [tilespmem:s18+$0x0]  }
0x127: {  	v10 =	vld [tilespmem:s18+$0x60]  }
0x128: {  	v11 =	vld [tilespmem:s18+$0x50]  }
0x129: {  	[tilespmem:v2+s12+$0x0] =	vst.idx.add.s32.msk $0xffff, v1  }
0x12a: {  	[tilespmem:v5+s12+$0x0] =	vst.idx.add.s32.msk $0xffff, v1  }
0x12b: {  	v2 =	vld [tilespmem:s18+$0xFFFFFF90]  }
0x12c: {  	v5 =	vld [tilespmem:s18+$0xFFFFFFA0]  }
0x12d: {  	v12 =	vld [tilespmem:s18+$0x20]  }
0x12e: {  	v13 =	vld [tilespmem:s18+$0x10]  }
0x12f: {  	[tilespmem:v10+s12+$0x0] =	vst.idx.add.s32.msk $0xffff, v1  }
0x130: {  	[tilespmem:v11+s12+$0x0] =	vst.idx.add.s32.msk $0xffff, v1  }
0x131: {  	[tilespmem:v4+s12+$0x0] =	vst.idx.add.s32.msk $0xffff, v1  }
0x132: {  	[tilespmem:v3+s12+$0x0] =	vst.idx.add.s32.msk $0xffff, v1  }
0x133: {  	v3 =	vld [tilespmem:s18+$0xFFFFFFC0]  }
0x134: {  	v4 =	vld [tilespmem:s18+$0xFFFFFFB0]  }
0x135: {  	[tilespmem:v12+s12+$0x0] =	vst.idx.add.s32.msk $0xffff, v1  }
0x136: {  	[tilespmem:v13+s12+$0x0] =	vst.idx.add.s32.msk $0xffff, v1  }
0x137: {  	[tilespmem:v9+s12+$0x0] =	vst.idx.add.s32.msk $0xffff, v1  }
0x138: {  	[tilespmem:v8+s12+$0x0] =	vst.idx.add.s32.msk $0xffff, v1  }
.Ltmp6:
0x139: {  	[tilespmem:v7+s12+$0x0] =	vst.idx.add.s32.msk $0xffff, v1;
	(pc) =	sbr.rel @p0 .LBB2_13-.Ltmp6, $4  }
0x13a: {  	[tilespmem:v6+s12+$0x0] =	vst.idx.add.s32.msk $0xffff, v1  }
0x13b: {  	[tilespmem:v3+s12+$0x0] =	vst.idx.add.s32.msk $0xffff, v1  }
0x13c: {  	[tilespmem:v4+s12+$0x0] =	vst.idx.add.s32.msk $0xffff, v1  }
0x13d: {  	[tilespmem:v5+s12+$0x0] =	vst.idx.add.s32.msk $0xffff, v1  }
0x13e: {  	_ =	sdelay $0x1  }
0x13f: {  	s17 =	sadd.s32 $0x1, s17  }
0x140: {  	p0 =	sne.s32 s17, s9  }
.Ltmp7:
0x141: {  	[tilespmem:v2+s12+$0x0] =	vst.idx.add.s32.msk $0xffff, v1;
	(pc) =	sbr.rel @p0 .LBB2_1-.Ltmp7, $4  }
0x142: {  	[hbm4b:s8+s14] =	stream.strided.scatter [tilespmem:s12], [sflag:$0x3], $0x18700, s15, s14, $0x38;
	[tilespmem:$0x1C700] =	vst v63  }
0x143: {  	_ =	swait.ge [sflag:s16], $0x18700  }
0x144: {  	[sflag:s16] =	ssyncset.done $0x0  }
0x145: {  	[sflag:s16] =	ssyncadd.s32 $0xFFFE7900  }
0x146: {  	_ =	sfence.sel $0x180000  }
0x147: {  	[bflag:$0x0] =	sbarrier.arrive $0xFFFF  }
0x148: {  	p0 =	sne.s32 s2, $0x0;
	_ =	strace $0x90000047  }
0x149: {  	s0 =	sadd.s32 @!p0 $0x100000, s0;
	[bflag:$0x2] =	sbarrier.arrive $0xFFFF  }
0x14a: {  	[sflag:s0] =	ssyncadd.tile.s32 @!p0 $0x1;
	_ =	shalt  }
.Lfunc_end2:
_tile_overlayer_lowered:
.L_overlay_start_2:
0x14b: {  	(tag) =	ssettag $0x2  }
0x14c: {  	s0 =	rddreg [dreg:$0x0];
	s2 =	stileid.u32  }
0x14d: {  	s1 =	rddreg [dreg:$0x1];
	p0 =	sne.s32 s2, $0x0  }
0x14e: {  	s3 =	rddreg [dreg:$0x2];
	[bflag:$0x3] =	sbarrier.arrive $0xFFFF;
	s2 =	simm.s32 @!p0 $0x1C03  }
0x14f: {  	[timem:s3], [sflag:s2] =	dma.local @!p0 [hbm:s0], s1  }
0x150: {  	s0 =	simm.s32 @!p0 $0x3  }
0x151: {  	_ =	swait.ge @!p0 [sflag:s0], s1  }
0x152: {  	s1 =	ssub.s32 @!p0 $0x0, s1;
	[sflag:s0] =	ssyncset.done @!p0 $0x0  }
0x153: {  	[sflag:s0] =	ssyncadd.s32 @!p0 s1  }
0x154: {  	[bflag:$0x3] =	sbarrier.arrive $0xFFFF  }
0x155: {  	_ =	shalt  }

// kernel: kernel.8.cloned.1.call-start
scs
__scs_entry_jumppad:
0x0: {  	(pc) =	sbr.rel $0x88, $3  }
0x1: {  	(tag) =	ssettag $0x0;
	lr =	simm.s32 $0x1  }
0x2: {  	[smem:$0x3FA0] =	sst lr;
	_ =	strace $0xD0000000  }
0x3: {  	_ = 	snop  }
0x4: {  	_ = 	snop  }
0x5: {  	_ = 	snop  }
0x6: {  	_ = 	snop  }
0x7: {  	_ = 	snop  }
__scs_overlays_trampoline_lowered:
0x8: {  	[smem:$0x3FAF] =	sst s0  }
0x9: {  	[smem:$0x3FB0] =	sst s1  }
0xa: {  	[smem:$0x3FB1] =	sst s2  }
0xb: {  	[smem:$0x3FB2] =	sst s3  }
0xc: {  	[smem:$0x3FB3] =	sst s4  }
0xd: {  	[smem:$0x3FB4] =	sst s5  }
0xe: {  	[smem:$0x3FB5] =	sst s6  }
0xf: {  	[smem:$0x3FB6] =	sst s7  }
0x10: {  	[smem:$0x3FB7] =	sst s8  }
0x11: {  	[smem:$0x3FB8] =	sst s9;
	s0 =	simm.s32 @!p0 $0x0  }
0x12: {  	s1 =	sld [smem:$0x3F9E];
	s0 =	simm.s32 @p0 $0x1  }
0x13: {  	[smem:$0x3FB9] =	sst s0;
	s0 =	simm.s32 @!p1 $0x0  }
0x14: {  	s2 =	sld [smem:$0x3F9D];
	s0 =	simm.s32 @p1 $0x1  }
0x15: {  	[smem:$0x3FBA] =	sst s0;
	s0 =	simm.s32 @!p2 $0x0  }
0x16: {  	s3 =	sld [smem:$0x3FDB];
	s0 =	simm.s32 @p2 $0x1  }
0x17: {  	s4 =	simm.s32 $0x1BF5;
	[smem:$0x3FBC] =	sst s0  }
0x18: {  	s0 =	sld [smem:$0x3F9F];
	_ =	swait.ge [sflag:s4], $0x0  }
0x19: {  	s7 =	sld [smem:$0x3FA0]  }
0x1a: {  	s8 =	sadd.s32 $0xFFFFE003, lr  }
0x1b: {  	s9 =	sadd.s32 $0xFFFFFEF7, lr;
	s5 =	simm.s32 $0xFFFFFFFF;
	p2 =	slt.u32 s8, $0xFFFFF086  }
0x1c: {  	p1 =	slt.u32 s9, $0xF7A;
	s5 =	simm.s32 @!p2 $0x0  }
0x1d: {  	s5 =	simm.s32 @p1 $0x1;
	p0 =	seq.s32 s7, s2  }
0x1e: {  	s7 =	smul.u32 @!p0 $0xF7A, s2;
	p2 =	seq.s32 @!p0 s5, $0x0  }
0x1f: {  	s9 =	smul.u32 $0xF7A, s1;
	s8 =	simm.s32 @!p0 $0x1BF5;
	p2 =	por !p2, p0  }
0x20: {  	[sflag:s8] =	ssyncset.s32 @!p0 $0xFFFFF086;
	s6 =	sadd.s32 @!p0 s3, s7;
	s7 =	simm.s32 @!p0 $0x108  }
0x21: {  	s3 =	sadd.s32 s3, s9;
	s6 =	sadd.s32 @!p0 $0x88, s6;
	s7 =	simm.s32 @p2 $0x1082  }
0x22: {  	[simem:s7], [sflag:s8] =	dma.local @!p0 [hbm:s6], $0xF7A  }
0x23: {  	s9 =	sor.u32 $0xD0000000, s2;
	s6 =	simm.s32 $0x108;
	_ =	swait.ge @!p0 [sflag:s8], $0x0  }
0x24: {  	s3 =	sadd.s32 $0x88, s3;
	s6 =	simm.s32 @!p1 $0x1082;
	[sflag:s4] =	ssyncset.s32 $0xFFFFF086  }
0x25: {  	[simem:s6], [sflag:s4] =	dma.local [hbm:s3], $0xF7A  }
0x26: {  	[smem:$0x3FA0] =	sst s1;
	(tag) =	ssettag s2;
	_ =	strace s9  }
0x27: {  	s1 =	sld [smem:$0x3FB0]  }
0x28: {  	s2 =	sld [smem:$0x3FB1]  }
0x29: {  	s4 =	sld [smem:$0x3FB3]  }
0x2a: {  	p0 =	seq.s32 s5, $0x0;
	s5 =	sld [smem:$0x3FB4]  }
0x2b: {  	s6 =	sld [smem:$0x3FB5]  }
0x2c: {  	s7 =	sld [smem:$0x3FB6]  }
0x2d: {  	s3 =	simm.s32 $0x108;
	s8 =	sld [smem:$0x3FB7]  }
0x2e: {  	s3 =	simm.s32 @!p0 $0x1082;
	s9 =	sld [smem:$0x3FB8]  }
0x2f: {  	lr =	sadd.s32 s0, s3;
	s0 =	sld [smem:$0x3FAF]  }
0x30: {  	s3 =	sld [smem:$0x3FB2]  }
0x31: {  	[smem:$0x3FBB] =	sst s10  }
0x32: {  	s10 =	sld [smem:$0x3FB9];
	_ =	sdelay $0x3  }
0x33: {  	p0 =	seq.s32 s10, $0x1;
	s10 =	sld [smem:$0x3FBB];
	_ =	sdelay $0x3  }
0x34: {  	[smem:$0x3FBB] =	sst s10  }
0x35: {  	s10 =	sld [smem:$0x3FBA];
	_ =	sdelay $0x3  }
0x36: {  	p1 =	seq.s32 s10, $0x1;
	s10 =	sld [smem:$0x3FBB];
	_ =	sdelay $0x3  }
0x37: {  	[smem:$0x3FBB] =	sst s10  }
0x38: {  	s10 =	sld [smem:$0x3FBC]  }
0x39: {  	_ = 	snop;
	(pc) =	sbr.ind lr, $3  }
0x3a: {  	_ = 	snop  }
0x3b: {  	_ = 	snop  }
0x3c: {  	p2 =	seq.s32 s10, $0x1;
	s10 =	sld [smem:$0x3FBB]  }
0x3d: {  	_ =	shalt  }
0x3e: {  	_ =	shalt  }
0x3f: {  	_ =	shalt  }
0x40: {  	_ =	shalt  }
0x41: {  	_ =	shalt  }
0x42: {  	_ =	shalt  }
0x43: {  	_ =	shalt  }
0x44: {  	_ =	shalt  }
0x45: {  	_ =	shalt  }
0x46: {  	_ =	shalt  }
0x47: {  	_ =	shalt  }
0x48: {  	_ =	shalt  }
0x49: {  	_ =	shalt  }
0x4a: {  	_ =	shalt  }
0x4b: {  	_ =	shalt  }
0x4c: {  	_ =	shalt  }
0x4d: {  	_ =	shalt  }
0x4e: {  	_ =	shalt  }
0x4f: {  	_ =	shalt  }
0x50: {  	_ =	shalt  }
0x51: {  	_ =	shalt  }
0x52: {  	_ =	shalt  }
0x53: {  	_ =	shalt  }
0x54: {  	_ =	shalt  }
0x55: {  	_ =	shalt  }
0x56: {  	_ =	shalt  }
0x57: {  	_ =	shalt  }
0x58: {  	_ =	shalt  }
0x59: {  	_ =	shalt  }
0x5a: {  	_ =	shalt  }
0x5b: {  	_ =	shalt  }
0x5c: {  	_ =	shalt  }
0x5d: {  	_ =	shalt  }
0x5e: {  	_ =	shalt  }
0x5f: {  	_ =	shalt  }
0x60: {  	_ =	shalt  }
0x61: {  	_ =	shalt  }
0x62: {  	_ =	shalt  }
0x63: {  	_ =	shalt  }
0x64: {  	_ =	shalt  }
0x65: {  	_ =	shalt  }
0x66: {  	_ =	shalt  }
0x67: {  	_ =	shalt  }
0x68: {  	_ =	shalt  }
0x69: {  	_ =	shalt  }
0x6a: {  	_ =	shalt  }
0x6b: {  	_ =	shalt  }
0x6c: {  	_ =	shalt  }
0x6d: {  	_ =	shalt  }
0x6e: {  	_ =	shalt  }
0x6f: {  	_ =	shalt  }
0x70: {  	_ =	shalt  }
0x71: {  	_ =	shalt  }
0x72: {  	_ =	shalt  }
0x73: {  	_ =	shalt  }
0x74: {  	_ =	shalt  }
0x75: {  	_ =	shalt  }
0x76: {  	_ =	shalt  }
0x77: {  	_ =	shalt  }
0x78: {  	_ =	shalt  }
0x79: {  	_ =	shalt  }
0x7a: {  	_ =	shalt  }
0x7b: {  	_ =	shalt  }
0x7c: {  	_ =	shalt  }
0x7d: {  	_ =	shalt  }
0x7e: {  	_ =	shalt  }
0x7f: {  	_ =	shalt  }
0x80: {  	_ =	shalt  }
0x81: {  	_ =	shalt  }
0x82: {  	_ =	shalt  }
0x83: {  	_ =	shalt  }
0x84: {  	_ =	shalt  }
0x85: {  	_ =	shalt  }
0x86: {  	_ =	shalt  }
0x87: {  	_ =	shalt  }
.Lfunc_end0:
.L_simem_size_0:
called_computation.1_lowered:
.L_overlay_start_0:
0x88: {  	s2 =	sld [smem:$0x3FD9]  }
0x89: {  	s3 =	sld [smem:$0x3FFE];
	_ =	sdelay $0x1  }
0x8a: {  	s1 =	srdreg.scid  }
0x8b: {  	s0 =	sand.u32 $0x1, s1  }
0x8c: {  	s17 =	sshll.u32 s0, $0xA;
	s2 =	sadd.s32 s3, s2  }
0x8d: {  	s2 =	sadd.s32 s2, s17  }
0x8e: {  	[smem:$0x3FC7] =	sst s2  }
0x8f: {  	_ = 	snop  }
0x90: {  	s2 =	sld [smem:$0x3FC9]  }
0x91: {  	s18 =	sld [smem:$0x3FD0];
	(tm) =	ssettm $0x1  }
0x92: {  	s4 =	sld [smem:$0x3FFB];
	_ =	sdelay $0x3  }
0x93: {  	_ =	strace s4  }
0x94: {  	s4 =	sld [smem:$0x3FFC];
	_ =	sdelay $0x3  }
0x95: {  	_ =	strace s4  }
0x96: {  	s4 =	sld [smem:$0x3FFD];
	_ =	sdelay $0x3  }
0x97: {  	_ =	strace s4  }
0x98: {  	_ =	strace $0x8FFFFFFF  }
0x99: {  	s19 =	sld [smem:$0x3FDB];
	_ =	sdelay $0x1  }
0x9a: {  	s5 =	simm.s32 $_scs_section_size  }
0x9b: {  	s6 =	simm.s32 $_size__tile_overlayer_lowered;
	s7 =	simm.s32 $_tile_overlayer_lowered  }
0x9c: {  	s22 =	simm.s32 $0x1BFF;
	s21 =	sshll.u32 s7, $0x1;
	s4 =	sadd.s32 s5, s19  }
0x9d: {  	s8 =	simm.s32 $0x0;
	s20 =	sshll.u32 s6, $0x1;
	s6 =	sadd.s32 s21, s4  }
0x9e: {  	[timem:s8], [sflag:s22] =	dma.local [hbm:s6], s20  }
0x9f: {  	_ =	swait.ge [sflag:s22], s20  }
0xa0: {  	s5 =	ssub.s32 $0x0, s20;
	[sflag:s22] =	ssyncset.done $0x0  }
0xa1: {  	[sflag:s22] =	ssyncadd.s32 s5;
	_ =	sdelay $0x1  }
0xa2: {  	s23 =	simm.s32 $0x1B8B  }
0xa3: {  	_ =	swait.ge [sflag:s23], $0x1  }
0xa4: {  	[sflag:s23] =	ssyncset.done $0x0  }
0xa5: {  	s25 =	simm.s32 $0x1B8E;
	s24 =	sld [smem:$0x3FFE];
	[sflag:s23] =	ssyncadd.s32 $0xFFFFFFFF  }
0xa6: {  	s26 =	simm.s32 $execute0_lowered;
	[smem:$0x3FD2] =	sst s25  }
0xa7: {  	s6 =	sshll.u32 s26, $0x1;
	_ =	strace $0x80000049;
	[dreg:$0x1] =	wrdreg $0xFFFFFFFF  }
0xa8: {  	s28 =	simm.s32 $_size_execute0_lowered;
	s4 =	sadd.s32 s4, s6;
	[dreg:$0x0] =	wrdreg $0x0  }
0xa9: {  	s6 =	sshll.u32 s28, $0x1;
	[dreg:$0x2] =	wrdreg s4  }
0xaa: {  	[dreg:$0x3] =	wrdreg s6  }
0xab: {  	[dreg:$0x4] =	wrdreg $0xC0  }
0xac: {  	_ =	task [dreg:s8], $0x5FFFF  }
0xad: {  	[dreg:$0x1] =	wrdreg $0xFFFFFFFF  }
0xae: {  	[dreg:$0x0] =	wrdreg $0x60  }
0xaf: {  	[dreg:$0x2] =	wrdreg s24  }
0xb0: {  	[dreg:$0x3] =	wrdreg s2  }
0xb1: {  	[dreg:$0x4] =	wrdreg s18  }
0xb2: {  	[dreg:$0x5] =	wrdreg $0x1E7000  }
0xb3: {  	[dreg:$0x6] =	wrdreg $0x9  }
0xb4: {  	_ =	task.clear_ibuf [dreg:s8], $0x7FFFF;
	_ =	strace $0x90000049  }
0xb5: {  	s29 =	simm.s32 $0x9;
	_ =	strace $0x8000004B  }
0xb6: {  	_ =	swait.ge [sflag:s29], $0x1  }
0xb7: {  	[sflag:s29] =	ssyncadd.s32 $0xFFFFFFFF  }
0xb8: {  	_ =	strace $0x9000004B  }
0xb9: {  	_ =	sfence  }
0xba: {  	s30 =	sld [smem:$0x0];
	_ =	sdelay $0x2  }
0xbb: {  	s31 =	sshll.u32 s1, $0xD;
	s1 =	sshrl.u32 s1, $0x2  }
0xbc: {  	s3 =	sand.u32 $0x4000, s31;
	s1 =	sadd.s32 s1, s30  }
0xbd: {  	s0 =	sor.u32 s3, s0;
	s1 =	sshll.u32 s1, $0x11  }
0xbe: {  	s0 =	sor.u32 s1, s0  }
0xbf: {  	s0 =	sadd.s32 $0x8F2B, s0  }
0xc0: {  	[sflag:s0] =	ssyncadd.remote.s32 $0x1  }
0xc1: {  	_ =	sfence.sel $0xFFFF  }
0xc2: {  	[dreg:$0x0] =	wrdreg $0xFFFFFFFF;
	(pc) =	sbr.abs _section_cstart, $3  }
0xc3: {  	[dreg:$0x1] =	wrdreg $0xFFFFFFFF  }
0xc4: {  	_ =	task.clear_ibuf [dreg:s8], $0x2FFFF;
	_ =	strace $0x9FFFFFFF  }
0xc5: {  	(tm) =	ssettm $0x7FFFFFFF  }
tec
execute0_lowered:
.L_overlay_start_1:
0x0: {  	(tag) =	ssettag $0x1  }
0x1: {  	s0 =	rddreg [dreg:$0x0]  }
0x2: {  	s1 =	rddreg [dreg:$0x1]  }
0x3: {  	s2 =	rddreg [dreg:$0x2]  }
0x4: {  	s10 =	rddreg [dreg:$0x3];
	s3 =	srdreg.scid;
	s4 =	simm.s32 $0x0  }
0x5: {  	s6 =	stileid.u32;
	s28 =	simm.s32 $0x1;
	s29 =	simm.s32 $0x1C700  }
0x6: {  	s30 =	simm.s32 $0x1D700;
	s31 =	simm.s32 $0x2;
	s3 =	sand.u32 $0x1, s3  }
0x7: {  	[smem:$0x7FF] =	sst s4;
	s5 =	sshll.u32 s6, $0x13;
	s0 =	sadd.s32 $0xC00, s0  }
0x8: {  	p0 =	sne.s32 s6, $0x0;
	s6 =	simm.s32 $0x0;
	s7 =	sshll.u32 s3, $0x12  }
0x9: {  	_ =	strace $0x8000004A;
	s3 =	ssub.s32 $0x2, s3;
	s5 =	sor.u32 s7, s5  }
0xa: {  	[dreg:$0x5] =	wrdreg s0;
	s20 =	sshrl.u32 s3, $0x1;
	s9 =	sshrl.u32 s5, $0x3  }
0xb: {  	s0 =	ssub.s32 s3, s20;
	s12 =	sor.u32 $0x6000, s5;
	s7 =	sadd.s32 s1, s9  }
0xc: {  	s13 =	sor.u32 $0x1000, s5;
	s8 =	sadd.s32 s2, s9;
	s21 =	sadd.s32 $0x400, s7  }
0xd: {  	s14 =	sor.u32 $0x8000, s5;
	s22 =	sadd.s32 $0x200, s8;
	[dreg:$0x6] =	wrdreg s21  }
0xe: {  	s3 =	simm.s32 $0x4;
	s23 =	sadd.s32 $0x800, s7;
	[dreg:$0x7] =	wrdreg s22  }
0xf: {  	s26 =	sor.u32 $0x7C00, s9;
	s24 =	sadd.s32 $0x7400, s8;
	[dreg:$0x8] =	wrdreg s23  }
0x10: {  	s25 =	sadd.s32 $0x7600, s8;
	s9 =	sadd.s32 s1, s26;
	[dreg:$0x9] =	wrdreg s24  }
0x11: {  	s18 =	sadd.s32 $0x7800, s8;
	s19 =	sadd.s32 $0x7A00, s8;
	[dreg:$0xa] =	wrdreg s25  }
0x12: {  	s20 =	sadd.s32 s2, s26;
	s26 =	simm.s32 $0x5;
	[dreg:$0xb] =	wrdreg s9  }
0x13: {  	s21 =	sadd.s32 $0x7E00, s8;
	s22 =	smax.u32 s0, $0x1;
	s23 =	simm.s32 $0x18700  }
0x14: {  	s24 =	simm.s32 $0x1A700;
	s25 =	sshrl.u32 @!p0 s10, $0x3;
	s0 =	simm.s32 $0x3  }
.LBB2_1:
0x15: {  	[tilespmem:s23], [sflag:$0x1] =	stream.linear.gather [hbm4b:s7+s4], $0x2000, $0x38;
	[tilespmem:$0x1FF70] =	vst v63  }
0x16: {  	s9 =	rddreg [dreg:$0x6]  }
0x17: {  	[tilespmem:s24], [sflag:$0x2] =	stream.linear.gather [hbm4b:s9+s4], $0x2000, $0x38;
	[tilespmem:$0x1FF70] =	vst v63  }
0x18: {  	s10 =	rddreg [dreg:$0x5];
	s9 =	simm.s32 @!p0 $0x1C05  }
0x19: {  	[spmem:s25], [sflag:s9] =	dma.local @!p0 [hbm:s10], $0x30E0  }
0x1a: {  	s9 =	simm.s32 @!p0 $0x5  }
0x1b: {  	_ =	swait.ge @!p0 [sflag:s9], $0x30E0  }
0x1c: {  	[sflag:s9] =	ssyncset.done @!p0 $0x0  }
0x1d: {  	[sflag:s9] =	ssyncadd.s32 @!p0 $0xFFFFCF20  }
0x1e: {  	[bflag:$0x0] =	sbarrier.arrive $0xFFFF  }
0x1f: {  	s16 =	rddreg [dreg:$0x3]  }
0x20: {  	[tilespmem:s4], [sflag:$0x5] =	stream.linear.gather [spmem:s16], $0x18700, $0x38;
	[tilespmem:$0x1FF70] =	vst v63  }
0x21: {  	_ =	swait.ge [sflag:s26], $0x18700  }
0x22: {  	[sflag:s26] =	ssyncset.done $0x0  }
0x23: {  	[sflag:s26] =	ssyncadd.s32 $0xFFFE7900  }
0x24: {  	_ =	swait.ge [sflag:s28], $0x2000  }
0x25: {  	[sflag:s28] =	ssyncset.done $0x0  }
0x26: {  	s17 =	simm.s32 $0x18780;
	[sflag:s28] =	ssyncadd.s32 $0xFFFFE000  }
0x27: {  	v0 =	vld [tilespmem:s17+$0x70]  }
0x28: {  	v1 =	vld [tilespmem:s17+$0xFFFFFF90]  }
0x29: {  	v2 =	vld [tilespmem:s17+$0xFFFFFFA0]  }
0x2a: {  	v3 =	vld [tilespmem:s17+$0xFFFFFFB0]  }
0x2b: {  	v4 =	vld [tilespmem:s17+$0xFFFFFFC0]  }
0x2c: {  	v5 =	vld [tilespmem:s17+$0xFFFFFFD0]  }
0x2d: {  	v6 =	vld [tilespmem:s17+$0xFFFFFFE0]  }
0x2e: {  	v7 =	vld [tilespmem:s17+$0xFFFFFFF0]  }
0x2f: {  	v8 =	vld [tilespmem:s17+$0x0]  }
0x30: {  	v9 =	vld [tilespmem:s17+$0x10]  }
0x31: {  	v10 =	vld [tilespmem:s17+$0x20]  }
0x32: {  	v11 =	vld [tilespmem:s17+$0x30]  }
0x33: {  	v12 =	vld [tilespmem:s17+$0x40]  }
0x34: {  	v13 =	vld [tilespmem:s17+$0x50]  }
0x35: {  	v14 =	vld [tilespmem:s17+$0x60]  }
0x36: {  	v15 =	vld [tilespmem:s17+$0xFFFFFF80]  }
0x37: {  	v0 =	vld.idx.msk [tilespmem:v0+s4+$0x0], $0xffff  }
0x38: {  	v1 =	vld.idx.msk [tilespmem:v1+s4+$0x0], $0xffff  }
0x39: {  	v2 =	vld.idx.msk [tilespmem:v2+s4+$0x0], $0xffff  }
0x3a: {  	v3 =	vld.idx.msk [tilespmem:v3+s4+$0x0], $0xffff  }
0x3b: {  	v4 =	vld.idx.msk [tilespmem:v4+s4+$0x0], $0xffff  }
0x3c: {  	s9 =	simm.s32 $0x1C780;
	v5 =	vld.idx.msk [tilespmem:v5+s4+$0x0], $0xffff  }
0x3d: {  	v6 =	vld.idx.msk [tilespmem:v6+s4+$0x0], $0xffff;
	[tilespmem:s9+$0x70] =	vst v0  }
0x3e: {  	v7 =	vld.idx.msk [tilespmem:v7+s4+$0x0], $0xffff;
	[tilespmem:s9+$0xFFFFFF90] =	vst v1  }
0x3f: {  	v15 =	vld.idx.msk [tilespmem:v15+s4+$0x0], $0xffff;
	[tilespmem:s9+$0xFFFFFFA0] =	vst v2  }
0x40: {  	v8 =	vld.idx.msk [tilespmem:v8+s4+$0x0], $0xffff;
	[tilespmem:s9+$0xFFFFFFB0] =	vst v3  }
0x41: {  	[tilespmem:s9+$0xFFFFFFC0] =	vst v4;
	v0 =	vld.idx.msk [tilespmem:v9+s4+$0x0], $0xffff  }
0x42: {  	[tilespmem:s9+$0xFFFFFFD0] =	vst v5;
	v1 =	vld.idx.msk [tilespmem:v10+s4+$0x0], $0xffff  }
0x43: {  	[tilespmem:s9+$0xFFFFFFE0] =	vst v6;
	v2 =	vld.idx.msk [tilespmem:v11+s4+$0x0], $0xffff  }
0x44: {  	[tilespmem:s9+$0xFFFFFFF0] =	vst v7;
	v3 =	vld.idx.msk [tilespmem:v12+s4+$0x0], $0xffff  }
0x45: {  	[tilespmem:s9+$0xFFFFFF80] =	vst v15;
	v4 =	vld.idx.msk [tilespmem:v13+s4+$0x0], $0xffff  }
0x46: {  	s11 =	simm.s32 $0x18880;
	s10 =	simm.s32 $0x0;
	[tilespmem:s9+$0x0] =	vst v8;
	v5 =	vld.idx.msk [tilespmem:v14+s4+$0x0], $0xffff  }
.LBB2_2:
0x47: {  	v6 =	vld [tilespmem:s11+$0x70];
	s10 =	sadd.s32 $0x10, s10;
	[tilespmem:s9+$0x10] =	vst v0  }
0x48: {  	v0 =	vld [tilespmem:s11+$0xFFFFFF90];
	p1 =	slt.u32 s10, $0xF0;
	[tilespmem:s9+$0x20] =	vst v1  }
0x49: {  	v1 =	vld [tilespmem:s11+$0xFFFFFFA0];
	[tilespmem:s9+$0x30] =	vst v2  }
0x4a: {  	v2 =	vld [tilespmem:s11+$0xFFFFFFB0];
	[tilespmem:s9+$0x40] =	vst v3  }
0x4b: {  	v3 =	vld [tilespmem:s11+$0xFFFFFFC0];
	[tilespmem:s9+$0x50] =	vst v4  }
0x4c: {  	v4 =	vld [tilespmem:s11+$0xFFFFFFD0];
	[tilespmem:s9+$0x60] =	vst v5  }
0x4d: {  	v5 =	vld [tilespmem:s11+$0xFFFFFFE0]  }
0x4e: {  	v7 =	vld [tilespmem:s11+$0xFFFFFFF0]  }
0x4f: {  	v6 =	vld.idx.msk [tilespmem:v6+s4+$0x0], $0xffff  }
0x50: {  	v8 =	vld [tilespmem:s11+$0x0]  }
0x51: {  	v9 =	vld [tilespmem:s11+$0x10]  }
0x52: {  	v10 =	vld [tilespmem:s11+$0x20]  }
0x53: {  	v11 =	vld [tilespmem:s11+$0x30]  }
0x54: {  	s9 =	sadd.s32 $0x100, s9;
	v12 =	vld [tilespmem:s11+$0x40]  }
0x55: {  	v13 =	vld [tilespmem:s11+$0x50];
	[tilespmem:s9+$0x70] =	vst v6  }
0x56: {  	v6 =	vld [tilespmem:s11+$0x60]  }
0x57: {  	v14 =	vld [tilespmem:s11+$0xFFFFFF80]  }
0x58: {  	v0 =	vld.idx.msk [tilespmem:v0+s4+$0x0], $0xffff  }
0x59: {  	v1 =	vld.idx.msk [tilespmem:v1+s4+$0x0], $0xffff  }
0x5a: {  	v2 =	vld.idx.msk [tilespmem:v2+s4+$0x0], $0xffff  }
0x5b: {  	v3 =	vld.idx.msk [tilespmem:v3+s4+$0x0], $0xffff  }
0x5c: {  	v4 =	vld.idx.msk [tilespmem:v4+s4+$0x0], $0xffff  }
0x5d: {  	v5 =	vld.idx.msk [tilespmem:v5+s4+$0x0], $0xffff  }
0x5e: {  	[tilespmem:s9+$0xFFFFFF90] =	vst v0;
	v7 =	vld.idx.msk [tilespmem:v7+s4+$0x0], $0xffff  }
0x5f: {  	v14 =	vld.idx.msk [tilespmem:v14+s4+$0x0], $0xffff;
	[tilespmem:s9+$0xFFFFFFA0] =	vst v1  }
0x60: {  	[tilespmem:s9+$0xFFFFFFB0] =	vst v2;
	v8 =	vld.idx.msk [tilespmem:v8+s4+$0x0], $0xffff  }
0x61: {  	[tilespmem:s9+$0xFFFFFFC0] =	vst v3;
	v0 =	vld.idx.msk [tilespmem:v9+s4+$0x0], $0xffff  }
.Ltmp0:
0x62: {  	[tilespmem:s9+$0xFFFFFFD0] =	vst v4;
	v1 =	vld.idx.msk [tilespmem:v10+s4+$0x0], $0xffff;
	(pc) =	sbr.rel @p1 .LBB2_2-.Ltmp0, $4  }
0x63: {  	[tilespmem:s9+$0xFFFFFFE0] =	vst v5;
	v2 =	vld.idx.msk [tilespmem:v11+s4+$0x0], $0xffff  }
0x64: {  	[tilespmem:s9+$0xFFFFFFF0] =	vst v7;
	v3 =	vld.idx.msk [tilespmem:v12+s4+$0x0], $0xffff  }
0x65: {  	[tilespmem:s9+$0xFFFFFF80] =	vst v14;
	v4 =	vld.idx.msk [tilespmem:v13+s4+$0x0], $0xffff  }
0x66: {  	s11 =	sadd.s32 $0x100, s11;
	[tilespmem:s9+$0x0] =	vst v8;
	v5 =	vld.idx.msk [tilespmem:v6+s4+$0x0], $0xffff  }
0x67: {  	[tilespmem:s9+$0x10] =	vst v0  }
0x68: {  	[tilespmem:s9+$0x20] =	vst v1  }
0x69: {  	[tilespmem:s9+$0x30] =	vst v2  }
0x6a: {  	[tilespmem:s9+$0x40] =	vst v3  }
0x6b: {  	[tilespmem:s9+$0x50] =	vst v4  }
0x6c: {  	s17 =	simm.s32 $0x197F0;
	[tilespmem:s9+$0x60] =	vst v5  }
0x6d: {  	[hbm4b:s8+s4] =	stream.linear.scatter [tilespmem:s29], [sflag:$0x3], $0x1000, $0x38;
	[tilespmem:$0x1FF70] =	vst v63  }
0x6e: {  	v0 =	vld [tilespmem:s17+$0x0]  }
0x6f: {  	v1 =	vld [tilespmem:s17+$0xFFFFFF20]  }
0x70: {  	v2 =	vld [tilespmem:s17+$0xFFFFFF30]  }
0x71: {  	v3 =	vld [tilespmem:s17+$0xFFFFFF40]  }
0x72: {  	v4 =	vld [tilespmem:s17+$0xFFFFFF50]  }
0x73: {  	v5 =	vld [tilespmem:s17+$0xFFFFFF60]  }
0x74: {  	v6 =	vld [tilespmem:s17+$0xFFFFFF70]  }
0x75: {  	v7 =	vld [tilespmem:s17+$0xFFFFFF80]  }
0x76: {  	v8 =	vld [tilespmem:s17+$0xFFFFFF90]  }
0x77: {  	v9 =	vld [tilespmem:s17+$0xFFFFFFA0]  }
0x78: {  	v10 =	vld [tilespmem:s17+$0xFFFFFFB0]  }
0x79: {  	v11 =	vld [tilespmem:s17+$0xFFFFFFC0]  }
0x7a: {  	v12 =	vld [tilespmem:s17+$0xFFFFFFD0]  }
0x7b: {  	v13 =	vld [tilespmem:s17+$0xFFFFFFE0]  }
0x7c: {  	v14 =	vld [tilespmem:s17+$0xFFFFFFF0]  }
0x7d: {  	v15 =	vld [tilespmem:s17+$0xFFFFFF10]  }
0x7e: {  	v0 =	vld.idx.msk [tilespmem:v0+s4+$0x0], $0xffff  }
0x7f: {  	v1 =	vld.idx.msk [tilespmem:v1+s4+$0x0], $0xffff  }
0x80: {  	v2 =	vld.idx.msk [tilespmem:v2+s4+$0x0], $0xffff  }
0x81: {  	v3 =	vld.idx.msk [tilespmem:v3+s4+$0x0], $0xffff  }
0x82: {  	v4 =	vld.idx.msk [tilespmem:v4+s4+$0x0], $0xffff  }
0x83: {  	s9 =	simm.s32 $0x1D780;
	v5 =	vld.idx.msk [tilespmem:v5+s4+$0x0], $0xffff  }
0x84: {  	v6 =	vld.idx.msk [tilespmem:v6+s4+$0x0], $0xffff;
	[tilespmem:s9+$0x70] =	vst v0  }
0x85: {  	v7 =	vld.idx.msk [tilespmem:v7+s4+$0x0], $0xffff;
	[tilespmem:s9+$0xFFFFFF90] =	vst v1  }
0x86: {  	v15 =	vld.idx.msk [tilespmem:v15+s4+$0x0], $0xffff;
	[tilespmem:s9+$0xFFFFFFA0] =	vst v2  }
0x87: {  	v8 =	vld.idx.msk [tilespmem:v8+s4+$0x0], $0xffff;
	[tilespmem:s9+$0xFFFFFFB0] =	vst v3  }
0x88: {  	[tilespmem:s9+$0xFFFFFFC0] =	vst v4;
	v0 =	vld.idx.msk [tilespmem:v9+s4+$0x0], $0xffff  }
0x89: {  	[tilespmem:s9+$0xFFFFFFD0] =	vst v5;
	v1 =	vld.idx.msk [tilespmem:v10+s4+$0x0], $0xffff  }
0x8a: {  	[tilespmem:s9+$0xFFFFFFE0] =	vst v6;
	v2 =	vld.idx.msk [tilespmem:v11+s4+$0x0], $0xffff  }
0x8b: {  	[tilespmem:s9+$0xFFFFFFF0] =	vst v7;
	v3 =	vld.idx.msk [tilespmem:v12+s4+$0x0], $0xffff  }
0x8c: {  	[tilespmem:s9+$0xFFFFFF80] =	vst v15;
	v4 =	vld.idx.msk [tilespmem:v13+s4+$0x0], $0xffff  }
0x8d: {  	s10 =	simm.s32 $0x0;
	s11 =	simm.s32 $0x198F0;
	[tilespmem:s9+$0x0] =	vst v8;
	v5 =	vld.idx.msk [tilespmem:v14+s4+$0x0], $0xffff  }
.LBB2_4:
0x8e: {  	v6 =	vld [tilespmem:s11+$0x0];
	s10 =	sadd.s32 $0x10, s10;
	[tilespmem:s9+$0x10] =	vst v0  }
0x8f: {  	v0 =	vld [tilespmem:s11+$0xFFFFFF20];
	p1 =	slt.u32 s10, $0xF0;
	[tilespmem:s9+$0x20] =	vst v1  }
0x90: {  	v1 =	vld [tilespmem:s11+$0xFFFFFF30];
	[tilespmem:s9+$0x30] =	vst v2  }
0x91: {  	v2 =	vld [tilespmem:s11+$0xFFFFFF40];
	[tilespmem:s9+$0x40] =	vst v3  }
0x92: {  	v3 =	vld [tilespmem:s11+$0xFFFFFF50];
	[tilespmem:s9+$0x50] =	vst v4  }
0x93: {  	v4 =	vld [tilespmem:s11+$0xFFFFFF60];
	[tilespmem:s9+$0x60] =	vst v5  }
0x94: {  	v5 =	vld [tilespmem:s11+$0xFFFFFF70]  }
0x95: {  	v7 =	vld [tilespmem:s11+$0xFFFFFF80]  }
0x96: {  	v6 =	vld.idx.msk [tilespmem:v6+s4+$0x0], $0xffff  }
0x97: {  	v8 =	vld [tilespmem:s11+$0xFFFFFF90]  }
0x98: {  	v9 =	vld [tilespmem:s11+$0xFFFFFFA0]  }
0x99: {  	v10 =	vld [tilespmem:s11+$0xFFFFFFB0]  }
0x9a: {  	v11 =	vld [tilespmem:s11+$0xFFFFFFC0]  }
0x9b: {  	s9 =	sadd.s32 $0x100, s9;
	v12 =	vld [tilespmem:s11+$0xFFFFFFD0]  }
0x9c: {  	v13 =	vld [tilespmem:s11+$0xFFFFFFE0];
	[tilespmem:s9+$0x70] =	vst v6  }
0x9d: {  	v6 =	vld [tilespmem:s11+$0xFFFFFFF0]  }
0x9e: {  	v14 =	vld [tilespmem:s11+$0xFFFFFF10]  }
0x9f: {  	v0 =	vld.idx.msk [tilespmem:v0+s4+$0x0], $0xffff  }
0xa0: {  	v1 =	vld.idx.msk [tilespmem:v1+s4+$0x0], $0xffff  }
0xa1: {  	v2 =	vld.idx.msk [tilespmem:v2+s4+$0x0], $0xffff  }
0xa2: {  	v3 =	vld.idx.msk [tilespmem:v3+s4+$0x0], $0xffff  }
0xa3: {  	v4 =	vld.idx.msk [tilespmem:v4+s4+$0x0], $0xffff  }
0xa4: {  	v5 =	vld.idx.msk [tilespmem:v5+s4+$0x0], $0xffff  }
0xa5: {  	[tilespmem:s9+$0xFFFFFF90] =	vst v0;
	v7 =	vld.idx.msk [tilespmem:v7+s4+$0x0], $0xffff  }
0xa6: {  	v14 =	vld.idx.msk [tilespmem:v14+s4+$0x0], $0xffff;
	[tilespmem:s9+$0xFFFFFFA0] =	vst v1  }
0xa7: {  	[tilespmem:s9+$0xFFFFFFB0] =	vst v2;
	v8 =	vld.idx.msk [tilespmem:v8+s4+$0x0], $0xffff  }
0xa8: {  	[tilespmem:s9+$0xFFFFFFC0] =	vst v3;
	v0 =	vld.idx.msk [tilespmem:v9+s4+$0x0], $0xffff  }
.Ltmp1:
0xa9: {  	[tilespmem:s9+$0xFFFFFFD0] =	vst v4;
	v1 =	vld.idx.msk [tilespmem:v10+s4+$0x0], $0xffff;
	(pc) =	sbr.rel @p1 .LBB2_4-.Ltmp1, $4  }
0xaa: {  	[tilespmem:s9+$0xFFFFFFE0] =	vst v5;
	v2 =	vld.idx.msk [tilespmem:v11+s4+$0x0], $0xffff  }
0xab: {  	[tilespmem:s9+$0xFFFFFFF0] =	vst v7;
	v3 =	vld.idx.msk [tilespmem:v12+s4+$0x0], $0xffff  }
0xac: {  	[tilespmem:s9+$0xFFFFFF80] =	vst v14;
	v4 =	vld.idx.msk [tilespmem:v13+s4+$0x0], $0xffff  }
0xad: {  	s11 =	sadd.s32 $0x100, s11;
	[tilespmem:s9+$0x0] =	vst v8;
	v5 =	vld.idx.msk [tilespmem:v6+s4+$0x0], $0xffff  }
0xae: {  	[tilespmem:s9+$0x10] =	vst v0  }
0xaf: {  	[tilespmem:s9+$0x20] =	vst v1  }
0xb0: {  	[tilespmem:s9+$0x30] =	vst v2  }
0xb1: {  	[tilespmem:s9+$0x40] =	vst v3  }
0xb2: {  	[tilespmem:s9+$0x50] =	vst v4  }
0xb3: {  	[tilespmem:s9+$0x60] =	vst v5  }
0xb4: {  	s9 =	simm.s32 $0x0;
	s10 =	rddreg [dreg:$0x7]  }
0xb5: {  	[hbm4b:s10+s9] =	stream.linear.scatter [tilespmem:s30], [sflag:$0x4], $0x1000, $0x38;
	[tilespmem:$0x1FF70] =	vst v63  }
0xb6: {  	s17 =	rddreg [dreg:$0x8]  }
0xb7: {  	[tilespmem:s23], [sflag:$0x1] =	stream.linear.gather [hbm4b:s17+s9], $0x2000, $0x38;
	[tilespmem:$0x1FF70] =	vst v63  }
.LBB2_6:
0xb8: {  	_ =	swait.ge [sflag:s31], $0x2000  }
0xb9: {  	[sflag:s31] =	ssyncset.done $0x0  }
0xba: {  	[sflag:s31] =	ssyncadd.s32 $0xFFFFE000  }
0xbb: {  	_ =	swait.ge [sflag:s0], $0x1000  }
0xbc: {  	[sflag:s0] =	ssyncset.done $0x0  }
0xbd: {  	s10 =	simm.s32 $0x1A780;
	[sflag:s0] =	ssyncadd.s32 $0xFFFFF000  }
0xbe: {  	v0 =	vld [tilespmem:s10+$0x70]  }
0xbf: {  	v1 =	vld [tilespmem:s10+$0xFFFFFF90]  }
0xc0: {  	v2 =	vld [tilespmem:s10+$0xFFFFFFA0]  }
0xc1: {  	v3 =	vld [tilespmem:s10+$0xFFFFFFB0]  }
0xc2: {  	v4 =	vld [tilespmem:s10+$0xFFFFFFC0]  }
0xc3: {  	v5 =	vld [tilespmem:s10+$0xFFFFFFD0]  }
0xc4: {  	v6 =	vld [tilespmem:s10+$0xFFFFFFE0]  }
0xc5: {  	v7 =	vld [tilespmem:s10+$0xFFFFFFF0]  }
0xc6: {  	v8 =	vld [tilespmem:s10+$0x0]  }
0xc7: {  	v9 =	vld [tilespmem:s10+$0x10]  }
0xc8: {  	v10 =	vld [tilespmem:s10+$0x20]  }
0xc9: {  	v11 =	vld [tilespmem:s10+$0x30]  }
0xca: {  	v12 =	vld [tilespmem:s10+$0x40]  }
0xcb: {  	v13 =	vld [tilespmem:s10+$0x50]  }
0xcc: {  	v14 =	vld [tilespmem:s10+$0x60]  }
0xcd: {  	v15 =	vld [tilespmem:s10+$0xFFFFFF80]  }
0xce: {  	v0 =	vld.idx.msk [tilespmem:v0+s4+$0x0], $0xffff  }
0xcf: {  	v1 =	vld.idx.msk [tilespmem:v1+s4+$0x0], $0xffff  }
0xd0: {  	v2 =	vld.idx.msk [tilespmem:v2+s4+$0x0], $0xffff  }
0xd1: {  	v3 =	vld.idx.msk [tilespmem:v3+s4+$0x0], $0xffff  }
0xd2: {  	v4 =	vld.idx.msk [tilespmem:v4+s4+$0x0], $0xffff  }
0xd3: {  	s15 =	simm.s32 $0x1C780;
	v5 =	vld.idx.msk [tilespmem:v5+s4+$0x0], $0xffff  }
0xd4: {  	v6 =	vld.idx.msk [tilespmem:v6+s4+$0x0], $0xffff;
	[tilespmem:s15+$0x70] =	vst v0  }
0xd5: {  	v7 =	vld.idx.msk [tilespmem:v7+s4+$0x0], $0xffff;
	[tilespmem:s15+$0xFFFFFF90] =	vst v1  }
0xd6: {  	v15 =	vld.idx.msk [tilespmem:v15+s4+$0x0], $0xffff;
	[tilespmem:s15+$0xFFFFFFA0] =	vst v2  }
0xd7: {  	v8 =	vld.idx.msk [tilespmem:v8+s4+$0x0], $0xffff;
	[tilespmem:s15+$0xFFFFFFB0] =	vst v3  }
0xd8: {  	[tilespmem:s15+$0xFFFFFFC0] =	vst v4;
	v0 =	vld.idx.msk [tilespmem:v9+s4+$0x0], $0xffff  }
0xd9: {  	[tilespmem:s15+$0xFFFFFFD0] =	vst v5;
	v1 =	vld.idx.msk [tilespmem:v10+s4+$0x0], $0xffff  }
0xda: {  	[tilespmem:s15+$0xFFFFFFE0] =	vst v6;
	v2 =	vld.idx.msk [tilespmem:v11+s4+$0x0], $0xffff  }
0xdb: {  	[tilespmem:s15+$0xFFFFFFF0] =	vst v7;
	v3 =	vld.idx.msk [tilespmem:v12+s4+$0x0], $0xffff  }
0xdc: {  	[tilespmem:s15+$0xFFFFFF80] =	vst v15;
	v4 =	vld.idx.msk [tilespmem:v13+s4+$0x0], $0xffff  }
0xdd: {  	s11 =	simm.s32 $0x1A880;
	s10 =	simm.s32 $0x0;
	[tilespmem:s15+$0x0] =	vst v8;
	v5 =	vld.idx.msk [tilespmem:v14+s4+$0x0], $0xffff  }
.LBB2_7:
0xde: {  	v6 =	vld [tilespmem:s11+$0x70];
	s10 =	sadd.s32 $0x10, s10;
	[tilespmem:s15+$0x10] =	vst v0  }
0xdf: {  	v0 =	vld [tilespmem:s11+$0xFFFFFF90];
	p1 =	slt.u32 s10, $0xF0;
	[tilespmem:s15+$0x20] =	vst v1  }
0xe0: {  	v1 =	vld [tilespmem:s11+$0xFFFFFFA0];
	[tilespmem:s15+$0x30] =	vst v2  }
0xe1: {  	v2 =	vld [tilespmem:s11+$0xFFFFFFB0];
	[tilespmem:s15+$0x40] =	vst v3  }
0xe2: {  	v3 =	vld [tilespmem:s11+$0xFFFFFFC0];
	[tilespmem:s15+$0x50] =	vst v4  }
0xe3: {  	v4 =	vld [tilespmem:s11+$0xFFFFFFD0];
	[tilespmem:s15+$0x60] =	vst v5  }
0xe4: {  	v5 =	vld [tilespmem:s11+$0xFFFFFFE0]  }
0xe5: {  	v7 =	vld [tilespmem:s11+$0xFFFFFFF0]  }
0xe6: {  	v6 =	vld.idx.msk [tilespmem:v6+s4+$0x0], $0xffff  }
0xe7: {  	v8 =	vld [tilespmem:s11+$0x0]  }
0xe8: {  	v9 =	vld [tilespmem:s11+$0x10]  }
0xe9: {  	v10 =	vld [tilespmem:s11+$0x20]  }
0xea: {  	v11 =	vld [tilespmem:s11+$0x30]  }
0xeb: {  	s15 =	sadd.s32 $0x100, s15;
	v12 =	vld [tilespmem:s11+$0x40]  }
0xec: {  	v13 =	vld [tilespmem:s11+$0x50];
	[tilespmem:s15+$0x70] =	vst v6  }
0xed: {  	v6 =	vld [tilespmem:s11+$0x60]  }
0xee: {  	v14 =	vld [tilespmem:s11+$0xFFFFFF80]  }
0xef: {  	v0 =	vld.idx.msk [tilespmem:v0+s4+$0x0], $0xffff  }
0xf0: {  	v1 =	vld.idx.msk [tilespmem:v1+s4+$0x0], $0xffff  }
0xf1: {  	v2 =	vld.idx.msk [tilespmem:v2+s4+$0x0], $0xffff  }
0xf2: {  	v3 =	vld.idx.msk [tilespmem:v3+s4+$0x0], $0xffff  }
0xf3: {  	v4 =	vld.idx.msk [tilespmem:v4+s4+$0x0], $0xffff  }
0xf4: {  	v5 =	vld.idx.msk [tilespmem:v5+s4+$0x0], $0xffff  }
0xf5: {  	[tilespmem:s15+$0xFFFFFF90] =	vst v0;
	v7 =	vld.idx.msk [tilespmem:v7+s4+$0x0], $0xffff  }
0xf6: {  	v14 =	vld.idx.msk [tilespmem:v14+s4+$0x0], $0xffff;
	[tilespmem:s15+$0xFFFFFFA0] =	vst v1  }
0xf7: {  	[tilespmem:s15+$0xFFFFFFB0] =	vst v2;
	v8 =	vld.idx.msk [tilespmem:v8+s4+$0x0], $0xffff  }
0xf8: {  	[tilespmem:s15+$0xFFFFFFC0] =	vst v3;
	v0 =	vld.idx.msk [tilespmem:v9+s4+$0x0], $0xffff  }
.Ltmp2:
0xf9: {  	[tilespmem:s15+$0xFFFFFFD0] =	vst v4;
	v1 =	vld.idx.msk [tilespmem:v10+s4+$0x0], $0xffff;
	(pc) =	sbr.rel @p1 .LBB2_7-.Ltmp2, $4  }
0xfa: {  	[tilespmem:s15+$0xFFFFFFE0] =	vst v5;
	v2 =	vld.idx.msk [tilespmem:v11+s4+$0x0], $0xffff  }
0xfb: {  	[tilespmem:s15+$0xFFFFFFF0] =	vst v7;
	v3 =	vld.idx.msk [tilespmem:v12+s4+$0x0], $0xffff  }
0xfc: {  	[tilespmem:s15+$0xFFFFFF80] =	vst v14;
	v4 =	vld.idx.msk [tilespmem:v13+s4+$0x0], $0xffff  }
0xfd: {  	s11 =	sadd.s32 $0x100, s11;
	[tilespmem:s15+$0x0] =	vst v8;
	v5 =	vld.idx.msk [tilespmem:v6+s4+$0x0], $0xffff  }
0xfe: {  	[tilespmem:s15+$0x10] =	vst v0  }
0xff: {  	[tilespmem:s15+$0x20] =	vst v1;
	s10 =	sshll.u32 s9, $0xE  }
0x100: {  	[tilespmem:s15+$0x30] =	vst v2;
	s11 =	sor.u32 s10, s5  }
0x101: {  	[tilespmem:s15+$0x40] =	vst v3;
	s11 =	sshrl.u32 s11, $0x3  }
0x102: {  	[tilespmem:s15+$0x50] =	vst v4;
	s11 =	sadd.s32 s11, s2  }
0x103: {  	[tilespmem:s15+$0x60] =	vst v5;
	s16 =	sadd.s32 $0x400, s11  }
0x104: {  	[hbm4b:s16+s4] =	stream.linear.scatter [tilespmem:s29], [sflag:$0x3], $0x1000, $0x38;
	[tilespmem:$0x1FF70] =	vst v63  }
0x105: {  	_ =	swait.ge [sflag:s3], $0x1000  }
0x106: {  	[sflag:s3] =	ssyncset.done $0x0  }
0x107: {  	s17 =	simm.s32 $0x1B7F0;
	[sflag:s3] =	ssyncadd.s32 $0xFFFFF000  }
0x108: {  	v0 =	vld [tilespmem:s17+$0x0]  }
0x109: {  	v1 =	vld [tilespmem:s17+$0xFFFFFF20]  }
0x10a: {  	v2 =	vld [tilespmem:s17+$0xFFFFFF30]  }
0x10b: {  	v3 =	vld [tilespmem:s17+$0xFFFFFF40]  }
0x10c: {  	v4 =	vld [tilespmem:s17+$0xFFFFFF50]  }
0x10d: {  	v5 =	vld [tilespmem:s17+$0xFFFFFF60]  }
0x10e: {  	v6 =	vld [tilespmem:s17+$0xFFFFFF70]  }
0x10f: {  	v7 =	vld [tilespmem:s17+$0xFFFFFF80]  }
0x110: {  	v8 =	vld [tilespmem:s17+$0xFFFFFF90]  }
0x111: {  	v9 =	vld [tilespmem:s17+$0xFFFFFFA0]  }
0x112: {  	v10 =	vld [tilespmem:s17+$0xFFFFFFB0]  }
0x113: {  	v11 =	vld [tilespmem:s17+$0xFFFFFFC0]  }
0x114: {  	v12 =	vld [tilespmem:s17+$0xFFFFFFD0]  }
0x115: {  	v13 =	vld [tilespmem:s17+$0xFFFFFFE0]  }
0x116: {  	v14 =	vld [tilespmem:s17+$0xFFFFFFF0]  }
0x117: {  	v15 =	vld [tilespmem:s17+$0xFFFFFF10]  }
0x118: {  	v0 =	vld.idx.msk [tilespmem:v0+s4+$0x0], $0xffff  }
0x119: {  	v1 =	vld.idx.msk [tilespmem:v1+s4+$0x0], $0xffff  }
0x11a: {  	v2 =	vld.idx.msk [tilespmem:v2+s4+$0x0], $0xffff  }
0x11b: {  	v3 =	vld.idx.msk [tilespmem:v3+s4+$0x0], $0xffff  }
0x11c: {  	v4 =	vld.idx.msk [tilespmem:v4+s4+$0x0], $0xffff  }
0x11d: {  	s15 =	simm.s32 $0x1D780;
	v5 =	vld.idx.msk [tilespmem:v5+s4+$0x0], $0xffff  }
0x11e: {  	v6 =	vld.idx.msk [tilespmem:v6+s4+$0x0], $0xffff;
	[tilespmem:s15+$0x70] =	vst v0  }
0x11f: {  	v7 =	vld.idx.msk [tilespmem:v7+s4+$0x0], $0xffff;
	[tilespmem:s15+$0xFFFFFF90] =	vst v1  }
0x120: {  	v15 =	vld.idx.msk [tilespmem:v15+s4+$0x0], $0xffff;
	[tilespmem:s15+$0xFFFFFFA0] =	vst v2  }
0x121: {  	v8 =	vld.idx.msk [tilespmem:v8+s4+$0x0], $0xffff;
	[tilespmem:s15+$0xFFFFFFB0] =	vst v3  }
0x122: {  	[tilespmem:s15+$0xFFFFFFC0] =	vst v4;
	v0 =	vld.idx.msk [tilespmem:v9+s4+$0x0], $0xffff  }
0x123: {  	[tilespmem:s15+$0xFFFFFFD0] =	vst v5;
	v1 =	vld.idx.msk [tilespmem:v10+s4+$0x0], $0xffff  }
0x124: {  	[tilespmem:s15+$0xFFFFFFE0] =	vst v6;
	v2 =	vld.idx.msk [tilespmem:v11+s4+$0x0], $0xffff  }
0x125: {  	[tilespmem:s15+$0xFFFFFFF0] =	vst v7;
	v3 =	vld.idx.msk [tilespmem:v12+s4+$0x0], $0xffff  }
0x126: {  	[tilespmem:s15+$0xFFFFFF80] =	vst v15;
	v4 =	vld.idx.msk [tilespmem:v13+s4+$0x0], $0xffff  }
0x127: {  	s16 =	simm.s32 $0x0;
	s17 =	simm.s32 $0x1B8F0;
	[tilespmem:s15+$0x0] =	vst v8;
	v5 =	vld.idx.msk [tilespmem:v14+s4+$0x0], $0xffff  }
.LBB2_9:
0x128: {  	v6 =	vld [tilespmem:s17+$0x0];
	s16 =	sadd.s32 $0x10, s16;
	[tilespmem:s15+$0x10] =	vst v0  }
0x129: {  	v0 =	vld [tilespmem:s17+$0xFFFFFF20];
	p1 =	slt.u32 s16, $0xF0;
	[tilespmem:s15+$0x20] =	vst v1  }
0x12a: {  	v1 =	vld [tilespmem:s17+$0xFFFFFF30];
	[tilespmem:s15+$0x30] =	vst v2  }
0x12b: {  	v2 =	vld [tilespmem:s17+$0xFFFFFF40];
	[tilespmem:s15+$0x40] =	vst v3  }
0x12c: {  	v3 =	vld [tilespmem:s17+$0xFFFFFF50];
	[tilespmem:s15+$0x50] =	vst v4  }
0x12d: {  	v4 =	vld [tilespmem:s17+$0xFFFFFF60];
	[tilespmem:s15+$0x60] =	vst v5  }
0x12e: {  	v5 =	vld [tilespmem:s17+$0xFFFFFF70]  }
0x12f: {  	v7 =	vld [tilespmem:s17+$0xFFFFFF80]  }
0x130: {  	v6 =	vld.idx.msk [tilespmem:v6+s4+$0x0], $0xffff  }
0x131: {  	v8 =	vld [tilespmem:s17+$0xFFFFFF90]  }
0x132: {  	v9 =	vld [tilespmem:s17+$0xFFFFFFA0]  }
0x133: {  	v10 =	vld [tilespmem:s17+$0xFFFFFFB0]  }
0x134: {  	v11 =	vld [tilespmem:s17+$0xFFFFFFC0]  }
0x135: {  	s15 =	sadd.s32 $0x100, s15;
	v12 =	vld [tilespmem:s17+$0xFFFFFFD0]  }
0x136: {  	v13 =	vld [tilespmem:s17+$0xFFFFFFE0];
	[tilespmem:s15+$0x70] =	vst v6  }
0x137: {  	v6 =	vld [tilespmem:s17+$0xFFFFFFF0]  }
0x138: {  	v14 =	vld [tilespmem:s17+$0xFFFFFF10]  }
0x139: {  	v0 =	vld.idx.msk [tilespmem:v0+s4+$0x0], $0xffff  }
0x13a: {  	v1 =	vld.idx.msk [tilespmem:v1+s4+$0x0], $0xffff  }
0x13b: {  	v2 =	vld.idx.msk [tilespmem:v2+s4+$0x0], $0xffff  }
0x13c: {  	v3 =	vld.idx.msk [tilespmem:v3+s4+$0x0], $0xffff  }
0x13d: {  	v4 =	vld.idx.msk [tilespmem:v4+s4+$0x0], $0xffff  }
0x13e: {  	v5 =	vld.idx.msk [tilespmem:v5+s4+$0x0], $0xffff  }
0x13f: {  	[tilespmem:s15+$0xFFFFFF90] =	vst v0;
	v7 =	vld.idx.msk [tilespmem:v7+s4+$0x0], $0xffff  }
0x140: {  	v14 =	vld.idx.msk [tilespmem:v14+s4+$0x0], $0xffff;
	[tilespmem:s15+$0xFFFFFFA0] =	vst v1  }
0x141: {  	[tilespmem:s15+$0xFFFFFFB0] =	vst v2;
	v8 =	vld.idx.msk [tilespmem:v8+s4+$0x0], $0xffff  }
0x142: {  	[tilespmem:s15+$0xFFFFFFC0] =	vst v3;
	v0 =	vld.idx.msk [tilespmem:v9+s4+$0x0], $0xffff  }
.Ltmp3:
0x143: {  	[tilespmem:s15+$0xFFFFFFD0] =	vst v4;
	v1 =	vld.idx.msk [tilespmem:v10+s4+$0x0], $0xffff;
	(pc) =	sbr.rel @p1 .LBB2_9-.Ltmp3, $4  }
0x144: {  	[tilespmem:s15+$0xFFFFFFE0] =	vst v5;
	v2 =	vld.idx.msk [tilespmem:v11+s4+$0x0], $0xffff  }
0x145: {  	[tilespmem:s15+$0xFFFFFFF0] =	vst v7;
	v3 =	vld.idx.msk [tilespmem:v12+s4+$0x0], $0xffff  }
0x146: {  	[tilespmem:s15+$0xFFFFFF80] =	vst v14;
	v4 =	vld.idx.msk [tilespmem:v13+s4+$0x0], $0xffff  }
0x147: {  	s17 =	sadd.s32 $0x100, s17;
	[tilespmem:s15+$0x0] =	vst v8;
	v5 =	vld.idx.msk [tilespmem:v6+s4+$0x0], $0xffff  }
0x148: {  	[tilespmem:s15+$0x10] =	vst v0  }
0x149: {  	[tilespmem:s15+$0x20] =	vst v1  }
0x14a: {  	[tilespmem:s15+$0x30] =	vst v2  }
0x14b: {  	[tilespmem:s15+$0x40] =	vst v3  }
0x14c: {  	[tilespmem:s15+$0x50] =	vst v4  }
0x14d: {  	s11 =	sadd.s32 $0x600, s11;
	s16 =	sadd.s32 s10, s12;
	[tilespmem:s15+$0x60] =	vst v5  }
0x14e: {  	[hbm4b:s11+s4] =	stream.linear.scatter [tilespmem:s30], [sflag:$0x4], $0x1000, $0x38;
	[tilespmem:$0x1FF70] =	vst v63  }
0x14f: {  	s11 =	sshrl.u32 s16, $0x3  }
0x150: {  	s11 =	sadd.s32 s1, s11  }
0x151: {  	[tilespmem:s24], [sflag:$0x2] =	stream.linear.gather [hbm4b:s11+s4], $0x2000, $0x38;
	[tilespmem:$0x1FF70] =	vst v63  }
0x152: {  	_ =	swait.ge [sflag:s28], $0x2000  }
0x153: {  	[sflag:s28] =	ssyncset.done $0x0  }
0x154: {  	[sflag:s28] =	ssyncadd.s32 $0xFFFFE000  }
0x155: {  	_ =	swait.ge [sflag:s0], $0x1000  }
0x156: {  	[sflag:s0] =	ssyncset.done $0x0  }
0x157: {  	s17 =	simm.s32 $0x18780;
	[sflag:s0] =	ssyncadd.s32 $0xFFFFF000  }
0x158: {  	v0 =	vld [tilespmem:s17+$0x70]  }
0x159: {  	v1 =	vld [tilespmem:s17+$0xFFFFFF90]  }
0x15a: {  	v2 =	vld [tilespmem:s17+$0xFFFFFFA0]  }
0x15b: {  	v3 =	vld [tilespmem:s17+$0xFFFFFFB0]  }
0x15c: {  	v4 =	vld [tilespmem:s17+$0xFFFFFFC0]  }
0x15d: {  	v5 =	vld [tilespmem:s17+$0xFFFFFFD0]  }
0x15e: {  	v6 =	vld [tilespmem:s17+$0xFFFFFFE0]  }
0x15f: {  	v7 =	vld [tilespmem:s17+$0xFFFFFFF0]  }
0x160: {  	v8 =	vld [tilespmem:s17+$0x0]  }
0x161: {  	v9 =	vld [tilespmem:s17+$0x10]  }
0x162: {  	v10 =	vld [tilespmem:s17+$0x20]  }
0x163: {  	v11 =	vld [tilespmem:s17+$0x30]  }
0x164: {  	v12 =	vld [tilespmem:s17+$0x40]  }
0x165: {  	v13 =	vld [tilespmem:s17+$0x50]  }
0x166: {  	v14 =	vld [tilespmem:s17+$0x60]  }
0x167: {  	v15 =	vld [tilespmem:s17+$0xFFFFFF80]  }
0x168: {  	v0 =	vld.idx.msk [tilespmem:v0+s4+$0x0], $0xffff  }
0x169: {  	v1 =	vld.idx.msk [tilespmem:v1+s4+$0x0], $0xffff  }
0x16a: {  	v2 =	vld.idx.msk [tilespmem:v2+s4+$0x0], $0xffff  }
0x16b: {  	v3 =	vld.idx.msk [tilespmem:v3+s4+$0x0], $0xffff  }
0x16c: {  	v4 =	vld.idx.msk [tilespmem:v4+s4+$0x0], $0xffff  }
0x16d: {  	s15 =	simm.s32 $0x1C780;
	v5 =	vld.idx.msk [tilespmem:v5+s4+$0x0], $0xffff  }
0x16e: {  	v6 =	vld.idx.msk [tilespmem:v6+s4+$0x0], $0xffff;
	[tilespmem:s15+$0x70] =	vst v0  }
0x16f: {  	v7 =	vld.idx.msk [tilespmem:v7+s4+$0x0], $0xffff;
	[tilespmem:s15+$0xFFFFFF90] =	vst v1  }
0x170: {  	v15 =	vld.idx.msk [tilespmem:v15+s4+$0x0], $0xffff;
	[tilespmem:s15+$0xFFFFFFA0] =	vst v2  }
0x171: {  	v8 =	vld.idx.msk [tilespmem:v8+s4+$0x0], $0xffff;
	[tilespmem:s15+$0xFFFFFFB0] =	vst v3  }
0x172: {  	[tilespmem:s15+$0xFFFFFFC0] =	vst v4;
	v0 =	vld.idx.msk [tilespmem:v9+s4+$0x0], $0xffff  }
0x173: {  	[tilespmem:s15+$0xFFFFFFD0] =	vst v5;
	v1 =	vld.idx.msk [tilespmem:v10+s4+$0x0], $0xffff  }
0x174: {  	[tilespmem:s15+$0xFFFFFFE0] =	vst v6;
	v2 =	vld.idx.msk [tilespmem:v11+s4+$0x0], $0xffff  }
0x175: {  	[tilespmem:s15+$0xFFFFFFF0] =	vst v7;
	v3 =	vld.idx.msk [tilespmem:v12+s4+$0x0], $0xffff  }
0x176: {  	[tilespmem:s15+$0xFFFFFF80] =	vst v15;
	v4 =	vld.idx.msk [tilespmem:v13+s4+$0x0], $0xffff  }
0x177: {  	s16 =	simm.s32 $0x18880;
	s11 =	simm.s32 $0x0;
	[tilespmem:s15+$0x0] =	vst v8;
	v5 =	vld.idx.msk [tilespmem:v14+s4+$0x0], $0xffff  }
.LBB2_11:
0x178: {  	v6 =	vld [tilespmem:s16+$0x70];
	s11 =	sadd.s32 $0x10, s11;
	[tilespmem:s15+$0x10] =	vst v0  }
0x179: {  	v0 =	vld [tilespmem:s16+$0xFFFFFF90];
	p1 =	slt.u32 s11, $0xF0;
	[tilespmem:s15+$0x20] =	vst v1  }
0x17a: {  	v1 =	vld [tilespmem:s16+$0xFFFFFFA0];
	[tilespmem:s15+$0x30] =	vst v2  }
0x17b: {  	v2 =	vld [tilespmem:s16+$0xFFFFFFB0];
	[tilespmem:s15+$0x40] =	vst v3  }
0x17c: {  	v3 =	vld [tilespmem:s16+$0xFFFFFFC0];
	[tilespmem:s15+$0x50] =	vst v4  }
0x17d: {  	v4 =	vld [tilespmem:s16+$0xFFFFFFD0];
	[tilespmem:s15+$0x60] =	vst v5  }
0x17e: {  	v5 =	vld [tilespmem:s16+$0xFFFFFFE0]  }
0x17f: {  	v7 =	vld [tilespmem:s16+$0xFFFFFFF0]  }
0x180: {  	v6 =	vld.idx.msk [tilespmem:v6+s4+$0x0], $0xffff  }
0x181: {  	v8 =	vld [tilespmem:s16+$0x0]  }
0x182: {  	v9 =	vld [tilespmem:s16+$0x10]  }
0x183: {  	v10 =	vld [tilespmem:s16+$0x20]  }
0x184: {  	v11 =	vld [tilespmem:s16+$0x30]  }
0x185: {  	s15 =	sadd.s32 $0x100, s15;
	v12 =	vld [tilespmem:s16+$0x40]  }
0x186: {  	v13 =	vld [tilespmem:s16+$0x50];
	[tilespmem:s15+$0x70] =	vst v6  }
0x187: {  	v6 =	vld [tilespmem:s16+$0x60]  }
0x188: {  	v14 =	vld [tilespmem:s16+$0xFFFFFF80]  }
0x189: {  	v0 =	vld.idx.msk [tilespmem:v0+s4+$0x0], $0xffff  }
0x18a: {  	v1 =	vld.idx.msk [tilespmem:v1+s4+$0x0], $0xffff  }
0x18b: {  	v2 =	vld.idx.msk [tilespmem:v2+s4+$0x0], $0xffff  }
0x18c: {  	v3 =	vld.idx.msk [tilespmem:v3+s4+$0x0], $0xffff  }
0x18d: {  	v4 =	vld.idx.msk [tilespmem:v4+s4+$0x0], $0xffff  }
0x18e: {  	v5 =	vld.idx.msk [tilespmem:v5+s4+$0x0], $0xffff  }
0x18f: {  	[tilespmem:s15+$0xFFFFFF90] =	vst v0;
	v7 =	vld.idx.msk [tilespmem:v7+s4+$0x0], $0xffff  }
0x190: {  	v14 =	vld.idx.msk [tilespmem:v14+s4+$0x0], $0xffff;
	[tilespmem:s15+$0xFFFFFFA0] =	vst v1  }
0x191: {  	[tilespmem:s15+$0xFFFFFFB0] =	vst v2;
	v8 =	vld.idx.msk [tilespmem:v8+s4+$0x0], $0xffff  }
0x192: {  	[tilespmem:s15+$0xFFFFFFC0] =	vst v3;
	v0 =	vld.idx.msk [tilespmem:v9+s4+$0x0], $0xffff  }
.Ltmp4:
0x193: {  	[tilespmem:s15+$0xFFFFFFD0] =	vst v4;
	v1 =	vld.idx.msk [tilespmem:v10+s4+$0x0], $0xffff;
	(pc) =	sbr.rel @p1 .LBB2_11-.Ltmp4, $4  }
0x194: {  	[tilespmem:s15+$0xFFFFFFE0] =	vst v5;
	v2 =	vld.idx.msk [tilespmem:v11+s4+$0x0], $0xffff  }
0x195: {  	[tilespmem:s15+$0xFFFFFFF0] =	vst v7;
	v3 =	vld.idx.msk [tilespmem:v12+s4+$0x0], $0xffff  }
0x196: {  	[tilespmem:s15+$0xFFFFFF80] =	vst v14;
	v4 =	vld.idx.msk [tilespmem:v13+s4+$0x0], $0xffff  }
0x197: {  	s16 =	sadd.s32 $0x100, s16;
	[tilespmem:s15+$0x0] =	vst v8;
	v5 =	vld.idx.msk [tilespmem:v6+s4+$0x0], $0xffff  }
0x198: {  	[tilespmem:s15+$0x10] =	vst v0  }
0x199: {  	[tilespmem:s15+$0x20] =	vst v1  }
0x19a: {  	s11 =	sadd.s32 $0x4000, s10;
	[tilespmem:s15+$0x30] =	vst v2  }
0x19b: {  	s16 =	sadd.s32 s5, s11;
	[tilespmem:s15+$0x40] =	vst v3  }
0x19c: {  	s16 =	sshrl.u32 s16, $0x3;
	[tilespmem:s15+$0x50] =	vst v4  }
0x19d: {  	s16 =	sadd.s32 s2, s16;
	[tilespmem:s15+$0x60] =	vst v5  }
0x19e: {  	[hbm4b:s16+s4] =	stream.linear.scatter [tilespmem:s29], [sflag:$0x3], $0x1000, $0x38;
	[tilespmem:$0x1FF70] =	vst v63  }
0x19f: {  	_ =	swait.ge [sflag:s3], $0x1000  }
0x1a0: {  	[sflag:s3] =	ssyncset.done $0x0  }
0x1a1: {  	s17 =	simm.s32 $0x197F0;
	[sflag:s3] =	ssyncadd.s32 $0xFFFFF000  }
0x1a2: {  	v0 =	vld [tilespmem:s17+$0x0]  }
0x1a3: {  	v1 =	vld [tilespmem:s17+$0xFFFFFF20]  }
0x1a4: {  	v2 =	vld [tilespmem:s17+$0xFFFFFF30]  }
0x1a5: {  	v3 =	vld [tilespmem:s17+$0xFFFFFF40]  }
0x1a6: {  	v4 =	vld [tilespmem:s17+$0xFFFFFF50]  }
0x1a7: {  	v5 =	vld [tilespmem:s17+$0xFFFFFF60]  }
0x1a8: {  	v6 =	vld [tilespmem:s17+$0xFFFFFF70]  }
0x1a9: {  	v7 =	vld [tilespmem:s17+$0xFFFFFF80]  }
0x1aa: {  	v8 =	vld [tilespmem:s17+$0xFFFFFF90]  }
0x1ab: {  	v9 =	vld [tilespmem:s17+$0xFFFFFFA0]  }
0x1ac: {  	v10 =	vld [tilespmem:s17+$0xFFFFFFB0]  }
0x1ad: {  	v11 =	vld [tilespmem:s17+$0xFFFFFFC0]  }
0x1ae: {  	v12 =	vld [tilespmem:s17+$0xFFFFFFD0]  }
0x1af: {  	v13 =	vld [tilespmem:s17+$0xFFFFFFE0]  }
0x1b0: {  	v14 =	vld [tilespmem:s17+$0xFFFFFFF0]  }
0x1b1: {  	v15 =	vld [tilespmem:s17+$0xFFFFFF10]  }
0x1b2: {  	v0 =	vld.idx.msk [tilespmem:v0+s4+$0x0], $0xffff  }
0x1b3: {  	v1 =	vld.idx.msk [tilespmem:v1+s4+$0x0], $0xffff  }
0x1b4: {  	v2 =	vld.idx.msk [tilespmem:v2+s4+$0x0], $0xffff  }
0x1b5: {  	v3 =	vld.idx.msk [tilespmem:v3+s4+$0x0], $0xffff  }
0x1b6: {  	v4 =	vld.idx.msk [tilespmem:v4+s4+$0x0], $0xffff  }
0x1b7: {  	s15 =	simm.s32 $0x1D780;
	v5 =	vld.idx.msk [tilespmem:v5+s4+$0x0], $0xffff  }
0x1b8: {  	v6 =	vld.idx.msk [tilespmem:v6+s4+$0x0], $0xffff;
	[tilespmem:s15+$0x70] =	vst v0  }
0x1b9: {  	v7 =	vld.idx.msk [tilespmem:v7+s4+$0x0], $0xffff;
	[tilespmem:s15+$0xFFFFFF90] =	vst v1  }
0x1ba: {  	v15 =	vld.idx.msk [tilespmem:v15+s4+$0x0], $0xffff;
	[tilespmem:s15+$0xFFFFFFA0] =	vst v2  }
0x1bb: {  	v8 =	vld.idx.msk [tilespmem:v8+s4+$0x0], $0xffff;
	[tilespmem:s15+$0xFFFFFFB0] =	vst v3  }
0x1bc: {  	[tilespmem:s15+$0xFFFFFFC0] =	vst v4;
	v0 =	vld.idx.msk [tilespmem:v9+s4+$0x0], $0xffff  }
0x1bd: {  	[tilespmem:s15+$0xFFFFFFD0] =	vst v5;
	v1 =	vld.idx.msk [tilespmem:v10+s4+$0x0], $0xffff  }
0x1be: {  	[tilespmem:s15+$0xFFFFFFE0] =	vst v6;
	v2 =	vld.idx.msk [tilespmem:v11+s4+$0x0], $0xffff  }
0x1bf: {  	[tilespmem:s15+$0xFFFFFFF0] =	vst v7;
	v3 =	vld.idx.msk [tilespmem:v12+s4+$0x0], $0xffff  }
0x1c0: {  	[tilespmem:s15+$0xFFFFFF80] =	vst v15;
	v4 =	vld.idx.msk [tilespmem:v13+s4+$0x0], $0xffff  }
0x1c1: {  	s16 =	simm.s32 $0x0;
	s17 =	simm.s32 $0x198F0;
	[tilespmem:s15+$0x0] =	vst v8;
	v5 =	vld.idx.msk [tilespmem:v14+s4+$0x0], $0xffff  }
.LBB2_13:
0x1c2: {  	v6 =	vld [tilespmem:s17+$0x0];
	s16 =	sadd.s32 $0x10, s16;
	[tilespmem:s15+$0x10] =	vst v0  }
0x1c3: {  	v0 =	vld [tilespmem:s17+$0xFFFFFF20];
	p1 =	slt.u32 s16, $0xF0;
	[tilespmem:s15+$0x20] =	vst v1  }
0x1c4: {  	v1 =	vld [tilespmem:s17+$0xFFFFFF30];
	[tilespmem:s15+$0x30] =	vst v2  }
0x1c5: {  	v2 =	vld [tilespmem:s17+$0xFFFFFF40];
	[tilespmem:s15+$0x40] =	vst v3  }
0x1c6: {  	v3 =	vld [tilespmem:s17+$0xFFFFFF50];
	[tilespmem:s15+$0x50] =	vst v4  }
0x1c7: {  	v4 =	vld [tilespmem:s17+$0xFFFFFF60];
	[tilespmem:s15+$0x60] =	vst v5  }
0x1c8: {  	v5 =	vld [tilespmem:s17+$0xFFFFFF70]  }
0x1c9: {  	v7 =	vld [tilespmem:s17+$0xFFFFFF80]  }
0x1ca: {  	v6 =	vld.idx.msk [tilespmem:v6+s4+$0x0], $0xffff  }
0x1cb: {  	v8 =	vld [tilespmem:s17+$0xFFFFFF90]  }
0x1cc: {  	v9 =	vld [tilespmem:s17+$0xFFFFFFA0]  }
0x1cd: {  	v10 =	vld [tilespmem:s17+$0xFFFFFFB0]  }
0x1ce: {  	v11 =	vld [tilespmem:s17+$0xFFFFFFC0]  }
0x1cf: {  	s15 =	sadd.s32 $0x100, s15;
	v12 =	vld [tilespmem:s17+$0xFFFFFFD0]  }
0x1d0: {  	v13 =	vld [tilespmem:s17+$0xFFFFFFE0];
	[tilespmem:s15+$0x70] =	vst v6  }
0x1d1: {  	v6 =	vld [tilespmem:s17+$0xFFFFFFF0]  }
0x1d2: {  	v14 =	vld [tilespmem:s17+$0xFFFFFF10]  }
0x1d3: {  	v0 =	vld.idx.msk [tilespmem:v0+s4+$0x0], $0xffff  }
0x1d4: {  	v1 =	vld.idx.msk [tilespmem:v1+s4+$0x0], $0xffff  }
0x1d5: {  	v2 =	vld.idx.msk [tilespmem:v2+s4+$0x0], $0xffff  }
0x1d6: {  	v3 =	vld.idx.msk [tilespmem:v3+s4+$0x0], $0xffff  }
0x1d7: {  	v4 =	vld.idx.msk [tilespmem:v4+s4+$0x0], $0xffff  }
0x1d8: {  	v5 =	vld.idx.msk [tilespmem:v5+s4+$0x0], $0xffff  }
0x1d9: {  	[tilespmem:s15+$0xFFFFFF90] =	vst v0;
	v7 =	vld.idx.msk [tilespmem:v7+s4+$0x0], $0xffff  }
0x1da: {  	v14 =	vld.idx.msk [tilespmem:v14+s4+$0x0], $0xffff;
	[tilespmem:s15+$0xFFFFFFA0] =	vst v1  }
0x1db: {  	[tilespmem:s15+$0xFFFFFFB0] =	vst v2;
	v8 =	vld.idx.msk [tilespmem:v8+s4+$0x0], $0xffff  }
0x1dc: {  	[tilespmem:s15+$0xFFFFFFC0] =	vst v3;
	v0 =	vld.idx.msk [tilespmem:v9+s4+$0x0], $0xffff  }
.Ltmp5:
0x1dd: {  	[tilespmem:s15+$0xFFFFFFD0] =	vst v4;
	v1 =	vld.idx.msk [tilespmem:v10+s4+$0x0], $0xffff;
	(pc) =	sbr.rel @p1 .LBB2_13-.Ltmp5, $4  }
0x1de: {  	[tilespmem:s15+$0xFFFFFFE0] =	vst v5;
	v2 =	vld.idx.msk [tilespmem:v11+s4+$0x0], $0xffff  }
0x1df: {  	[tilespmem:s15+$0xFFFFFFF0] =	vst v7;
	v3 =	vld.idx.msk [tilespmem:v12+s4+$0x0], $0xffff  }
0x1e0: {  	[tilespmem:s15+$0xFFFFFF80] =	vst v14;
	v4 =	vld.idx.msk [tilespmem:v13+s4+$0x0], $0xffff  }
0x1e1: {  	s17 =	sadd.s32 $0x100, s17;
	[tilespmem:s15+$0x0] =	vst v8;
	v5 =	vld.idx.msk [tilespmem:v6+s4+$0x0], $0xffff  }
0x1e2: {  	[tilespmem:s15+$0x10] =	vst v0  }
0x1e3: {  	[tilespmem:s15+$0x20] =	vst v1  }
0x1e4: {  	s9 =	sadd.s32 $0x1, s9;
	[tilespmem:s15+$0x30] =	vst v2  }
0x1e5: {  	s11 =	sadd.s32 s11, s13;
	p1 =	sne.s32 s9, $0xE;
	[tilespmem:s15+$0x40] =	vst v3  }
.Ltmp6:
0x1e6: {  	s10 =	sadd.s32 s10, s14;
	s11 =	sshrl.u32 s11, $0x3;
	[tilespmem:s15+$0x50] =	vst v4;
	(pc) =	sbr.rel @p1 .LBB2_6-.Ltmp6, $4  }
0x1e7: {  	s10 =	sshrl.u32 s10, $0x3;
	s11 =	sadd.s32 s2, s11;
	[tilespmem:s15+$0x60] =	vst v5  }
0x1e8: {  	[hbm4b:s11+s4] =	stream.linear.scatter [tilespmem:s30], [sflag:$0x4], $0x1000, $0x38;
	[tilespmem:$0x1FF70] =	vst v63  }
0x1e9: {  	s10 =	sadd.s32 s1, s10  }
0x1ea: {  	[tilespmem:s23], [sflag:$0x1] =	stream.linear.gather [hbm4b:s10+s4], $0x2000, $0x38;
	[tilespmem:$0x1FF70] =	vst v63  }
0x1eb: {  	_ =	swait.ge [sflag:s31], $0x2000  }
0x1ec: {  	[sflag:s31] =	ssyncset.done $0x0  }
0x1ed: {  	[sflag:s31] =	ssyncadd.s32 $0xFFFFE000  }
0x1ee: {  	_ =	swait.ge [sflag:s0], $0x1000  }
0x1ef: {  	[sflag:s0] =	ssyncset.done $0x0  }
0x1f0: {  	s9 =	simm.s32 $0x1A780;
	[sflag:s0] =	ssyncadd.s32 $0xFFFFF000  }
0x1f1: {  	v0 =	vld [tilespmem:s9+$0x70]  }
0x1f2: {  	v1 =	vld [tilespmem:s9+$0xFFFFFF90]  }
0x1f3: {  	v2 =	vld [tilespmem:s9+$0xFFFFFFA0]  }
0x1f4: {  	v3 =	vld [tilespmem:s9+$0xFFFFFFB0]  }
0x1f5: {  	v4 =	vld [tilespmem:s9+$0xFFFFFFC0]  }
0x1f6: {  	v5 =	vld [tilespmem:s9+$0xFFFFFFD0]  }
0x1f7: {  	v6 =	vld [tilespmem:s9+$0xFFFFFFE0]  }
0x1f8: {  	v7 =	vld [tilespmem:s9+$0xFFFFFFF0]  }
0x1f9: {  	v8 =	vld [tilespmem:s9+$0x0]  }
0x1fa: {  	v9 =	vld [tilespmem:s9+$0x10]  }
0x1fb: {  	v10 =	vld [tilespmem:s9+$0x20]  }
0x1fc: {  	v11 =	vld [tilespmem:s9+$0x30]  }
0x1fd: {  	v12 =	vld [tilespmem:s9+$0x40]  }
0x1fe: {  	v13 =	vld [tilespmem:s9+$0x50]  }
0x1ff: {  	v14 =	vld [tilespmem:s9+$0x60]  }
0x200: {  	v15 =	vld [tilespmem:s9+$0xFFFFFF80]  }
0x201: {  	v0 =	vld.idx.msk [tilespmem:v0+s4+$0x0], $0xffff  }
0x202: {  	v1 =	vld.idx.msk [tilespmem:v1+s4+$0x0], $0xffff  }
0x203: {  	v2 =	vld.idx.msk [tilespmem:v2+s4+$0x0], $0xffff  }
0x204: {  	v3 =	vld.idx.msk [tilespmem:v3+s4+$0x0], $0xffff  }
0x205: {  	v4 =	vld.idx.msk [tilespmem:v4+s4+$0x0], $0xffff  }
0x206: {  	s9 =	simm.s32 $0x1C780;
	v5 =	vld.idx.msk [tilespmem:v5+s4+$0x0], $0xffff  }
0x207: {  	v6 =	vld.idx.msk [tilespmem:v6+s4+$0x0], $0xffff;
	[tilespmem:s9+$0x70] =	vst v0  }
0x208: {  	v7 =	vld.idx.msk [tilespmem:v7+s4+$0x0], $0xffff;
	[tilespmem:s9+$0xFFFFFF90] =	vst v1  }
0x209: {  	v15 =	vld.idx.msk [tilespmem:v15+s4+$0x0], $0xffff;
	[tilespmem:s9+$0xFFFFFFA0] =	vst v2  }
0x20a: {  	v8 =	vld.idx.msk [tilespmem:v8+s4+$0x0], $0xffff;
	[tilespmem:s9+$0xFFFFFFB0] =	vst v3  }
0x20b: {  	[tilespmem:s9+$0xFFFFFFC0] =	vst v4;
	v0 =	vld.idx.msk [tilespmem:v9+s4+$0x0], $0xffff  }
0x20c: {  	[tilespmem:s9+$0xFFFFFFD0] =	vst v5;
	v1 =	vld.idx.msk [tilespmem:v10+s4+$0x0], $0xffff  }
0x20d: {  	[tilespmem:s9+$0xFFFFFFE0] =	vst v6;
	v2 =	vld.idx.msk [tilespmem:v11+s4+$0x0], $0xffff  }
0x20e: {  	[tilespmem:s9+$0xFFFFFFF0] =	vst v7;
	v3 =	vld.idx.msk [tilespmem:v12+s4+$0x0], $0xffff  }
0x20f: {  	[tilespmem:s9+$0xFFFFFF80] =	vst v15;
	v4 =	vld.idx.msk [tilespmem:v13+s4+$0x0], $0xffff  }
0x210: {  	s10 =	simm.s32 $0x0;
	s11 =	simm.s32 $0x1A880;
	[tilespmem:s9+$0x0] =	vst v8;
	v5 =	vld.idx.msk [tilespmem:v14+s4+$0x0], $0xffff  }
.LBB2_16:
0x211: {  	v6 =	vld [tilespmem:s11+$0x70];
	s10 =	sadd.s32 $0x10, s10;
	[tilespmem:s9+$0x10] =	vst v0  }
0x212: {  	v0 =	vld [tilespmem:s11+$0xFFFFFF90];
	p1 =	slt.u32 s10, $0xF0;
	[tilespmem:s9+$0x20] =	vst v1  }
0x213: {  	v1 =	vld [tilespmem:s11+$0xFFFFFFA0];
	[tilespmem:s9+$0x30] =	vst v2  }
0x214: {  	v2 =	vld [tilespmem:s11+$0xFFFFFFB0];
	[tilespmem:s9+$0x40] =	vst v3  }
0x215: {  	v3 =	vld [tilespmem:s11+$0xFFFFFFC0];
	[tilespmem:s9+$0x50] =	vst v4  }
0x216: {  	v4 =	vld [tilespmem:s11+$0xFFFFFFD0];
	[tilespmem:s9+$0x60] =	vst v5  }
0x217: {  	v5 =	vld [tilespmem:s11+$0xFFFFFFE0]  }
0x218: {  	v7 =	vld [tilespmem:s11+$0xFFFFFFF0]  }
0x219: {  	v6 =	vld.idx.msk [tilespmem:v6+s4+$0x0], $0xffff  }
0x21a: {  	v8 =	vld [tilespmem:s11+$0x0]  }
0x21b: {  	v9 =	vld [tilespmem:s11+$0x10]  }
0x21c: {  	v10 =	vld [tilespmem:s11+$0x20]  }
0x21d: {  	v11 =	vld [tilespmem:s11+$0x30]  }
0x21e: {  	s9 =	sadd.s32 $0x100, s9;
	v12 =	vld [tilespmem:s11+$0x40]  }
0x21f: {  	v13 =	vld [tilespmem:s11+$0x50];
	[tilespmem:s9+$0x70] =	vst v6  }
0x220: {  	v6 =	vld [tilespmem:s11+$0x60]  }
0x221: {  	v14 =	vld [tilespmem:s11+$0xFFFFFF80]  }
0x222: {  	v0 =	vld.idx.msk [tilespmem:v0+s4+$0x0], $0xffff  }
0x223: {  	v1 =	vld.idx.msk [tilespmem:v1+s4+$0x0], $0xffff  }
0x224: {  	v2 =	vld.idx.msk [tilespmem:v2+s4+$0x0], $0xffff  }
0x225: {  	v3 =	vld.idx.msk [tilespmem:v3+s4+$0x0], $0xffff  }
0x226: {  	v4 =	vld.idx.msk [tilespmem:v4+s4+$0x0], $0xffff  }
0x227: {  	v5 =	vld.idx.msk [tilespmem:v5+s4+$0x0], $0xffff  }
0x228: {  	[tilespmem:s9+$0xFFFFFF90] =	vst v0;
	v7 =	vld.idx.msk [tilespmem:v7+s4+$0x0], $0xffff  }
0x229: {  	v14 =	vld.idx.msk [tilespmem:v14+s4+$0x0], $0xffff;
	[tilespmem:s9+$0xFFFFFFA0] =	vst v1  }
0x22a: {  	[tilespmem:s9+$0xFFFFFFB0] =	vst v2;
	v8 =	vld.idx.msk [tilespmem:v8+s4+$0x0], $0xffff  }
0x22b: {  	[tilespmem:s9+$0xFFFFFFC0] =	vst v3;
	v0 =	vld.idx.msk [tilespmem:v9+s4+$0x0], $0xffff  }
.Ltmp7:
0x22c: {  	[tilespmem:s9+$0xFFFFFFD0] =	vst v4;
	v1 =	vld.idx.msk [tilespmem:v10+s4+$0x0], $0xffff;
	(pc) =	sbr.rel @p1 .LBB2_16-.Ltmp7, $4  }
0x22d: {  	[tilespmem:s9+$0xFFFFFFE0] =	vst v5;
	v2 =	vld.idx.msk [tilespmem:v11+s4+$0x0], $0xffff  }
0x22e: {  	[tilespmem:s9+$0xFFFFFFF0] =	vst v7;
	v3 =	vld.idx.msk [tilespmem:v12+s4+$0x0], $0xffff  }
0x22f: {  	[tilespmem:s9+$0xFFFFFF80] =	vst v14;
	v4 =	vld.idx.msk [tilespmem:v13+s4+$0x0], $0xffff  }
0x230: {  	s11 =	sadd.s32 $0x100, s11;
	[tilespmem:s9+$0x0] =	vst v8;
	v5 =	vld.idx.msk [tilespmem:v6+s4+$0x0], $0xffff  }
0x231: {  	[tilespmem:s9+$0x10] =	vst v0  }
0x232: {  	[tilespmem:s9+$0x20] =	vst v1  }
0x233: {  	[tilespmem:s9+$0x30] =	vst v2  }
0x234: {  	[tilespmem:s9+$0x40] =	vst v3  }
0x235: {  	[tilespmem:s9+$0x50] =	vst v4  }
0x236: {  	[tilespmem:s9+$0x60] =	vst v5  }
0x237: {  	s9 =	rddreg [dreg:$0x9]  }
0x238: {  	[hbm4b:s9+s4] =	stream.linear.scatter [tilespmem:s29], [sflag:$0x3], $0x1000, $0x38;
	[tilespmem:$0x1FF70] =	vst v63  }
0x239: {  	_ =	swait.ge [sflag:s3], $0x1000  }
0x23a: {  	[sflag:s3] =	ssyncset.done $0x0  }
0x23b: {  	s17 =	simm.s32 $0x1B7F0;
	[sflag:s3] =	ssyncadd.s32 $0xFFFFF000  }
0x23c: {  	v0 =	vld [tilespmem:s17+$0x0]  }
0x23d: {  	v1 =	vld [tilespmem:s17+$0xFFFFFF20]  }
0x23e: {  	v2 =	vld [tilespmem:s17+$0xFFFFFF30]  }
0x23f: {  	v3 =	vld [tilespmem:s17+$0xFFFFFF40]  }
0x240: {  	v4 =	vld [tilespmem:s17+$0xFFFFFF50]  }
0x241: {  	v5 =	vld [tilespmem:s17+$0xFFFFFF60]  }
0x242: {  	v6 =	vld [tilespmem:s17+$0xFFFFFF70]  }
0x243: {  	v7 =	vld [tilespmem:s17+$0xFFFFFF80]  }
0x244: {  	v8 =	vld [tilespmem:s17+$0xFFFFFF90]  }
0x245: {  	v9 =	vld [tilespmem:s17+$0xFFFFFFA0]  }
0x246: {  	v10 =	vld [tilespmem:s17+$0xFFFFFFB0]  }
0x247: {  	v11 =	vld [tilespmem:s17+$0xFFFFFFC0]  }
0x248: {  	v12 =	vld [tilespmem:s17+$0xFFFFFFD0]  }
0x249: {  	v13 =	vld [tilespmem:s17+$0xFFFFFFE0]  }
0x24a: {  	v14 =	vld [tilespmem:s17+$0xFFFFFFF0]  }
0x24b: {  	v15 =	vld [tilespmem:s17+$0xFFFFFF10]  }
0x24c: {  	v0 =	vld.idx.msk [tilespmem:v0+s4+$0x0], $0xffff  }
0x24d: {  	v1 =	vld.idx.msk [tilespmem:v1+s4+$0x0], $0xffff  }
0x24e: {  	v2 =	vld.idx.msk [tilespmem:v2+s4+$0x0], $0xffff  }
0x24f: {  	v3 =	vld.idx.msk [tilespmem:v3+s4+$0x0], $0xffff  }
0x250: {  	v4 =	vld.idx.msk [tilespmem:v4+s4+$0x0], $0xffff  }
0x251: {  	s9 =	simm.s32 $0x1D780;
	v5 =	vld.idx.msk [tilespmem:v5+s4+$0x0], $0xffff  }
0x252: {  	v6 =	vld.idx.msk [tilespmem:v6+s4+$0x0], $0xffff;
	[tilespmem:s9+$0x70] =	vst v0  }
0x253: {  	v7 =	vld.idx.msk [tilespmem:v7+s4+$0x0], $0xffff;
	[tilespmem:s9+$0xFFFFFF90] =	vst v1  }
0x254: {  	v15 =	vld.idx.msk [tilespmem:v15+s4+$0x0], $0xffff;
	[tilespmem:s9+$0xFFFFFFA0] =	vst v2  }
0x255: {  	v8 =	vld.idx.msk [tilespmem:v8+s4+$0x0], $0xffff;
	[tilespmem:s9+$0xFFFFFFB0] =	vst v3  }
0x256: {  	[tilespmem:s9+$0xFFFFFFC0] =	vst v4;
	v0 =	vld.idx.msk [tilespmem:v9+s4+$0x0], $0xffff  }
0x257: {  	[tilespmem:s9+$0xFFFFFFD0] =	vst v5;
	v1 =	vld.idx.msk [tilespmem:v10+s4+$0x0], $0xffff  }
0x258: {  	[tilespmem:s9+$0xFFFFFFE0] =	vst v6;
	v2 =	vld.idx.msk [tilespmem:v11+s4+$0x0], $0xffff  }
0x259: {  	[tilespmem:s9+$0xFFFFFFF0] =	vst v7;
	v3 =	vld.idx.msk [tilespmem:v12+s4+$0x0], $0xffff  }
0x25a: {  	[tilespmem:s9+$0xFFFFFF80] =	vst v15;
	v4 =	vld.idx.msk [tilespmem:v13+s4+$0x0], $0xffff  }
0x25b: {  	s10 =	simm.s32 $0x0;
	s11 =	simm.s32 $0x1B8F0;
	[tilespmem:s9+$0x0] =	vst v8;
	v5 =	vld.idx.msk [tilespmem:v14+s4+$0x0], $0xffff  }
.LBB2_18:
0x25c: {  	v6 =	vld [tilespmem:s11+$0x0];
	s10 =	sadd.s32 $0x10, s10;
	[tilespmem:s9+$0x10] =	vst v0  }
0x25d: {  	v0 =	vld [tilespmem:s11+$0xFFFFFF20];
	p1 =	slt.u32 s10, $0xF0;
	[tilespmem:s9+$0x20] =	vst v1  }
0x25e: {  	v1 =	vld [tilespmem:s11+$0xFFFFFF30];
	[tilespmem:s9+$0x30] =	vst v2  }
0x25f: {  	v2 =	vld [tilespmem:s11+$0xFFFFFF40];
	[tilespmem:s9+$0x40] =	vst v3  }
0x260: {  	v3 =	vld [tilespmem:s11+$0xFFFFFF50];
	[tilespmem:s9+$0x50] =	vst v4  }
0x261: {  	v4 =	vld [tilespmem:s11+$0xFFFFFF60];
	[tilespmem:s9+$0x60] =	vst v5  }
0x262: {  	v5 =	vld [tilespmem:s11+$0xFFFFFF70]  }
0x263: {  	v7 =	vld [tilespmem:s11+$0xFFFFFF80]  }
0x264: {  	v6 =	vld.idx.msk [tilespmem:v6+s4+$0x0], $0xffff  }
0x265: {  	v8 =	vld [tilespmem:s11+$0xFFFFFF90]  }
0x266: {  	v9 =	vld [tilespmem:s11+$0xFFFFFFA0]  }
0x267: {  	v10 =	vld [tilespmem:s11+$0xFFFFFFB0]  }
0x268: {  	v11 =	vld [tilespmem:s11+$0xFFFFFFC0]  }
0x269: {  	s9 =	sadd.s32 $0x100, s9;
	v12 =	vld [tilespmem:s11+$0xFFFFFFD0]  }
0x26a: {  	v13 =	vld [tilespmem:s11+$0xFFFFFFE0];
	[tilespmem:s9+$0x70] =	vst v6  }
0x26b: {  	v6 =	vld [tilespmem:s11+$0xFFFFFFF0]  }
0x26c: {  	v14 =	vld [tilespmem:s11+$0xFFFFFF10]  }
0x26d: {  	v0 =	vld.idx.msk [tilespmem:v0+s4+$0x0], $0xffff  }
0x26e: {  	v1 =	vld.idx.msk [tilespmem:v1+s4+$0x0], $0xffff  }
0x26f: {  	v2 =	vld.idx.msk [tilespmem:v2+s4+$0x0], $0xffff  }
0x270: {  	v3 =	vld.idx.msk [tilespmem:v3+s4+$0x0], $0xffff  }
0x271: {  	v4 =	vld.idx.msk [tilespmem:v4+s4+$0x0], $0xffff  }
0x272: {  	v5 =	vld.idx.msk [tilespmem:v5+s4+$0x0], $0xffff  }
0x273: {  	[tilespmem:s9+$0xFFFFFF90] =	vst v0;
	v7 =	vld.idx.msk [tilespmem:v7+s4+$0x0], $0xffff  }
0x274: {  	v14 =	vld.idx.msk [tilespmem:v14+s4+$0x0], $0xffff;
	[tilespmem:s9+$0xFFFFFFA0] =	vst v1  }
0x275: {  	[tilespmem:s9+$0xFFFFFFB0] =	vst v2;
	v8 =	vld.idx.msk [tilespmem:v8+s4+$0x0], $0xffff  }
0x276: {  	[tilespmem:s9+$0xFFFFFFC0] =	vst v3;
	v0 =	vld.idx.msk [tilespmem:v9+s4+$0x0], $0xffff  }
.Ltmp8:
0x277: {  	[tilespmem:s9+$0xFFFFFFD0] =	vst v4;
	v1 =	vld.idx.msk [tilespmem:v10+s4+$0x0], $0xffff;
	(pc) =	sbr.rel @p1 .LBB2_18-.Ltmp8, $4  }
0x278: {  	[tilespmem:s9+$0xFFFFFFE0] =	vst v5;
	v2 =	vld.idx.msk [tilespmem:v11+s4+$0x0], $0xffff  }
0x279: {  	[tilespmem:s9+$0xFFFFFFF0] =	vst v7;
	v3 =	vld.idx.msk [tilespmem:v12+s4+$0x0], $0xffff  }
0x27a: {  	[tilespmem:s9+$0xFFFFFF80] =	vst v14;
	v4 =	vld.idx.msk [tilespmem:v13+s4+$0x0], $0xffff  }
0x27b: {  	s11 =	sadd.s32 $0x100, s11;
	[tilespmem:s9+$0x0] =	vst v8;
	v5 =	vld.idx.msk [tilespmem:v6+s4+$0x0], $0xffff  }
0x27c: {  	[tilespmem:s9+$0x10] =	vst v0  }
0x27d: {  	[tilespmem:s9+$0x20] =	vst v1  }
0x27e: {  	[tilespmem:s9+$0x30] =	vst v2  }
0x27f: {  	[tilespmem:s9+$0x40] =	vst v3  }
0x280: {  	[tilespmem:s9+$0x50] =	vst v4  }
0x281: {  	[tilespmem:s9+$0x60] =	vst v5  }
0x282: {  	s9 =	rddreg [dreg:$0xa]  }
0x283: {  	[hbm4b:s9+s4] =	stream.linear.scatter [tilespmem:s30], [sflag:$0x4], $0x1000, $0x38;
	[tilespmem:$0x1FF70] =	vst v63  }
0x284: {  	s16 =	rddreg [dreg:$0xb]  }
0x285: {  	[tilespmem:s24], [sflag:$0x2] =	stream.linear.gather [hbm4b:s16+s4], $0x2000, $0x38;
	[tilespmem:$0x1FF70] =	vst v63  }
0x286: {  	_ =	swait.ge [sflag:s28], $0x2000  }
0x287: {  	[sflag:s28] =	ssyncset.done $0x0  }
0x288: {  	[sflag:s28] =	ssyncadd.s32 $0xFFFFE000  }
0x289: {  	_ =	swait.ge [sflag:s0], $0x1000  }
0x28a: {  	[sflag:s0] =	ssyncset.done $0x0  }
0x28b: {  	s17 =	simm.s32 $0x18780;
	[sflag:s0] =	ssyncadd.s32 $0xFFFFF000  }
0x28c: {  	v0 =	vld [tilespmem:s17+$0x70]  }
0x28d: {  	v1 =	vld [tilespmem:s17+$0xFFFFFF90]  }
0x28e: {  	v2 =	vld [tilespmem:s17+$0xFFFFFFA0]  }
0x28f: {  	v3 =	vld [tilespmem:s17+$0xFFFFFFB0]  }
0x290: {  	v4 =	vld [tilespmem:s17+$0xFFFFFFC0]  }
0x291: {  	v5 =	vld [tilespmem:s17+$0xFFFFFFD0]  }
0x292: {  	v6 =	vld [tilespmem:s17+$0xFFFFFFE0]  }
0x293: {  	v7 =	vld [tilespmem:s17+$0xFFFFFFF0]  }
0x294: {  	v8 =	vld [tilespmem:s17+$0x0]  }
0x295: {  	v9 =	vld [tilespmem:s17+$0x10]  }
0x296: {  	v10 =	vld [tilespmem:s17+$0x20]  }
0x297: {  	v11 =	vld [tilespmem:s17+$0x30]  }
0x298: {  	v12 =	vld [tilespmem:s17+$0x40]  }
0x299: {  	v13 =	vld [tilespmem:s17+$0x50]  }
0x29a: {  	v14 =	vld [tilespmem:s17+$0x60]  }
0x29b: {  	v15 =	vld [tilespmem:s17+$0xFFFFFF80]  }
0x29c: {  	v0 =	vld.idx.msk [tilespmem:v0+s4+$0x0], $0xffff  }
0x29d: {  	v1 =	vld.idx.msk [tilespmem:v1+s4+$0x0], $0xffff  }
0x29e: {  	v2 =	vld.idx.msk [tilespmem:v2+s4+$0x0], $0xffff  }
0x29f: {  	v3 =	vld.idx.msk [tilespmem:v3+s4+$0x0], $0xffff  }
0x2a0: {  	v4 =	vld.idx.msk [tilespmem:v4+s4+$0x0], $0xffff  }
0x2a1: {  	s9 =	simm.s32 $0x1C780;
	v5 =	vld.idx.msk [tilespmem:v5+s4+$0x0], $0xffff  }
0x2a2: {  	v6 =	vld.idx.msk [tilespmem:v6+s4+$0x0], $0xffff;
	[tilespmem:s9+$0x70] =	vst v0  }
0x2a3: {  	v7 =	vld.idx.msk [tilespmem:v7+s4+$0x0], $0xffff;
	[tilespmem:s9+$0xFFFFFF90] =	vst v1  }
0x2a4: {  	v15 =	vld.idx.msk [tilespmem:v15+s4+$0x0], $0xffff;
	[tilespmem:s9+$0xFFFFFFA0] =	vst v2  }
0x2a5: {  	v8 =	vld.idx.msk [tilespmem:v8+s4+$0x0], $0xffff;
	[tilespmem:s9+$0xFFFFFFB0] =	vst v3  }
0x2a6: {  	[tilespmem:s9+$0xFFFFFFC0] =	vst v4;
	v0 =	vld.idx.msk [tilespmem:v9+s4+$0x0], $0xffff  }
0x2a7: {  	[tilespmem:s9+$0xFFFFFFD0] =	vst v5;
	v1 =	vld.idx.msk [tilespmem:v10+s4+$0x0], $0xffff  }
0x2a8: {  	[tilespmem:s9+$0xFFFFFFE0] =	vst v6;
	v2 =	vld.idx.msk [tilespmem:v11+s4+$0x0], $0xffff  }
0x2a9: {  	[tilespmem:s9+$0xFFFFFFF0] =	vst v7;
	v3 =	vld.idx.msk [tilespmem:v12+s4+$0x0], $0xffff  }
0x2aa: {  	[tilespmem:s9+$0xFFFFFF80] =	vst v15;
	v4 =	vld.idx.msk [tilespmem:v13+s4+$0x0], $0xffff  }
0x2ab: {  	s10 =	simm.s32 $0x0;
	s11 =	simm.s32 $0x18880;
	[tilespmem:s9+$0x0] =	vst v8;
	v5 =	vld.idx.msk [tilespmem:v14+s4+$0x0], $0xffff  }
.LBB2_20:
0x2ac: {  	v6 =	vld [tilespmem:s11+$0x70];
	s10 =	sadd.s32 $0x10, s10;
	[tilespmem:s9+$0x10] =	vst v0  }
0x2ad: {  	v0 =	vld [tilespmem:s11+$0xFFFFFF90];
	p1 =	slt.u32 s10, $0xF0;
	[tilespmem:s9+$0x20] =	vst v1  }
0x2ae: {  	v1 =	vld [tilespmem:s11+$0xFFFFFFA0];
	[tilespmem:s9+$0x30] =	vst v2  }
0x2af: {  	v2 =	vld [tilespmem:s11+$0xFFFFFFB0];
	[tilespmem:s9+$0x40] =	vst v3  }
0x2b0: {  	v3 =	vld [tilespmem:s11+$0xFFFFFFC0];
	[tilespmem:s9+$0x50] =	vst v4  }
0x2b1: {  	v4 =	vld [tilespmem:s11+$0xFFFFFFD0];
	[tilespmem:s9+$0x60] =	vst v5  }
0x2b2: {  	v5 =	vld [tilespmem:s11+$0xFFFFFFE0]  }
0x2b3: {  	v7 =	vld [tilespmem:s11+$0xFFFFFFF0]  }
0x2b4: {  	v6 =	vld.idx.msk [tilespmem:v6+s4+$0x0], $0xffff  }
0x2b5: {  	v8 =	vld [tilespmem:s11+$0x0]  }
0x2b6: {  	v9 =	vld [tilespmem:s11+$0x10]  }
0x2b7: {  	v10 =	vld [tilespmem:s11+$0x20]  }
0x2b8: {  	v11 =	vld [tilespmem:s11+$0x30]  }
0x2b9: {  	s9 =	sadd.s32 $0x100, s9;
	v12 =	vld [tilespmem:s11+$0x40]  }
0x2ba: {  	v13 =	vld [tilespmem:s11+$0x50];
	[tilespmem:s9+$0x70] =	vst v6  }
0x2bb: {  	v6 =	vld [tilespmem:s11+$0x60]  }
0x2bc: {  	v14 =	vld [tilespmem:s11+$0xFFFFFF80]  }
0x2bd: {  	v0 =	vld.idx.msk [tilespmem:v0+s4+$0x0], $0xffff  }
0x2be: {  	v1 =	vld.idx.msk [tilespmem:v1+s4+$0x0], $0xffff  }
0x2bf: {  	v2 =	vld.idx.msk [tilespmem:v2+s4+$0x0], $0xffff  }
0x2c0: {  	v3 =	vld.idx.msk [tilespmem:v3+s4+$0x0], $0xffff  }
0x2c1: {  	v4 =	vld.idx.msk [tilespmem:v4+s4+$0x0], $0xffff  }
0x2c2: {  	v5 =	vld.idx.msk [tilespmem:v5+s4+$0x0], $0xffff  }
0x2c3: {  	[tilespmem:s9+$0xFFFFFF90] =	vst v0;
	v7 =	vld.idx.msk [tilespmem:v7+s4+$0x0], $0xffff  }
0x2c4: {  	v14 =	vld.idx.msk [tilespmem:v14+s4+$0x0], $0xffff;
	[tilespmem:s9+$0xFFFFFFA0] =	vst v1  }
0x2c5: {  	[tilespmem:s9+$0xFFFFFFB0] =	vst v2;
	v8 =	vld.idx.msk [tilespmem:v8+s4+$0x0], $0xffff  }
0x2c6: {  	[tilespmem:s9+$0xFFFFFFC0] =	vst v3;
	v0 =	vld.idx.msk [tilespmem:v9+s4+$0x0], $0xffff  }
.Ltmp9:
0x2c7: {  	[tilespmem:s9+$0xFFFFFFD0] =	vst v4;
	v1 =	vld.idx.msk [tilespmem:v10+s4+$0x0], $0xffff;
	(pc) =	sbr.rel @p1 .LBB2_20-.Ltmp9, $4  }
0x2c8: {  	[tilespmem:s9+$0xFFFFFFE0] =	vst v5;
	v2 =	vld.idx.msk [tilespmem:v11+s4+$0x0], $0xffff  }
0x2c9: {  	[tilespmem:s9+$0xFFFFFFF0] =	vst v7;
	v3 =	vld.idx.msk [tilespmem:v12+s4+$0x0], $0xffff  }
0x2ca: {  	[tilespmem:s9+$0xFFFFFF80] =	vst v14;
	v4 =	vld.idx.msk [tilespmem:v13+s4+$0x0], $0xffff  }
0x2cb: {  	s11 =	sadd.s32 $0x100, s11;
	[tilespmem:s9+$0x0] =	vst v8;
	v5 =	vld.idx.msk [tilespmem:v6+s4+$0x0], $0xffff  }
0x2cc: {  	[tilespmem:s9+$0x10] =	vst v0  }
0x2cd: {  	[tilespmem:s9+$0x20] =	vst v1  }
0x2ce: {  	[tilespmem:s9+$0x30] =	vst v2  }
0x2cf: {  	[tilespmem:s9+$0x40] =	vst v3  }
0x2d0: {  	[tilespmem:s9+$0x50] =	vst v4  }
0x2d1: {  	[tilespmem:s9+$0x60] =	vst v5  }
0x2d2: {  	[hbm4b:s18+s4] =	stream.linear.scatter [tilespmem:s29], [sflag:$0x3], $0x1000, $0x38;
	[tilespmem:$0x1FF70] =	vst v63  }
0x2d3: {  	_ =	swait.ge [sflag:s3], $0x1000  }
0x2d4: {  	[sflag:s3] =	ssyncset.done $0x0  }
0x2d5: {  	s17 =	simm.s32 $0x197F0;
	[sflag:s3] =	ssyncadd.s32 $0xFFFFF000  }
0x2d6: {  	v0 =	vld [tilespmem:s17+$0x0]  }
0x2d7: {  	v1 =	vld [tilespmem:s17+$0xFFFFFF20]  }
0x2d8: {  	v2 =	vld [tilespmem:s17+$0xFFFFFF30]  }
0x2d9: {  	v3 =	vld [tilespmem:s17+$0xFFFFFF40]  }
0x2da: {  	v4 =	vld [tilespmem:s17+$0xFFFFFF50]  }
0x2db: {  	v5 =	vld [tilespmem:s17+$0xFFFFFF60]  }
0x2dc: {  	v6 =	vld [tilespmem:s17+$0xFFFFFF70]  }
0x2dd: {  	v7 =	vld [tilespmem:s17+$0xFFFFFF80]  }
0x2de: {  	v8 =	vld [tilespmem:s17+$0xFFFFFF90]  }
0x2df: {  	v9 =	vld [tilespmem:s17+$0xFFFFFFA0]  }
0x2e0: {  	v10 =	vld [tilespmem:s17+$0xFFFFFFB0]  }
0x2e1: {  	v11 =	vld [tilespmem:s17+$0xFFFFFFC0]  }
0x2e2: {  	v12 =	vld [tilespmem:s17+$0xFFFFFFD0]  }
0x2e3: {  	v13 =	vld [tilespmem:s17+$0xFFFFFFE0]  }
0x2e4: {  	v14 =	vld [tilespmem:s17+$0xFFFFFFF0]  }
0x2e5: {  	v15 =	vld [tilespmem:s17+$0xFFFFFF10]  }
0x2e6: {  	v0 =	vld.idx.msk [tilespmem:v0+s4+$0x0], $0xffff  }
0x2e7: {  	v1 =	vld.idx.msk [tilespmem:v1+s4+$0x0], $0xffff  }
0x2e8: {  	v2 =	vld.idx.msk [tilespmem:v2+s4+$0x0], $0xffff  }
0x2e9: {  	v3 =	vld.idx.msk [tilespmem:v3+s4+$0x0], $0xffff  }
0x2ea: {  	v4 =	vld.idx.msk [tilespmem:v4+s4+$0x0], $0xffff  }
0x2eb: {  	s9 =	simm.s32 $0x1D780;
	v5 =	vld.idx.msk [tilespmem:v5+s4+$0x0], $0xffff  }
0x2ec: {  	v6 =	vld.idx.msk [tilespmem:v6+s4+$0x0], $0xffff;
	[tilespmem:s9+$0x70] =	vst v0  }
0x2ed: {  	v7 =	vld.idx.msk [tilespmem:v7+s4+$0x0], $0xffff;
	[tilespmem:s9+$0xFFFFFF90] =	vst v1  }
0x2ee: {  	v15 =	vld.idx.msk [tilespmem:v15+s4+$0x0], $0xffff;
	[tilespmem:s9+$0xFFFFFFA0] =	vst v2  }
0x2ef: {  	v8 =	vld.idx.msk [tilespmem:v8+s4+$0x0], $0xffff;
	[tilespmem:s9+$0xFFFFFFB0] =	vst v3  }
0x2f0: {  	[tilespmem:s9+$0xFFFFFFC0] =	vst v4;
	v0 =	vld.idx.msk [tilespmem:v9+s4+$0x0], $0xffff  }
0x2f1: {  	[tilespmem:s9+$0xFFFFFFD0] =	vst v5;
	v1 =	vld.idx.msk [tilespmem:v10+s4+$0x0], $0xffff  }
0x2f2: {  	[tilespmem:s9+$0xFFFFFFE0] =	vst v6;
	v2 =	vld.idx.msk [tilespmem:v11+s4+$0x0], $0xffff  }
0x2f3: {  	[tilespmem:s9+$0xFFFFFFF0] =	vst v7;
	v3 =	vld.idx.msk [tilespmem:v12+s4+$0x0], $0xffff  }
0x2f4: {  	[tilespmem:s9+$0xFFFFFF80] =	vst v15;
	v4 =	vld.idx.msk [tilespmem:v13+s4+$0x0], $0xffff  }
0x2f5: {  	s10 =	simm.s32 $0x0;
	s11 =	simm.s32 $0x198F0;
	[tilespmem:s9+$0x0] =	vst v8;
	v5 =	vld.idx.msk [tilespmem:v14+s4+$0x0], $0xffff  }
.LBB2_22:
0x2f6: {  	v6 =	vld [tilespmem:s11+$0x0];
	s10 =	sadd.s32 $0x10, s10;
	[tilespmem:s9+$0x10] =	vst v0  }
0x2f7: {  	v0 =	vld [tilespmem:s11+$0xFFFFFF20];
	p1 =	slt.u32 s10, $0xF0;
	[tilespmem:s9+$0x20] =	vst v1  }
0x2f8: {  	v1 =	vld [tilespmem:s11+$0xFFFFFF30];
	[tilespmem:s9+$0x30] =	vst v2  }
0x2f9: {  	v2 =	vld [tilespmem:s11+$0xFFFFFF40];
	[tilespmem:s9+$0x40] =	vst v3  }
0x2fa: {  	v3 =	vld [tilespmem:s11+$0xFFFFFF50];
	[tilespmem:s9+$0x50] =	vst v4  }
0x2fb: {  	v4 =	vld [tilespmem:s11+$0xFFFFFF60];
	[tilespmem:s9+$0x60] =	vst v5  }
0x2fc: {  	v5 =	vld [tilespmem:s11+$0xFFFFFF70]  }
0x2fd: {  	v7 =	vld [tilespmem:s11+$0xFFFFFF80]  }
0x2fe: {  	v6 =	vld.idx.msk [tilespmem:v6+s4+$0x0], $0xffff  }
0x2ff: {  	v8 =	vld [tilespmem:s11+$0xFFFFFF90]  }
0x300: {  	v9 =	vld [tilespmem:s11+$0xFFFFFFA0]  }
0x301: {  	v10 =	vld [tilespmem:s11+$0xFFFFFFB0]  }
0x302: {  	v11 =	vld [tilespmem:s11+$0xFFFFFFC0]  }
0x303: {  	s9 =	sadd.s32 $0x100, s9;
	v12 =	vld [tilespmem:s11+$0xFFFFFFD0]  }
0x304: {  	v13 =	vld [tilespmem:s11+$0xFFFFFFE0];
	[tilespmem:s9+$0x70] =	vst v6  }
0x305: {  	v6 =	vld [tilespmem:s11+$0xFFFFFFF0]  }
0x306: {  	v14 =	vld [tilespmem:s11+$0xFFFFFF10]  }
0x307: {  	v0 =	vld.idx.msk [tilespmem:v0+s4+$0x0], $0xffff  }
0x308: {  	v1 =	vld.idx.msk [tilespmem:v1+s4+$0x0], $0xffff  }
0x309: {  	v2 =	vld.idx.msk [tilespmem:v2+s4+$0x0], $0xffff  }
0x30a: {  	v3 =	vld.idx.msk [tilespmem:v3+s4+$0x0], $0xffff  }
0x30b: {  	v4 =	vld.idx.msk [tilespmem:v4+s4+$0x0], $0xffff  }
0x30c: {  	v5 =	vld.idx.msk [tilespmem:v5+s4+$0x0], $0xffff  }
0x30d: {  	[tilespmem:s9+$0xFFFFFF90] =	vst v0;
	v7 =	vld.idx.msk [tilespmem:v7+s4+$0x0], $0xffff  }
0x30e: {  	v14 =	vld.idx.msk [tilespmem:v14+s4+$0x0], $0xffff;
	[tilespmem:s9+$0xFFFFFFA0] =	vst v1  }
0x30f: {  	[tilespmem:s9+$0xFFFFFFB0] =	vst v2;
	v8 =	vld.idx.msk [tilespmem:v8+s4+$0x0], $0xffff  }
0x310: {  	[tilespmem:s9+$0xFFFFFFC0] =	vst v3;
	v0 =	vld.idx.msk [tilespmem:v9+s4+$0x0], $0xffff  }
.Ltmp10:
0x311: {  	[tilespmem:s9+$0xFFFFFFD0] =	vst v4;
	v1 =	vld.idx.msk [tilespmem:v10+s4+$0x0], $0xffff;
	(pc) =	sbr.rel @p1 .LBB2_22-.Ltmp10, $4  }
0x312: {  	[tilespmem:s9+$0xFFFFFFE0] =	vst v5;
	v2 =	vld.idx.msk [tilespmem:v11+s4+$0x0], $0xffff  }
0x313: {  	[tilespmem:s9+$0xFFFFFFF0] =	vst v7;
	v3 =	vld.idx.msk [tilespmem:v12+s4+$0x0], $0xffff  }
0x314: {  	[tilespmem:s9+$0xFFFFFF80] =	vst v14;
	v4 =	vld.idx.msk [tilespmem:v13+s4+$0x0], $0xffff  }
0x315: {  	s11 =	sadd.s32 $0x100, s11;
	[tilespmem:s9+$0x0] =	vst v8;
	v5 =	vld.idx.msk [tilespmem:v6+s4+$0x0], $0xffff  }
0x316: {  	[tilespmem:s9+$0x10] =	vst v0  }
0x317: {  	[tilespmem:s9+$0x20] =	vst v1  }
0x318: {  	[tilespmem:s9+$0x30] =	vst v2  }
0x319: {  	[tilespmem:s9+$0x40] =	vst v3  }
0x31a: {  	[tilespmem:s9+$0x50] =	vst v4  }
0x31b: {  	[tilespmem:s9+$0x60] =	vst v5  }
0x31c: {  	[hbm4b:s19+s4] =	stream.linear.scatter [tilespmem:s30], [sflag:$0x4], $0x1000, $0x38;
	[tilespmem:$0x1FF70] =	vst v63  }
0x31d: {  	_ =	swait.ge [sflag:s31], $0x2000  }
0x31e: {  	[sflag:s31] =	ssyncset.done $0x0  }
0x31f: {  	[sflag:s31] =	ssyncadd.s32 $0xFFFFE000  }
0x320: {  	_ =	swait.ge [sflag:s0], $0x1000  }
0x321: {  	[sflag:s0] =	ssyncset.done $0x0  }
0x322: {  	s17 =	simm.s32 $0x1A780;
	[sflag:s0] =	ssyncadd.s32 $0xFFFFF000  }
0x323: {  	v0 =	vld [tilespmem:s17+$0x70]  }
0x324: {  	v1 =	vld [tilespmem:s17+$0xFFFFFF90]  }
0x325: {  	v2 =	vld [tilespmem:s17+$0xFFFFFFA0]  }
0x326: {  	v3 =	vld [tilespmem:s17+$0xFFFFFFB0]  }
0x327: {  	v4 =	vld [tilespmem:s17+$0xFFFFFFC0]  }
0x328: {  	v5 =	vld [tilespmem:s17+$0xFFFFFFD0]  }
0x329: {  	v6 =	vld [tilespmem:s17+$0xFFFFFFE0]  }
0x32a: {  	v7 =	vld [tilespmem:s17+$0xFFFFFFF0]  }
0x32b: {  	v8 =	vld [tilespmem:s17+$0x0]  }
0x32c: {  	v9 =	vld [tilespmem:s17+$0x10]  }
0x32d: {  	v10 =	vld [tilespmem:s17+$0x20]  }
0x32e: {  	v11 =	vld [tilespmem:s17+$0x30]  }
0x32f: {  	v12 =	vld [tilespmem:s17+$0x40]  }
0x330: {  	v13 =	vld [tilespmem:s17+$0x50]  }
0x331: {  	v14 =	vld [tilespmem:s17+$0x60]  }
0x332: {  	v15 =	vld [tilespmem:s17+$0xFFFFFF80]  }
0x333: {  	v0 =	vld.idx.msk [tilespmem:v0+s4+$0x0], $0xffff  }
0x334: {  	v1 =	vld.idx.msk [tilespmem:v1+s4+$0x0], $0xffff  }
0x335: {  	v2 =	vld.idx.msk [tilespmem:v2+s4+$0x0], $0xffff  }
0x336: {  	v3 =	vld.idx.msk [tilespmem:v3+s4+$0x0], $0xffff  }
0x337: {  	v4 =	vld.idx.msk [tilespmem:v4+s4+$0x0], $0xffff  }
0x338: {  	s9 =	simm.s32 $0x1C780;
	v5 =	vld.idx.msk [tilespmem:v5+s4+$0x0], $0xffff  }
0x339: {  	v6 =	vld.idx.msk [tilespmem:v6+s4+$0x0], $0xffff;
	[tilespmem:s9+$0x70] =	vst v0  }
0x33a: {  	v7 =	vld.idx.msk [tilespmem:v7+s4+$0x0], $0xffff;
	[tilespmem:s9+$0xFFFFFF90] =	vst v1  }
0x33b: {  	v15 =	vld.idx.msk [tilespmem:v15+s4+$0x0], $0xffff;
	[tilespmem:s9+$0xFFFFFFA0] =	vst v2  }
0x33c: {  	v8 =	vld.idx.msk [tilespmem:v8+s4+$0x0], $0xffff;
	[tilespmem:s9+$0xFFFFFFB0] =	vst v3  }
0x33d: {  	[tilespmem:s9+$0xFFFFFFC0] =	vst v4;
	v0 =	vld.idx.msk [tilespmem:v9+s4+$0x0], $0xffff  }
0x33e: {  	[tilespmem:s9+$0xFFFFFFD0] =	vst v5;
	v1 =	vld.idx.msk [tilespmem:v10+s4+$0x0], $0xffff  }
0x33f: {  	[tilespmem:s9+$0xFFFFFFE0] =	vst v6;
	v2 =	vld.idx.msk [tilespmem:v11+s4+$0x0], $0xffff  }
0x340: {  	[tilespmem:s9+$0xFFFFFFF0] =	vst v7;
	v3 =	vld.idx.msk [tilespmem:v12+s4+$0x0], $0xffff  }
0x341: {  	[tilespmem:s9+$0xFFFFFF80] =	vst v15;
	v4 =	vld.idx.msk [tilespmem:v13+s4+$0x0], $0xffff  }
0x342: {  	s10 =	simm.s32 $0x0;
	s11 =	simm.s32 $0x1A880;
	[tilespmem:s9+$0x0] =	vst v8;
	v5 =	vld.idx.msk [tilespmem:v14+s4+$0x0], $0xffff  }
.LBB2_24:
0x343: {  	v6 =	vld [tilespmem:s11+$0x70];
	s10 =	sadd.s32 $0x10, s10;
	[tilespmem:s9+$0x10] =	vst v0  }
0x344: {  	v0 =	vld [tilespmem:s11+$0xFFFFFF90];
	p1 =	slt.u32 s10, $0xF0;
	[tilespmem:s9+$0x20] =	vst v1  }
0x345: {  	v1 =	vld [tilespmem:s11+$0xFFFFFFA0];
	[tilespmem:s9+$0x30] =	vst v2  }
0x346: {  	v2 =	vld [tilespmem:s11+$0xFFFFFFB0];
	[tilespmem:s9+$0x40] =	vst v3  }
0x347: {  	v3 =	vld [tilespmem:s11+$0xFFFFFFC0];
	[tilespmem:s9+$0x50] =	vst v4  }
0x348: {  	v4 =	vld [tilespmem:s11+$0xFFFFFFD0];
	[tilespmem:s9+$0x60] =	vst v5  }
0x349: {  	v5 =	vld [tilespmem:s11+$0xFFFFFFE0]  }
0x34a: {  	v7 =	vld [tilespmem:s11+$0xFFFFFFF0]  }
0x34b: {  	v6 =	vld.idx.msk [tilespmem:v6+s4+$0x0], $0xffff  }
0x34c: {  	v8 =	vld [tilespmem:s11+$0x0]  }
0x34d: {  	v9 =	vld [tilespmem:s11+$0x10]  }
0x34e: {  	v10 =	vld [tilespmem:s11+$0x20]  }
0x34f: {  	v11 =	vld [tilespmem:s11+$0x30]  }
0x350: {  	s9 =	sadd.s32 $0x100, s9;
	v12 =	vld [tilespmem:s11+$0x40]  }
0x351: {  	v13 =	vld [tilespmem:s11+$0x50];
	[tilespmem:s9+$0x70] =	vst v6  }
0x352: {  	v6 =	vld [tilespmem:s11+$0x60]  }
0x353: {  	v14 =	vld [tilespmem:s11+$0xFFFFFF80]  }
0x354: {  	v0 =	vld.idx.msk [tilespmem:v0+s4+$0x0], $0xffff  }
0x355: {  	v1 =	vld.idx.msk [tilespmem:v1+s4+$0x0], $0xffff  }
0x356: {  	v2 =	vld.idx.msk [tilespmem:v2+s4+$0x0], $0xffff  }
0x357: {  	v3 =	vld.idx.msk [tilespmem:v3+s4+$0x0], $0xffff  }
0x358: {  	v4 =	vld.idx.msk [tilespmem:v4+s4+$0x0], $0xffff  }
0x359: {  	v5 =	vld.idx.msk [tilespmem:v5+s4+$0x0], $0xffff  }
0x35a: {  	[tilespmem:s9+$0xFFFFFF90] =	vst v0;
	v7 =	vld.idx.msk [tilespmem:v7+s4+$0x0], $0xffff  }
0x35b: {  	v14 =	vld.idx.msk [tilespmem:v14+s4+$0x0], $0xffff;
	[tilespmem:s9+$0xFFFFFFA0] =	vst v1  }
0x35c: {  	[tilespmem:s9+$0xFFFFFFB0] =	vst v2;
	v8 =	vld.idx.msk [tilespmem:v8+s4+$0x0], $0xffff  }
0x35d: {  	[tilespmem:s9+$0xFFFFFFC0] =	vst v3;
	v0 =	vld.idx.msk [tilespmem:v9+s4+$0x0], $0xffff  }
.Ltmp11:
0x35e: {  	[tilespmem:s9+$0xFFFFFFD0] =	vst v4;
	v1 =	vld.idx.msk [tilespmem:v10+s4+$0x0], $0xffff;
	(pc) =	sbr.rel @p1 .LBB2_24-.Ltmp11, $4  }
0x35f: {  	[tilespmem:s9+$0xFFFFFFE0] =	vst v5;
	v2 =	vld.idx.msk [tilespmem:v11+s4+$0x0], $0xffff  }
0x360: {  	[tilespmem:s9+$0xFFFFFFF0] =	vst v7;
	v3 =	vld.idx.msk [tilespmem:v12+s4+$0x0], $0xffff  }
0x361: {  	[tilespmem:s9+$0xFFFFFF80] =	vst v14;
	v4 =	vld.idx.msk [tilespmem:v13+s4+$0x0], $0xffff  }
0x362: {  	s11 =	sadd.s32 $0x100, s11;
	[tilespmem:s9+$0x0] =	vst v8;
	v5 =	vld.idx.msk [tilespmem:v6+s4+$0x0], $0xffff  }
0x363: {  	[tilespmem:s9+$0x10] =	vst v0  }
0x364: {  	[tilespmem:s9+$0x20] =	vst v1  }
0x365: {  	[tilespmem:s9+$0x30] =	vst v2  }
0x366: {  	[tilespmem:s9+$0x40] =	vst v3  }
0x367: {  	[tilespmem:s9+$0x50] =	vst v4  }
0x368: {  	[tilespmem:s9+$0x60] =	vst v5  }
0x369: {  	[hbm4b:s20+s4] =	stream.linear.scatter [tilespmem:s29], [sflag:$0x3], $0x1000, $0x38;
	[tilespmem:$0x1FF70] =	vst v63  }
0x36a: {  	_ =	swait.ge [sflag:s3], $0x1000  }
0x36b: {  	[sflag:s3] =	ssyncset.done $0x0  }
0x36c: {  	s17 =	simm.s32 $0x1B7F0;
	[sflag:s3] =	ssyncadd.s32 $0xFFFFF000  }
0x36d: {  	v0 =	vld [tilespmem:s17+$0x0]  }
0x36e: {  	v1 =	vld [tilespmem:s17+$0xFFFFFF20]  }
0x36f: {  	v2 =	vld [tilespmem:s17+$0xFFFFFF30]  }
0x370: {  	v3 =	vld [tilespmem:s17+$0xFFFFFF40]  }
0x371: {  	v4 =	vld [tilespmem:s17+$0xFFFFFF50]  }
0x372: {  	v5 =	vld [tilespmem:s17+$0xFFFFFF60]  }
0x373: {  	v6 =	vld [tilespmem:s17+$0xFFFFFF70]  }
0x374: {  	v7 =	vld [tilespmem:s17+$0xFFFFFF80]  }
0x375: {  	v8 =	vld [tilespmem:s17+$0xFFFFFF90]  }
0x376: {  	v9 =	vld [tilespmem:s17+$0xFFFFFFA0]  }
0x377: {  	v10 =	vld [tilespmem:s17+$0xFFFFFFB0]  }
0x378: {  	v11 =	vld [tilespmem:s17+$0xFFFFFFC0]  }
0x379: {  	v12 =	vld [tilespmem:s17+$0xFFFFFFD0]  }
0x37a: {  	v13 =	vld [tilespmem:s17+$0xFFFFFFE0]  }
0x37b: {  	v14 =	vld [tilespmem:s17+$0xFFFFFFF0]  }
0x37c: {  	v15 =	vld [tilespmem:s17+$0xFFFFFF10]  }
0x37d: {  	v0 =	vld.idx.msk [tilespmem:v0+s4+$0x0], $0xffff  }
0x37e: {  	v1 =	vld.idx.msk [tilespmem:v1+s4+$0x0], $0xffff  }
0x37f: {  	v2 =	vld.idx.msk [tilespmem:v2+s4+$0x0], $0xffff  }
0x380: {  	v3 =	vld.idx.msk [tilespmem:v3+s4+$0x0], $0xffff  }
0x381: {  	v4 =	vld.idx.msk [tilespmem:v4+s4+$0x0], $0xffff  }
0x382: {  	s9 =	simm.s32 $0x1D780;
	v5 =	vld.idx.msk [tilespmem:v5+s4+$0x0], $0xffff  }
0x383: {  	v6 =	vld.idx.msk [tilespmem:v6+s4+$0x0], $0xffff;
	[tilespmem:s9+$0x70] =	vst v0  }
0x384: {  	v7 =	vld.idx.msk [tilespmem:v7+s4+$0x0], $0xffff;
	[tilespmem:s9+$0xFFFFFF90] =	vst v1  }
0x385: {  	v15 =	vld.idx.msk [tilespmem:v15+s4+$0x0], $0xffff;
	[tilespmem:s9+$0xFFFFFFA0] =	vst v2  }
0x386: {  	v8 =	vld.idx.msk [tilespmem:v8+s4+$0x0], $0xffff;
	[tilespmem:s9+$0xFFFFFFB0] =	vst v3  }
0x387: {  	[tilespmem:s9+$0xFFFFFFC0] =	vst v4;
	v0 =	vld.idx.msk [tilespmem:v9+s4+$0x0], $0xffff  }
0x388: {  	[tilespmem:s9+$0xFFFFFFD0] =	vst v5;
	v1 =	vld.idx.msk [tilespmem:v10+s4+$0x0], $0xffff  }
0x389: {  	[tilespmem:s9+$0xFFFFFFE0] =	vst v6;
	v2 =	vld.idx.msk [tilespmem:v11+s4+$0x0], $0xffff  }
0x38a: {  	[tilespmem:s9+$0xFFFFFFF0] =	vst v7;
	v3 =	vld.idx.msk [tilespmem:v12+s4+$0x0], $0xffff  }
0x38b: {  	[tilespmem:s9+$0xFFFFFF80] =	vst v15;
	v4 =	vld.idx.msk [tilespmem:v13+s4+$0x0], $0xffff  }
0x38c: {  	s10 =	simm.s32 $0x0;
	s11 =	simm.s32 $0x1B8F0;
	[tilespmem:s9+$0x0] =	vst v8;
	v5 =	vld.idx.msk [tilespmem:v14+s4+$0x0], $0xffff  }
.LBB2_26:
0x38d: {  	v6 =	vld [tilespmem:s11+$0x0];
	s10 =	sadd.s32 $0x10, s10;
	[tilespmem:s9+$0x10] =	vst v0  }
0x38e: {  	v0 =	vld [tilespmem:s11+$0xFFFFFF20];
	p1 =	slt.u32 s10, $0xF0;
	[tilespmem:s9+$0x20] =	vst v1  }
0x38f: {  	v1 =	vld [tilespmem:s11+$0xFFFFFF30];
	[tilespmem:s9+$0x30] =	vst v2  }
0x390: {  	v2 =	vld [tilespmem:s11+$0xFFFFFF40];
	[tilespmem:s9+$0x40] =	vst v3  }
0x391: {  	v3 =	vld [tilespmem:s11+$0xFFFFFF50];
	[tilespmem:s9+$0x50] =	vst v4  }
0x392: {  	v4 =	vld [tilespmem:s11+$0xFFFFFF60];
	[tilespmem:s9+$0x60] =	vst v5  }
0x393: {  	v5 =	vld [tilespmem:s11+$0xFFFFFF70]  }
0x394: {  	v7 =	vld [tilespmem:s11+$0xFFFFFF80]  }
0x395: {  	v6 =	vld.idx.msk [tilespmem:v6+s4+$0x0], $0xffff  }
0x396: {  	v8 =	vld [tilespmem:s11+$0xFFFFFF90]  }
0x397: {  	v9 =	vld [tilespmem:s11+$0xFFFFFFA0]  }
0x398: {  	v10 =	vld [tilespmem:s11+$0xFFFFFFB0]  }
0x399: {  	v11 =	vld [tilespmem:s11+$0xFFFFFFC0]  }
0x39a: {  	s9 =	sadd.s32 $0x100, s9;
	v12 =	vld [tilespmem:s11+$0xFFFFFFD0]  }
0x39b: {  	v13 =	vld [tilespmem:s11+$0xFFFFFFE0];
	[tilespmem:s9+$0x70] =	vst v6  }
0x39c: {  	v6 =	vld [tilespmem:s11+$0xFFFFFFF0]  }
0x39d: {  	v14 =	vld [tilespmem:s11+$0xFFFFFF10]  }
0x39e: {  	v0 =	vld.idx.msk [tilespmem:v0+s4+$0x0], $0xffff  }
0x39f: {  	v1 =	vld.idx.msk [tilespmem:v1+s4+$0x0], $0xffff  }
0x3a0: {  	v2 =	vld.idx.msk [tilespmem:v2+s4+$0x0], $0xffff  }
0x3a1: {  	v3 =	vld.idx.msk [tilespmem:v3+s4+$0x0], $0xffff  }
0x3a2: {  	v4 =	vld.idx.msk [tilespmem:v4+s4+$0x0], $0xffff  }
0x3a3: {  	v5 =	vld.idx.msk [tilespmem:v5+s4+$0x0], $0xffff  }
0x3a4: {  	[tilespmem:s9+$0xFFFFFF90] =	vst v0;
	v7 =	vld.idx.msk [tilespmem:v7+s4+$0x0], $0xffff  }
0x3a5: {  	v14 =	vld.idx.msk [tilespmem:v14+s4+$0x0], $0xffff;
	[tilespmem:s9+$0xFFFFFFA0] =	vst v1  }
0x3a6: {  	[tilespmem:s9+$0xFFFFFFB0] =	vst v2;
	v8 =	vld.idx.msk [tilespmem:v8+s4+$0x0], $0xffff  }
0x3a7: {  	[tilespmem:s9+$0xFFFFFFC0] =	vst v3;
	v0 =	vld.idx.msk [tilespmem:v9+s4+$0x0], $0xffff  }
.Ltmp12:
0x3a8: {  	[tilespmem:s9+$0xFFFFFFD0] =	vst v4;
	v1 =	vld.idx.msk [tilespmem:v10+s4+$0x0], $0xffff;
	(pc) =	sbr.rel @p1 .LBB2_26-.Ltmp12, $4  }
0x3a9: {  	[tilespmem:s9+$0xFFFFFFE0] =	vst v5;
	v2 =	vld.idx.msk [tilespmem:v11+s4+$0x0], $0xffff  }
0x3aa: {  	[tilespmem:s9+$0xFFFFFFF0] =	vst v7;
	v3 =	vld.idx.msk [tilespmem:v12+s4+$0x0], $0xffff  }
0x3ab: {  	[tilespmem:s9+$0xFFFFFF80] =	vst v14;
	v4 =	vld.idx.msk [tilespmem:v13+s4+$0x0], $0xffff  }
0x3ac: {  	s11 =	sadd.s32 $0x100, s11;
	[tilespmem:s9+$0x0] =	vst v8;
	v5 =	vld.idx.msk [tilespmem:v6+s4+$0x0], $0xffff  }
0x3ad: {  	[tilespmem:s9+$0x10] =	vst v0  }
0x3ae: {  	[tilespmem:s9+$0x20] =	vst v1  }
0x3af: {  	[tilespmem:s9+$0x30] =	vst v2  }
0x3b0: {  	[tilespmem:s9+$0x40] =	vst v3  }
0x3b1: {  	[tilespmem:s9+$0x50] =	vst v4  }
0x3b2: {  	s6 =	sadd.s32 $0x1, s6;
	[tilespmem:s9+$0x60] =	vst v5  }
0x3b3: {  	[hbm4b:s21+s4] =	stream.linear.scatter [tilespmem:s30], [sflag:$0x4], $0x1000, $0x38;
	[tilespmem:$0x1FF70] =	vst v63  }
0x3b4: {  	p1 =	sne.s32 s6, s22;
	_ =	swait.ge [sflag:s0], $0x1000  }
.Ltmp13:
0x3b5: {  	[sflag:s0] =	ssyncset.done $0x0;
	(pc) =	sbr.rel @p1 .LBB2_1-.Ltmp13, $4  }
0x3b6: {  	[sflag:s0] =	ssyncadd.s32 $0xFFFFF000  }
0x3b7: {  	_ =	swait.ge [sflag:s3], $0x1000  }
0x3b8: {  	[sflag:s3] =	ssyncset.done $0x0  }
0x3b9: {  	[sflag:s3] =	ssyncadd.s32 $0xFFFFF000  }
0x3ba: {  	_ =	sfence.sel $0x180000  }
0x3bb: {  	[bflag:$0x0] =	sbarrier.arrive $0xFFFF  }
0x3bc: {  	_ =	strace $0x9000004A  }
0x3bd: {  	[bflag:$0x2] =	sbarrier.arrive $0xFFFF  }
0x3be: {  	s0 =	rddreg [dreg:$0x4]  }
0x3bf: {  	s0 =	sadd.s32 @!p0 $0x100000, s0  }
0x3c0: {  	[sflag:s0] =	ssyncadd.tile.s32 @!p0 $0x1;
	_ =	shalt  }
.Lfunc_end2:
_tile_overlayer_lowered:
.L_overlay_start_2:
0x3c1: {  	(tag) =	ssettag $0x2  }
0x3c2: {  	s0 =	rddreg [dreg:$0x0];
	s2 =	stileid.u32  }
0x3c3: {  	s1 =	rddreg [dreg:$0x1];
	p0 =	sne.s32 s2, $0x0  }
0x3c4: {  	s3 =	rddreg [dreg:$0x2];
	[bflag:$0x3] =	sbarrier.arrive $0xFFFF;
	s2 =	simm.s32 @!p0 $0x1C05  }
0x3c5: {  	[timem:s3], [sflag:s2] =	dma.local @!p0 [hbm:s0], s1  }
0x3c6: {  	s0 =	simm.s32 @!p0 $0x5  }
0x3c7: {  	_ =	swait.ge @!p0 [sflag:s0], s1  }
0x3c8: {  	s1 =	ssub.s32 @!p0 $0x0, s1;
	[sflag:s0] =	ssyncset.done @!p0 $0x0  }
0x3c9: {  	[sflag:s0] =	ssyncadd.s32 @!p0 s1  }
0x3ca: {  	[bflag:$0x3] =	sbarrier.arrive $0xFFFF  }
0x3cb: {  	_ =	shalt  }

</sc_bundles>
